<compile_context>
chip_gen: v7x
topology: tpu7x:2x2x1
jax: 0.10.2.dev20260603
libtpu: 0.0.44.dev20260713+nightly
codegen_flags: <defaults>
</compile_context>

<pallas_src>
import functools

import jax
import jax.numpy as jnp
from jax import lax
from jax.experimental import pallas as pl
from jax.experimental.pallas import tpu as pltpu
from jax.experimental.pallas import tpu_sc as plsc

NC = 2
NS = 16
NW = NC * NS

_K = 112


def _deg_partials(dst, ones_k, n):
    e = dst.shape[0] - 2 * _K
    nfull = -(-e // _K)
    cbase = nfull // NW
    cextra = nfull % NW
    cmax = cbase + (1 if cextra else 0)
    mesh = plsc.VectorSubcoreMesh(core_axis_name="c", subcore_axis_name="s")

    rpt = -(-(n + 8) // NS // 8) * 8
    npad = NS * rpt
    rfull = rpt // _K
    rrem = rpt - rfull * _K

    @functools.partial(
        pl.kernel,
        out_type=[jax.ShapeDtypeStruct((npad,), jnp.float32)] * NC,
        mesh=mesh,
        scratch_types=[
            pltpu.VMEM((cmax * _K,), jnp.int32),
            pltpu.VMEM((_K,), jnp.int32),
            pltpu.VMEM((_K,), jnp.int32),
            pltpu.VMEM((_K,), jnp.float32),
            pltpu.VMEM((_K,), jnp.float32),
            pltpu.VMEM_SHARED((npad,), jnp.float32),
            pltpu.SemaphoreType.DMA,
            pltpu.SemaphoreType.DMA,
        ],
    )
    def body(dst_hbm, ones_hbm, out0_hbm, out1_hbm,
             didx_all, didx0, didx1, ones_v, zbuf, accum, ssem0, ssem1):
        c = lax.axis_index("c")
        s = lax.axis_index("s")
        wid = s * NC + c
        pltpu.sync_copy(ones_hbm, ones_v)

        for j in range(_K // 16):
            zbuf[pl.ds(j * 16, 16)] = jnp.zeros((16,), jnp.float32)
        for r in range(rfull):
            pltpu.sync_copy(zbuf, accum.at[pl.ds(s * rpt + r * _K, _K)])
        if rrem:
            pltpu.sync_copy(zbuf.at[pl.ds(0, rrem)],
                            accum.at[pl.ds(s * rpt + rfull * _K, rrem)])

        plsc.subcore_barrier()
        count = cbase + jnp.where(wid < cextra, 1, 0)
        start = wid * cbase + jnp.minimum(wid, cextra)
        base = start * _K
        pltpu.sync_copy(dst_hbm.at[pl.ds(base, cmax * _K)], didx_all)

        def stage_didx(i, didx_b):
            for j in range(_K // 16):
                didx_b[pl.ds(j * 16, 16)] = didx_all[pl.ds(i * _K + j * 16, 16)]

        def do_chunk(i, didx_b, ssem_b):
            @pl.when(i >= 2)
            def _free():
                pltpu.make_async_copy(ones_v, accum.at[didx_b], ssem_b).wait()

            stage_didx(i, didx_b)
            pltpu.async_copy(ones_v, accum.at[didx_b], ssem_b, add=True)

        @pl.loop(0, cmax)
        def _chunk(i):
            @pl.when((i < count) & (i % 2 == 0))
            def _even():
                do_chunk(i, didx0, ssem0)

            @pl.when((i < count) & (i % 2 == 1))
            def _odd():
                do_chunk(i, didx1, ssem1)

        pltpu.make_async_copy(ones_v, accum.at[didx0], ssem0).wait()
        pltpu.make_async_copy(ones_v, accum.at[didx1], ssem1).wait()
        plsc.subcore_barrier()

        @pl.when((s == 0) & (c == 0))
        def _flush0():
            pltpu.sync_copy(accum, out0_hbm)

        @pl.when((s == 0) & (c == 1))
        def _flush1():
            pltpu.sync_copy(accum, out1_hbm)

    return body(dst, ones_k)


def _agg_partials(hp, src, dst):
    n, d = hp.shape
    e = src.shape[0] - 2 * _K
    nfull = -(-e // _K)
    cbase = nfull // NW
    cextra = nfull % NW
    cmax = cbase + (1 if cextra else 0)
    mesh = plsc.VectorSubcoreMesh(core_axis_name="c", subcore_axis_name="s")

    rpt = -(-(n + 8) // NS // 8) * 8
    npad = NS * rpt
    rfull = rpt // _K
    rrem = rpt - rfull * _K

    @functools.partial(
        pl.kernel,
        out_type=jax.ShapeDtypeStruct((NC, npad, d), jnp.float32),
        mesh=mesh,
        scratch_types=[
            pltpu.VMEM((cmax * _K,), jnp.int32),
            pltpu.VMEM((cmax * _K,), jnp.int32),
            pltpu.VMEM((_K,), jnp.int32),
            pltpu.VMEM((_K,), jnp.int32),
            pltpu.VMEM((_K, d), jnp.float32),
            pltpu.VMEM((_K, d), jnp.float32),
            pltpu.VMEM_SHARED((npad, d), jnp.float32),
            pltpu.SemaphoreType.DMA,
            pltpu.SemaphoreType.DMA,
            pltpu.SemaphoreType.DMA,
            pltpu.SemaphoreType.DMA,
        ],
    )
    def body(hp_hbm, src_hbm, dst_hbm, out_hbm,
             sidx_all, didx_all, didx0, didx1, rows0, rows1, accum,
             gsem0, gsem1, ssem0, ssem1):
        c = lax.axis_index("c")
        s = lax.axis_index("s")
        wid = s * NC + c

        @pl.loop(0, _K)
        def _zfill(i):
            for j in range(d // 16):
                rows0[i, pl.ds(j * 16, 16)] = jnp.zeros((16,), jnp.float32)
        for r in range(rfull):
            pltpu.sync_copy(rows0, accum.at[pl.ds(s * rpt + r * _K, _K)])
        if rrem:
            pltpu.sync_copy(rows0.at[pl.ds(0, rrem)],
                            accum.at[pl.ds(s * rpt + rfull * _K, rrem)])

        count = cbase + jnp.where(wid < cextra, 1, 0)
        start = wid * cbase + jnp.minimum(wid, cextra)
        base = start * _K
        pltpu.sync_copy(src_hbm.at[pl.ds(base, cmax * _K)], sidx_all)
        pltpu.sync_copy(dst_hbm.at[pl.ds(base, cmax * _K)], didx_all)
        plsc.subcore_barrier()

        def stage_didx(i, didx_b):
            for j in range(_K // 16):
                didx_b[pl.ds(j * 16, 16)] = didx_all[pl.ds(i * _K + j * 16, 16)]

        def issue(i, didx_b, rows_b, gsem_b, ssem_b):
            @pl.when(i >= 2)
            def _free():
                pltpu.make_async_copy(rows_b, accum.at[didx_b], ssem_b).wait()

            stage_didx(i, didx_b)
            pltpu.async_copy(hp_hbm.at[sidx_all.at[pl.ds(i * _K, _K)]],
                             rows_b, gsem_b)

        def complete(i, didx_b, rows_b, gsem_b, ssem_b):
            pltpu.make_async_copy(hp_hbm.at[sidx_all.at[pl.ds(i * _K, _K)]],
                                  rows_b, gsem_b).wait()
            pltpu.async_copy(rows_b, accum.at[didx_b], ssem_b, add=True)

        @pl.loop(0, cmax + 1)
        def _chunk(i):
            @pl.when((i < count) & (i % 2 == 0))
            def _issue_even():
                issue(i, didx0, rows0, gsem0, ssem0)

            @pl.when((i < count) & (i % 2 == 1))
            def _issue_odd():
                issue(i, didx1, rows1, gsem1, ssem1)

            @pl.when((i >= 1) & (i <= count) & (i % 2 == 1))
            def _complete_even():
                complete(i - 1, didx0, rows0, gsem0, ssem0)

            @pl.when((i >= 1) & (i <= count) & (i % 2 == 0))
            def _complete_odd():
                complete(i - 1, didx1, rows1, gsem1, ssem1)

        pltpu.make_async_copy(rows0, accum.at[didx0], ssem0).wait()
        pltpu.make_async_copy(rows1, accum.at[didx1], ssem1).wait()
        plsc.subcore_barrier()

        @pl.when(s == 0)
        def _flush():
            pltpu.sync_copy(accum, out_hbm.at[c])

    return body(hp, src, dst)


def _dis_from(d0_ref, d1_ref):
    deg = 1.0 + d0_ref[...] + d1_ref[...]
    return lax.rsqrt(deg)


_BN = 2000


def _scaled_matmul(dp, x, w):
    n, d = x.shape
    h = w.shape[1]
    npad = dp[0].shape[0]

    def body(d0_ref, d1_ref, x_ref, w_ref, o_ref, db_ref):
        deg = 1.0 + d0_ref[...] + d1_ref[...]
        dis2 = lax.rsqrt(jnp.reshape(deg, (npad, 1)))
        dis = dis2[:n, :]
        hm = jnp.dot(x_ref[...], w_ref[...],
                     preferred_element_type=jnp.float32,
                     precision=lax.Precision.HIGHEST)
        o_ref[...] = hm * dis
        db_ref[...] = jnp.broadcast_to(dis, (n, h))

    return pl.pallas_call(
        body,
        in_specs=[
            pl.BlockSpec((npad,), lambda: (0,)),
            pl.BlockSpec((npad,), lambda: (0,)),
            pl.BlockSpec((n, d), lambda: (0, 0)),
            pl.BlockSpec((d, h), lambda: (0, 0)),
        ],
        out_specs=[pl.BlockSpec((n, h), lambda: (0, 0)),
                   pl.BlockSpec((n, h), lambda: (0, 0))],
        out_shape=[jax.ShapeDtypeStruct((n, h), jnp.float32),
                   jax.ShapeDtypeStruct((n, h), jnp.float32)],
    )(dp[0], dp[1], x, w)


def _mid_layer(aggp, hp, disb, b, w):
    n, d = hp.shape
    h = w.shape[1]

    npad = aggp.shape[1]

    def body(agg_ref, hp_ref, db_ref, b_ref, w_ref, o_ref):
        dis = db_ref[...]
        a = agg_ref[...]
        tot = a[0, :n] + a[1, :n] + hp_ref[...]
        x = jnp.maximum(tot * dis + b_ref[...], 0.0)
        hm = jnp.dot(x, w_ref[...],
                     preferred_element_type=jnp.float32,
                     precision=lax.Precision.HIGHEST)
        o_ref[...] = hm * dis

    return pl.pallas_call(
        body,
        in_specs=[
            pl.BlockSpec((NC, npad, d), lambda: (0, 0, 0)),
            pl.BlockSpec((n, d), lambda: (0, 0)),
            pl.BlockSpec((n, d), lambda: (0, 0)),
            pl.BlockSpec((1, d), lambda: (0, 0)),
            pl.BlockSpec((d, h), lambda: (0, 0)),
        ],
        out_specs=pl.BlockSpec((n, h), lambda: (0, 0)),
        out_shape=jax.ShapeDtypeStruct((n, h), jnp.float32),
    )(aggp, hp, disb, b, w)


def _final_layer(aggp, hp, disb, b):
    n, d = hp.shape

    npad = aggp.shape[1]

    def body(agg_ref, hp_ref, db_ref, b_ref, o_ref):
        dis = db_ref[...]
        a = agg_ref[...]
        tot = a[0, :n] + a[1, :n] + hp_ref[...]
        x = jnp.maximum(tot * dis + b_ref[...], 0.0)
        o_ref[...] = jnp.max(x, axis=0, keepdims=True)

    return pl.pallas_call(
        body,
        in_specs=[
            pl.BlockSpec((NC, npad, d), lambda: (0, 0, 0)),
            pl.BlockSpec((n, d), lambda: (0, 0)),
            pl.BlockSpec((n, d), lambda: (0, 0)),
            pl.BlockSpec((1, d), lambda: (0, 0)),
        ],
        out_specs=pl.BlockSpec((1, d), lambda: (0, 0)),
        out_shape=jax.ShapeDtypeStruct((1, d), jnp.float32),
    )(aggp, hp, disb, b)


def kernel(features, edge_index, edge_attr, W1, b1, W2, b2):
    n, d = features.shape
    e = edge_index.shape[1]
    assert n % _BN == 0
    dst = jnp.pad(edge_index[1], (0, 2 * _K),
                  constant_values=n)
    src = jnp.pad(lax.optimization_barrier(edge_index)[0],
                  (0, 2 * _K))
    ones_k = jnp.ones((_K,), jnp.float32)
    b1r = b1.reshape(1, -1)
    b2r = b2.reshape(1, -1)

    dp = _deg_partials(dst, ones_k, n)
    h1p, disb = _scaled_matmul(dp, features, W1)
    agg1 = _agg_partials(h1p, src, dst)
    h2p = _mid_layer(agg1, h1p, disb, b1r, W2)
    agg2 = _agg_partials(h2p, src, dst)
    return _final_layer(agg2, h2p, disb, b2r)

# --- scband reference (transcript-rebuilt; emitter-appended) ---
"""Pipeline reference for scband-gnn-23072564314645 (READ-ONLY COPY).

The authoritative reference and input builder live on the scoring server;
editing this copy changes nothing except your own understanding.
"""

import jax, jax.numpy as jnp
import numpy as np

N = 10000
E = 320000
D = 128
H = 128


def setup_inputs(seed: int = 0) -> dict:
    key = jax.random.key(seed)
    k1, k2, k3, k4, k5, k6, k7 = jax.random.split(key, 7)
    features = jax.random.normal(k1, (N, D), dtype=jnp.float32)
    edge_index = jax.random.randint(k2, (2, E), 0, N)
    edge_attr = jax.random.normal(k3, (E, 4), dtype=jnp.float32)
    W1 = jax.random.normal(k4, (D, H), dtype=jnp.float32) * 0.05
    b1 = jnp.zeros((H,), dtype=jnp.float32)
    W2 = jax.random.normal(k5, (H, H), dtype=jnp.float32) * 0.05
    b2 = jnp.zeros((H,), dtype=jnp.float32)
    return {"features": features, "edge_index": edge_index, "edge_attr": edge_attr,
            "W1": W1, "b1": b1, "W2": W2, "b2": b2}


def _gcn_layer(x, src, dst, norm, W, b):
    # PyG GCNConv: linear transform, normalized scatter-add aggregation, then bias
    h = x @ W
    msg = h[src] * norm[:, None]
    out = jax.ops.segment_sum(msg, dst, num_segments=N)
    return out + b


def reference(features, edge_index, edge_attr, W1, b1, W2, b2):
    # edge_attr is accepted by the torch forward but unused for GCNConv layers
    src = edge_index[0]
    dst = edge_index[1]
    # GCNConv default: add self loops, symmetric normalization
    loop = jnp.arange(N, dtype=src.dtype)
    src_full = jnp.concatenate([src, loop])
    dst_full = jnp.concatenate([dst, loop])
    ones = jnp.ones((src_full.shape[0],), dtype=features.dtype)
    deg = jax.ops.segment_sum(ones, dst_full, num_segments=N)
    deg_inv_sqrt = jnp.where(deg > 0, jax.lax.rsqrt(deg), 0.0)
    norm = deg_inv_sqrt[src_full] * deg_inv_sqrt[dst_full]
    x = jax.nn.relu(_gcn_layer(features, src_full, dst_full, norm, W1, b1))
    x = jax.nn.relu(_gcn_layer(x, src_full, dst_full, norm, W2, b2))
    # global_max_pool with batch = all zeros -> max over all nodes -> [1, H]
    out = jnp.max(x, axis=0, keepdims=True)
    return out

if __name__ == "__main__":
    import jax
    _d = setup_inputs()
    print(jax.jit(kernel)(*tuple(_d.values())))

</pallas_src>

<mosaic_0001>
#map = affine_map<(d0, d1) -> (0, 0)>
#map1 = affine_map<(d0, d1) -> (0)>
#map2 = affine_map<(d0, d1) -> (0, 0, 0)>
module attributes {stable_mosaic.version = 14 : i64} {
  func.func @body(%arg0: i32, %arg1: i32, %arg2: memref<10000x128xf32, #tpu.memory_space<hbm>>, %arg3: memref<320224xi32, #tpu.memory_space<hbm>>, %arg4: memref<320224xi32, #tpu.memory_space<hbm>>, %arg5: memref<2x10112x128xf32, #tpu.memory_space<hbm>>, %arg6: memref<10080xi32, #tpu.memory_space<vmem>>, %arg7: memref<10080xi32, #tpu.memory_space<vmem>>, %arg8: memref<112xi32, #tpu.memory_space<vmem>>, %arg9: memref<112xi32, #tpu.memory_space<vmem>>, %arg10: memref<112x128xf32, #tpu.memory_space<vmem>>, %arg11: memref<112x128xf32, #tpu.memory_space<vmem>>, %arg12: memref<10112x128xf32, #tpu.memory_space<vmem_shared>>, %arg13: memref<!tpu.dma_semaphore, #tpu.memory_space<semaphore_mem>>, %arg14: memref<!tpu.dma_semaphore, #tpu.memory_space<semaphore_mem>>, %arg15: memref<!tpu.dma_semaphore, #tpu.memory_space<semaphore_mem>>, %arg16: memref<!tpu.dma_semaphore, #tpu.memory_space<semaphore_mem>>) attributes {dimension_semantics = [#tpu.dimension_semantics<core_parallel>, #tpu.dimension_semantics<subcore_parallel>], iteration_bounds = array<i64: 2, 16>, scalar_prefetch = 0 : i64, scratch_operands = 11 : i64, tpu.core_type = #tpu.core_type<sc_vector_subcore>, window_params = [{transform_indices = #map}, {transform_indices = #map1}, {transform_indices = #map1}, {transform_indices = #map2}]} {
    %mul3A = arith.constant 2 : i32
    %mul3A_0 = arith.muli %arg1, %mul3A : i32
    %add3A = arith.addi %mul3A_0, %arg0 : i32
    %scan3A = arith.constant 0 : i32
    %scan3A_1 = arith.constant 112 : i32
    %scan3A_2 = arith.addi %scan3A, %scan3A_1 : i32
    %scan3A_3 = arith.constant 1 : i32
    scf.for %scan3A_52 = %scan3A to %scan3A_2 step %scan3A_3  : i32 {
      %mul3A_53 = arith.constant 1 : i32
      %mul3A_54 = arith.muli %scan3A_52, %mul3A_53 : i32
      %add3A_55 = arith.constant 0 : i32
      %add3A_56 = arith.addi %add3A_55, %mul3A_54 : i32
      %broadcast_in_dim3A = arith.constant 0.000000e+00 : f32
      %broadcast_in_dim3A_57 = vector.broadcast %broadcast_in_dim3A : f32 to vector<16xf32>
      %swap3A = arith.index_cast %add3A_56 : i32 to index
      %swap3A_58 = arith.constant 0 : index
      %swap3A_59 = tpu.vector_load %arg10[%swap3A, %swap3A_58] {strides = array<i32>} : memref<112x128xf32, #tpu.memory_space<vmem>>, vector<1x16xf32>,
      %swap3A_60 = vector.shape_cast %swap3A_59 : vector<1x16xf32> to vector<16xf32>
      %swap3A_61 = vector.shape_cast %broadcast_in_dim3A_57 : vector<16xf32> to vector<1x16xf32>
      tpu.vector_store %arg10[%swap3A, %swap3A_58], %swap3A_61 {strides = array<i32>} : memref<112x128xf32, #tpu.memory_space<vmem>>, vector<1x16xf32>,
      %broadcast_in_dim3A_62 = arith.constant 0.000000e+00 : f32
      %broadcast_in_dim3A_63 = vector.broadcast %broadcast_in_dim3A_62 : f32 to vector<16xf32>
      %swap3A_64 = arith.index_cast %add3A_56 : i32 to index
      %swap3A_65 = arith.constant 16 : index
      %swap3A_66 = tpu.vector_load %arg10[%swap3A_64, %swap3A_65] {strides = array<i32>} : memref<112x128xf32, #tpu.memory_space<vmem>>, vector<1x16xf32>,
      %swap3A_67 = vector.shape_cast %swap3A_66 : vector<1x16xf32> to vector<16xf32>
      %swap3A_68 = vector.shape_cast %broadcast_in_dim3A_63 : vector<16xf32> to vector<1x16xf32>
      tpu.vector_store %arg10[%swap3A_64, %swap3A_65], %swap3A_68 {strides = array<i32>} : memref<112x128xf32, #tpu.memory_space<vmem>>, vector<1x16xf32>,
      %broadcast_in_dim3A_69 = arith.constant 0.000000e+00 : f32
      %broadcast_in_dim3A_70 = vector.broadcast %broadcast_in_dim3A_69 : f32 to vector<16xf32>
      %swap3A_71 = arith.index_cast %add3A_56 : i32 to index
      %swap3A_72 = arith.constant 32 : index
      %swap3A_73 = tpu.vector_load %arg10[%swap3A_71, %swap3A_72] {strides = array<i32>} : memref<112x128xf32, #tpu.memory_space<vmem>>, vector<1x16xf32>,
      %swap3A_74 = vector.shape_cast %swap3A_73 : vector<1x16xf32> to vector<16xf32>
      %swap3A_75 = vector.shape_cast %broadcast_in_dim3A_70 : vector<16xf32> to vector<1x16xf32>
      tpu.vector_store %arg10[%swap3A_71, %swap3A_72], %swap3A_75 {strides = array<i32>} : memref<112x128xf32, #tpu.memory_space<vmem>>, vector<1x16xf32>,
      %broadcast_in_dim3A_76 = arith.constant 0.000000e+00 : f32
      %broadcast_in_dim3A_77 = vector.broadcast %broadcast_in_dim3A_76 : f32 to vector<16xf32>
      %swap3A_78 = arith.index_cast %add3A_56 : i32 to index
      %swap3A_79 = arith.constant 48 : index
      %swap3A_80 = tpu.vector_load %arg10[%swap3A_78, %swap3A_79] {strides = array<i32>} : memref<112x128xf32, #tpu.memory_space<vmem>>, vector<1x16xf32>,
      %swap3A_81 = vector.shape_cast %swap3A_80 : vector<1x16xf32> to vector<16xf32>
      %swap3A_82 = vector.shape_cast %broadcast_in_dim3A_77 : vector<16xf32> to vector<1x16xf32>
      tpu.vector_store %arg10[%swap3A_78, %swap3A_79], %swap3A_82 {strides = array<i32>} : memref<112x128xf32, #tpu.memory_space<vmem>>, vector<1x16xf32>,
      %broadcast_in_dim3A_83 = arith.constant 0.000000e+00 : f32
      %broadcast_in_dim3A_84 = vector.broadcast %broadcast_in_dim3A_83 : f32 to vector<16xf32>
      %swap3A_85 = arith.index_cast %add3A_56 : i32 to index
      %swap3A_86 = arith.constant 64 : index
      %swap3A_87 = tpu.vector_load %arg10[%swap3A_85, %swap3A_86] {strides = array<i32>} : memref<112x128xf32, #tpu.memory_space<vmem>>, vector<1x16xf32>,
      %swap3A_88 = vector.shape_cast %swap3A_87 : vector<1x16xf32> to vector<16xf32>
      %swap3A_89 = vector.shape_cast %broadcast_in_dim3A_84 : vector<16xf32> to vector<1x16xf32>
      tpu.vector_store %arg10[%swap3A_85, %swap3A_86], %swap3A_89 {strides = array<i32>} : memref<112x128xf32, #tpu.memory_space<vmem>>, vector<1x16xf32>,
      %broadcast_in_dim3A_90 = arith.constant 0.000000e+00 : f32
      %broadcast_in_dim3A_91 = vector.broadcast %broadcast_in_dim3A_90 : f32 to vector<16xf32>
      %swap3A_92 = arith.index_cast %add3A_56 : i32 to index
      %swap3A_93 = arith.constant 80 : index
      %swap3A_94 = tpu.vector_load %arg10[%swap3A_92, %swap3A_93] {strides = array<i32>} : memref<112x128xf32, #tpu.memory_space<vmem>>, vector<1x16xf32>,
      %swap3A_95 = vector.shape_cast %swap3A_94 : vector<1x16xf32> to vector<16xf32>
      %swap3A_96 = vector.shape_cast %broadcast_in_dim3A_91 : vector<16xf32> to vector<1x16xf32>
      tpu.vector_store %arg10[%swap3A_92, %swap3A_93], %swap3A_96 {strides = array<i32>} : memref<112x128xf32, #tpu.memory_space<vmem>>, vector<1x16xf32>,
      %broadcast_in_dim3A_97 = arith.constant 0.000000e+00 : f32
      %broadcast_in_dim3A_98 = vector.broadcast %broadcast_in_dim3A_97 : f32 to vector<16xf32>
      %swap3A_99 = arith.index_cast %add3A_56 : i32 to index
      %swap3A_100 = arith.constant 96 : index
      %swap3A_101 = tpu.vector_load %arg10[%swap3A_99, %swap3A_100] {strides = array<i32>} : memref<112x128xf32, #tpu.memory_space<vmem>>, vector<1x16xf32>,
      %swap3A_102 = vector.shape_cast %swap3A_101 : vector<1x16xf32> to vector<16xf32>
      %swap3A_103 = vector.shape_cast %broadcast_in_dim3A_98 : vector<16xf32> to vector<1x16xf32>
      tpu.vector_store %arg10[%swap3A_99, %swap3A_100], %swap3A_103 {strides = array<i32>} : memref<112x128xf32, #tpu.memory_space<vmem>>, vector<1x16xf32>,
      %broadcast_in_dim3A_104 = arith.constant 0.000000e+00 : f32
      %broadcast_in_dim3A_105 = vector.broadcast %broadcast_in_dim3A_104 : f32 to vector<16xf32>
      %swap3A_106 = arith.index_cast %add3A_56 : i32 to index
      %swap3A_107 = arith.constant 112 : index
      %swap3A_108 = tpu.vector_load %arg10[%swap3A_106, %swap3A_107] {strides = array<i32>} : memref<112x128xf32, #tpu.memory_space<vmem>>, vector<1x16xf32>,
      %swap3A_109 = vector.shape_cast %swap3A_108 : vector<1x16xf32> to vector<16xf32>
      %swap3A_110 = vector.shape_cast %broadcast_in_dim3A_105 : vector<16xf32> to vector<1x16xf32>
      tpu.vector_store %arg10[%swap3A_106, %swap3A_107], %swap3A_110 {strides = array<i32>} : memref<112x128xf32, #tpu.memory_space<vmem>>, vector<1x16xf32>,
    }
    %scan3A_4 = arith.constant 112 : i32
    %mul3A_5 = arith.constant 632 : i32
    %mul3A_6 = arith.muli %arg1, %mul3A_5 : i32
    %add3A_7 = arith.constant 0 : i32
    %add3A_8 = arith.addi %mul3A_6, %add3A_7 : i32
    "tpu.region"() ({
      %run_scoped3A = tpu.sem_alloc : memref<!tpu.dma_semaphore, #tpu.memory_space<semaphore_mem>>
      %dma_start3A = arith.constant 0 : i32
      %dma_start3A_52 = tpu.memref_slice %arg12[%add3A_8, %dma_start3A] : memref<10112x128xf32, #tpu.memory_space<vmem_shared>> -> memref<112x128xf32, #tpu.memory_space<vmem_shared>>
      %dma_start3A_53 = arith.constant 0 : i32
      %dma_start3A_54 = tpu.memref_slice %arg12[%add3A_8, %dma_start3A_53] : memref<10112x128xf32, #tpu.memory_space<vmem_shared>> -> memref<112x128xf32, #tpu.memory_space<vmem_shared>>
      tpu.enqueue_dma source(%arg10 : memref<112x128xf32, #tpu.memory_space<vmem>>) target(%dma_start3A_54 : memref<112x128xf32, #tpu.memory_space<vmem_shared>>) target_semaphore(%run_scoped3A : memref<!tpu.dma_semaphore, #tpu.memory_space<semaphore_mem>>)
      %dma_wait3A_55 = arith.constant 0 : i32
      %dma_wait3A_56 = tpu.memref_slice %arg12[%add3A_8, %dma_wait3A_55] : memref<10112x128xf32, #tpu.memory_space<vmem_shared>> -> memref<112x128xf32, #tpu.memory_space<vmem_shared>>
      %dma_wait3A_57 = arith.constant 0 : i32
      %dma_wait3A_58 = tpu.memref_slice %arg12[%add3A_8, %dma_wait3A_57] : memref<10112x128xf32, #tpu.memory_space<vmem_shared>> -> memref<112x128xf32, #tpu.memory_space<vmem_shared>>
      tpu.wait_dma2 semaphore(%run_scoped3A : memref<!tpu.dma_semaphore, #tpu.memory_space<semaphore_mem>>) src(%arg10 : memref<112x128xf32, #tpu.memory_space<vmem>>) dst(%dma_wait3A_58 : memref<112x128xf32, #tpu.memory_space<vmem_shared>>)
      tpu.yield
    }) : () -> ()
    %mul3A_9 = arith.constant 632 : i32
    %mul3A_10 = arith.muli %arg1, %mul3A_9 : i32
    %add3A_11 = arith.constant 112 : i32
    %add3A_12 = arith.addi %mul3A_10, %add3A_11 : i32
    "tpu.region"() ({
      %run_scoped3A = tpu.sem_alloc : memref<!tpu.dma_semaphore, #tpu.memory_space<semaphore_mem>>
      %dma_start3A = arith.constant 0 : i32
      %dma_start3A_52 = tpu.memref_slice %arg12[%add3A_12, %dma_start3A] : memref<10112x128xf32, #tpu.memory_space<vmem_shared>> -> memref<112x128xf32, #tpu.memory_space<vmem_shared>>
      %dma_start3A_53 = arith.constant 0 : i32
      %dma_start3A_54 = tpu.memref_slice %arg12[%add3A_12, %dma_start3A_53] : memref<10112x128xf32, #tpu.memory_space<vmem_shared>> -> memref<112x128xf32, #tpu.memory_space<vmem_shared>>
      tpu.enqueue_dma source(%arg10 : memref<112x128xf32, #tpu.memory_space<vmem>>) target(%dma_start3A_54 : memref<112x128xf32, #tpu.memory_space<vmem_shared>>) target_semaphore(%run_scoped3A : memref<!tpu.dma_semaphore, #tpu.memory_space<semaphore_mem>>)
      %dma_wait3A_55 = arith.constant 0 : i32
      %dma_wait3A_56 = tpu.memref_slice %arg12[%add3A_12, %dma_wait3A_55] : memref<10112x128xf32, #tpu.memory_space<vmem_shared>> -> memref<112x128xf32, #tpu.memory_space<vmem_shared>>
      %dma_wait3A_57 = arith.constant 0 : i32
      %dma_wait3A_58 = tpu.memref_slice %arg12[%add3A_12, %dma_wait3A_57] : memref<10112x128xf32, #tpu.memory_space<vmem_shared>> -> memref<112x128xf32, #tpu.memory_space<vmem_shared>>
      tpu.wait_dma2 semaphore(%run_scoped3A : memref<!tpu.dma_semaphore, #tpu.memory_space<semaphore_mem>>) src(%arg10 : memref<112x128xf32, #tpu.memory_space<vmem>>) dst(%dma_wait3A_58 : memref<112x128xf32, #tpu.memory_space<vmem_shared>>)
      tpu.yield
    }) : () -> ()
    %mul3A_13 = arith.constant 632 : i32
    %mul3A_14 = arith.muli %arg1, %mul3A_13 : i32
    %add3A_15 = arith.constant 224 : i32
    %add3A_16 = arith.addi %mul3A_14, %add3A_15 : i32
    "tpu.region"() ({
      %run_scoped3A = tpu.sem_alloc : memref<!tpu.dma_semaphore, #tpu.memory_space<semaphore_mem>>
      %dma_start3A = arith.constant 0 : i32
      %dma_start3A_52 = tpu.memref_slice %arg12[%add3A_16, %dma_start3A] : memref<10112x128xf32, #tpu.memory_space<vmem_shared>> -> memref<112x128xf32, #tpu.memory_space<vmem_shared>>
      %dma_start3A_53 = arith.constant 0 : i32
      %dma_start3A_54 = tpu.memref_slice %arg12[%add3A_16, %dma_start3A_53] : memref<10112x128xf32, #tpu.memory_space<vmem_shared>> -> memref<112x128xf32, #tpu.memory_space<vmem_shared>>
      tpu.enqueue_dma source(%arg10 : memref<112x128xf32, #tpu.memory_space<vmem>>) target(%dma_start3A_54 : memref<112x128xf32, #tpu.memory_space<vmem_shared>>) target_semaphore(%run_scoped3A : memref<!tpu.dma_semaphore, #tpu.memory_space<semaphore_mem>>)
      %dma_wait3A_55 = arith.constant 0 : i32
      %dma_wait3A_56 = tpu.memref_slice %arg12[%add3A_16, %dma_wait3A_55] : memref<10112x128xf32, #tpu.memory_space<vmem_shared>> -> memref<112x128xf32, #tpu.memory_space<vmem_shared>>
      %dma_wait3A_57 = arith.constant 0 : i32
      %dma_wait3A_58 = tpu.memref_slice %arg12[%add3A_16, %dma_wait3A_57] : memref<10112x128xf32, #tpu.memory_space<vmem_shared>> -> memref<112x128xf32, #tpu.memory_space<vmem_shared>>
      tpu.wait_dma2 semaphore(%run_scoped3A : memref<!tpu.dma_semaphore, #tpu.memory_space<semaphore_mem>>) src(%arg10 : memref<112x128xf32, #tpu.memory_space<vmem>>) dst(%dma_wait3A_58 : memref<112x128xf32, #tpu.memory_space<vmem_shared>>)
      tpu.yield
    }) : () -> ()
    %mul3A_17 = arith.constant 632 : i32
    %mul3A_18 = arith.muli %arg1, %mul3A_17 : i32
    %add3A_19 = arith.constant 336 : i32
    %add3A_20 = arith.addi %mul3A_18, %add3A_19 : i32
    "tpu.region"() ({
      %run_scoped3A = tpu.sem_alloc : memref<!tpu.dma_semaphore, #tpu.memory_space<semaphore_mem>>
      %dma_start3A = arith.constant 0 : i32
      %dma_start3A_52 = tpu.memref_slice %arg12[%add3A_20, %dma_start3A] : memref<10112x128xf32, #tpu.memory_space<vmem_shared>> -> memref<112x128xf32, #tpu.memory_space<vmem_shared>>
      %dma_start3A_53 = arith.constant 0 : i32
      %dma_start3A_54 = tpu.memref_slice %arg12[%add3A_20, %dma_start3A_53] : memref<10112x128xf32, #tpu.memory_space<vmem_shared>> -> memref<112x128xf32, #tpu.memory_space<vmem_shared>>
      tpu.enqueue_dma source(%arg10 : memref<112x128xf32, #tpu.memory_space<vmem>>) target(%dma_start3A_54 : memref<112x128xf32, #tpu.memory_space<vmem_shared>>) target_semaphore(%run_scoped3A : memref<!tpu.dma_semaphore, #tpu.memory_space<semaphore_mem>>)
      %dma_wait3A_55 = arith.constant 0 : i32
      %dma_wait3A_56 = tpu.memref_slice %arg12[%add3A_20, %dma_wait3A_55] : memref<10112x128xf32, #tpu.memory_space<vmem_shared>> -> memref<112x128xf32, #tpu.memory_space<vmem_shared>>
      %dma_wait3A_57 = arith.constant 0 : i32
      %dma_wait3A_58 = tpu.memref_slice %arg12[%add3A_20, %dma_wait3A_57] : memref<10112x128xf32, #tpu.memory_space<vmem_shared>> -> memref<112x128xf32, #tpu.memory_space<vmem_shared>>
      tpu.wait_dma2 semaphore(%run_scoped3A : memref<!tpu.dma_semaphore, #tpu.memory_space<semaphore_mem>>) src(%arg10 : memref<112x128xf32, #tpu.memory_space<vmem>>) dst(%dma_wait3A_58 : memref<112x128xf32, #tpu.memory_space<vmem_shared>>)
      tpu.yield
    }) : () -> ()
    %mul3A_21 = arith.constant 632 : i32
    %mul3A_22 = arith.muli %arg1, %mul3A_21 : i32
    %add3A_23 = arith.constant 448 : i32
    %add3A_24 = arith.addi %mul3A_22, %add3A_23 : i32
    "tpu.region"() ({
      %run_scoped3A = tpu.sem_alloc : memref<!tpu.dma_semaphore, #tpu.memory_space<semaphore_mem>>
      %dma_start3A = arith.constant 0 : i32
      %dma_start3A_52 = tpu.memref_slice %arg12[%add3A_24, %dma_start3A] : memref<10112x128xf32, #tpu.memory_space<vmem_shared>> -> memref<112x128xf32, #tpu.memory_space<vmem_shared>>
      %dma_start3A_53 = arith.constant 0 : i32
      %dma_start3A_54 = tpu.memref_slice %arg12[%add3A_24, %dma_start3A_53] : memref<10112x128xf32, #tpu.memory_space<vmem_shared>> -> memref<112x128xf32, #tpu.memory_space<vmem_shared>>
      tpu.enqueue_dma source(%arg10 : memref<112x128xf32, #tpu.memory_space<vmem>>) target(%dma_start3A_54 : memref<112x128xf32, #tpu.memory_space<vmem_shared>>) target_semaphore(%run_scoped3A : memref<!tpu.dma_semaphore, #tpu.memory_space<semaphore_mem>>)
      %dma_wait3A_55 = arith.constant 0 : i32
      %dma_wait3A_56 = tpu.memref_slice %arg12[%add3A_24, %dma_wait3A_55] : memref<10112x128xf32, #tpu.memory_space<vmem_shared>> -> memref<112x128xf32, #tpu.memory_space<vmem_shared>>
      %dma_wait3A_57 = arith.constant 0 : i32
      %dma_wait3A_58 = tpu.memref_slice %arg12[%add3A_24, %dma_wait3A_57] : memref<10112x128xf32, #tpu.memory_space<vmem_shared>> -> memref<112x128xf32, #tpu.memory_space<vmem_shared>>
      tpu.wait_dma2 semaphore(%run_scoped3A : memref<!tpu.dma_semaphore, #tpu.memory_space<semaphore_mem>>) src(%arg10 : memref<112x128xf32, #tpu.memory_space<vmem>>) dst(%dma_wait3A_58 : memref<112x128xf32, #tpu.memory_space<vmem_shared>>)
      tpu.yield
    }) : () -> ()
    %mul3A_25 = arith.constant 632 : i32
    %mul3A_26 = arith.muli %arg1, %mul3A_25 : i32
    %add3A_27 = arith.constant 560 : i32
    %add3A_28 = arith.addi %mul3A_26, %add3A_27 : i32
    "tpu.region"() ({
      %run_scoped3A = tpu.sem_alloc : memref<!tpu.dma_semaphore, #tpu.memory_space<semaphore_mem>>
      %dma_start3A = arith.constant 0 : i32
      %dma_start3A_52 = arith.constant 0 : i32
      %dma_start3A_53 = tpu.memref_slice %arg10[%dma_start3A, %dma_start3A_52] : memref<112x128xf32, #tpu.memory_space<vmem>> -> memref<72x128xf32, #tpu.memory_space<vmem>>
      %dma_start3A_54 = arith.constant 0 : i32
      %dma_start3A_55 = tpu.memref_slice %arg12[%add3A_28, %dma_start3A_54] : memref<10112x128xf32, #tpu.memory_space<vmem_shared>> -> memref<72x128xf32, #tpu.memory_space<vmem_shared>>
      %dma_start3A_56 = arith.constant 0 : i32
      %dma_start3A_57 = tpu.memref_slice %arg12[%add3A_28, %dma_start3A_56] : memref<10112x128xf32, #tpu.memory_space<vmem_shared>> -> memref<72x128xf32, #tpu.memory_space<vmem_shared>>
      %dma_start3A_58 = arith.constant 0 : i32
      %dma_start3A_59 = arith.constant 0 : i32
      %dma_start3A_60 = tpu.memref_slice %arg10[%dma_start3A_58, %dma_start3A_59] : memref<112x128xf32, #tpu.memory_space<vmem>> -> memref<72x128xf32, #tpu.memory_space<vmem>>
      tpu.enqueue_dma source(%dma_start3A_60 : memref<72x128xf32, #tpu.memory_space<vmem>>) target(%dma_start3A_57 : memref<72x128xf32, #tpu.memory_space<vmem_shared>>) target_semaphore(%run_scoped3A : memref<!tpu.dma_semaphore, #tpu.memory_space<semaphore_mem>>)
      %dma_wait3A_61 = arith.constant 0 : i32
      %dma_wait3A_62 = arith.constant 0 : i32
      %dma_wait3A_63 = tpu.memref_slice %arg10[%dma_wait3A_61, %dma_wait3A_62] : memref<112x128xf32, #tpu.memory_space<vmem>> -> memref<72x128xf32, #tpu.memory_space<vmem>>
      %dma_wait3A_64 = arith.constant 0 : i32
      %dma_wait3A_65 = tpu.memref_slice %arg12[%add3A_28, %dma_wait3A_64] : memref<10112x128xf32, #tpu.memory_space<vmem_shared>> -> memref<72x128xf32, #tpu.memory_space<vmem_shared>>
      %dma_wait3A_66 = arith.constant 0 : i32
      %dma_wait3A_67 = tpu.memref_slice %arg12[%add3A_28, %dma_wait3A_66] : memref<10112x128xf32, #tpu.memory_space<vmem_shared>> -> memref<72x128xf32, #tpu.memory_space<vmem_shared>>
      %dma_wait3A_68 = arith.constant 0 : i32
      %dma_wait3A_69 = arith.constant 0 : i32
      %dma_wait3A_70 = tpu.memref_slice %arg10[%dma_wait3A_68, %dma_wait3A_69] : memref<112x128xf32, #tpu.memory_space<vmem>> -> memref<72x128xf32, #tpu.memory_space<vmem>>
      tpu.wait_dma2 semaphore(%run_scoped3A : memref<!tpu.dma_semaphore, #tpu.memory_space<semaphore_mem>>) src(%dma_wait3A_70 : memref<72x128xf32, #tpu.memory_space<vmem>>) dst(%dma_wait3A_67 : memref<72x128xf32, #tpu.memory_space<vmem_shared>>)
      tpu.yield
    }) : () -> ()
    %lt3A = arith.constant 10 : i32
    %lt3A_29 = arith.cmpi slt, %add3A, %lt3A : i32
    %jit3A = arith.constant 1 : i32
    %jit3A_30 = arith.constant 0 : i32
    %select_n3A = arith.select %lt3A_29, %jit3A, %jit3A_30 : i32
    %add3A_31 = arith.constant 89 : i32
    %add3A_32 = arith.addi %add3A_31, %select_n3A : i32
    %mul3A_33 = arith.constant 89 : i32
    %mul3A_34 = arith.muli %add3A, %mul3A_33 : i32
    %min3A = arith.constant 10 : i32
    %min3A_35 = arith.minsi %add3A, %min3A : i32
    %add3A_36 = arith.addi %mul3A_34, %min3A_35 : i32
    %mul3A_37 = arith.constant 112 : i32
    %mul3A_38 = arith.muli %add3A_36, %mul3A_37 : i32
    "tpu.region"() ({
      %run_scoped3A = tpu.sem_alloc : memref<!tpu.dma_semaphore, #tpu.memory_space<semaphore_mem>>
      %dma_start3A = tpu.memref_slice %arg3[%mul3A_38] : memref<320224xi32, #tpu.memory_space<hbm>> -> memref<10080xi32, #tpu.memory_space<hbm>>
      %dma_start3A_52 = tpu.memref_slice %arg3[%mul3A_38] : memref<320224xi32, #tpu.memory_space<hbm>> -> memref<10080xi32, #tpu.memory_space<hbm>>
      tpu.enqueue_dma source(%dma_start3A_52 : memref<10080xi32, #tpu.memory_space<hbm>>) target(%arg6 : memref<10080xi32, #tpu.memory_space<vmem>>) target_semaphore(%run_scoped3A : memref<!tpu.dma_semaphore, #tpu.memory_space<semaphore_mem>>)
      %dma_wait3A_53 = tpu.memref_slice %arg3[%mul3A_38] : memref<320224xi32, #tpu.memory_space<hbm>> -> memref<10080xi32, #tpu.memory_space<hbm>>
      %dma_wait3A_54 = tpu.memref_slice %arg3[%mul3A_38] : memref<320224xi32, #tpu.memory_space<hbm>> -> memref<10080xi32, #tpu.memory_space<hbm>>
      tpu.wait_dma2 semaphore(%run_scoped3A : memref<!tpu.dma_semaphore, #tpu.memory_space<semaphore_mem>>) src(%dma_wait3A_54 : memref<10080xi32, #tpu.memory_space<hbm>>) dst(%arg6 : memref<10080xi32, #tpu.memory_space<vmem>>)
      tpu.yield
    }) : () -> ()
    "tpu.region"() ({
      %run_scoped3A = tpu.sem_alloc : memref<!tpu.dma_semaphore, #tpu.memory_space<semaphore_mem>>
      %dma_start3A = tpu.memref_slice %arg4[%mul3A_38] : memref<320224xi32, #tpu.memory_space<hbm>> -> memref<10080xi32, #tpu.memory_space<hbm>>
      %dma_start3A_52 = tpu.memref_slice %arg4[%mul3A_38] : memref<320224xi32, #tpu.memory_space<hbm>> -> memref<10080xi32, #tpu.memory_space<hbm>>
      tpu.enqueue_dma source(%dma_start3A_52 : memref<10080xi32, #tpu.memory_space<hbm>>) target(%arg7 : memref<10080xi32, #tpu.memory_space<vmem>>) target_semaphore(%run_scoped3A : memref<!tpu.dma_semaphore, #tpu.memory_space<semaphore_mem>>)
      %dma_wait3A_53 = tpu.memref_slice %arg4[%mul3A_38] : memref<320224xi32, #tpu.memory_space<hbm>> -> memref<10080xi32, #tpu.memory_space<hbm>>
      %dma_wait3A_54 = tpu.memref_slice %arg4[%mul3A_38] : memref<320224xi32, #tpu.memory_space<hbm>> -> memref<10080xi32, #tpu.memory_space<hbm>>
      tpu.wait_dma2 semaphore(%run_scoped3A : memref<!tpu.dma_semaphore, #tpu.memory_space<semaphore_mem>>) src(%dma_wait3A_54 : memref<10080xi32, #tpu.memory_space<hbm>>) dst(%arg7 : memref<10080xi32, #tpu.memory_space<vmem>>)
      tpu.yield
    }) : () -> ()
    %barrier3A = arith.constant 0 : index
    tpu.barrier barrier_id(%barrier3A)
    %scan3A_39 = arith.constant 0 : i32
    %scan3A_40 = arith.constant 91 : i32
    %scan3A_41 = arith.addi %scan3A_39, %scan3A_40 : i32
    %scan3A_42 = arith.constant 1 : i32
    scf.for %scan3A_52 = %scan3A_39 to %scan3A_41 step %scan3A_42  : i32 {
      %mul3A_53 = arith.constant 1 : i32
      %mul3A_54 = arith.muli %scan3A_52, %mul3A_53 : i32
      %add3A_55 = arith.constant 0 : i32
      %add3A_56 = arith.addi %add3A_55, %mul3A_54 : i32
      %lt3A_57 = arith.cmpi slt, %add3A_56, %add3A_32 : i32
      %jit3A_58 = arith.constant 2 : i32
      %eq3A_59 = arith.constant 0 : i32
      %eq3A_60 = arith.cmpi eq, %jit3A_58, %eq3A_59 : i32
      %jit3A_61 = arith.constant 1 : i32
      %select_n3A_62 = arith.select %eq3A_60, %jit3A_61, %jit3A_58 : i32
      %rem3A = arith.remsi %add3A_56, %select_n3A_62 : i32
      %ne3A = arith.constant 0 : i32
      %ne3A_63 = arith.cmpi ne, %rem3A, %ne3A : i32
      %lt3A_64 = arith.constant 0 : i32
      %lt3A_65 = arith.cmpi slt, %rem3A, %lt3A_64 : i32
      %lt3A_66 = arith.constant 0 : i32
      %lt3A_67 = arith.cmpi slt, %select_n3A_62, %lt3A_66 : i32
      %ne3A_68 = arith.xori %lt3A_65, %lt3A_67 : i1
      %and3A = arith.andi %ne3A_68, %ne3A_63 : i1
      %add3A_69 = arith.addi %rem3A, %select_n3A_62 : i32
      %select_n3A_70 = arith.select %and3A, %add3A_69, %rem3A : i32
      %eq3A_71 = arith.constant 0 : i32
      %eq3A_72 = arith.cmpi eq, %select_n3A_70, %eq3A_71 : i32
      %and3A_73 = arith.andi %lt3A_57, %eq3A_72 : i1
      %convert_element_type3A_74 = arith.extui %and3A_73 : i1 to i32
      %cond3A_75 = arith.constant 0 : i32
      %cond3A_76 = arith.cmpi ne, %convert_element_type3A_74, %cond3A_75 : i32
      scf.if %cond3A_76 {
        %ge3A_150 = arith.constant 2 : i32
        %ge3A_151 = arith.cmpi sge, %add3A_56, %ge3A_150 : i32
        %convert_element_type3A_152 = arith.extui %ge3A_151 : i1 to i32
        %cond3A_153 = arith.constant 0 : i32
        %cond3A_154 = arith.cmpi ne, %convert_element_type3A_152, %cond3A_153 : i32
        scf.if %cond3A_154 {
          %dma_wait3A_235 = arith.constant 0 : i32
          %dma_wait3A_236 = arith.constant 0 : i32
          %dma_wait3A_237 = tpu.memref_slice %arg12[%dma_wait3A_235, %dma_wait3A_236] : memref<10112x128xf32, #tpu.memory_space<vmem_shared>> -> memref<10112x128xf32, #tpu.memory_space<vmem_shared>>
          tpu.wait_indirect_dma semaphore(%arg15 : memref<!tpu.dma_semaphore, #tpu.memory_space<semaphore_mem>>) src(%arg10 : memref<112x128xf32, #tpu.memory_space<vmem>>) dst(%dma_wait3A_237 : memref<10112x128xf32, #tpu.memory_space<vmem_shared>>)
        } else {
        }
        %mul3A_155 = arith.constant 112 : i32
        %mul3A_156 = arith.muli %add3A_56, %mul3A_155 : i32
        %add3A_157 = arith.constant 0 : i32
        %add3A_158 = arith.addi %mul3A_156, %add3A_157 : i32
        %get3A = arith.index_cast %add3A_158 : i32 to index
        %get3A_159 = tpu.vector_load %arg7[%get3A] {strides = array<i32>} : memref<10080xi32, #tpu.memory_space<vmem>>, vector<16xi32>,
        %get3A_160 = vector.shape_cast %get3A_159 : vector<16xi32> to vector<16xi32>
        %swap3A = arith.constant 0 : index
        %swap3A_161 = tpu.vector_load %arg8[%swap3A] {strides = array<i32>} : memref<112xi32, #tpu.memory_space<vmem>>, vector<16xi32>,
        %swap3A_162 = vector.shape_cast %swap3A_161 : vector<16xi32> to vector<16xi32>
        %swap3A_163 = vector.shape_cast %get3A_160 : vector<16xi32> to vector<16xi32>
        tpu.vector_store %arg8[%swap3A], %swap3A_163 {strides = array<i32>} : memref<112xi32, #tpu.memory_space<vmem>>, vector<16xi32>,
        %mul3A_164 = arith.constant 112 : i32
        %mul3A_165 = arith.muli %add3A_56, %mul3A_164 : i32
        %add3A_166 = arith.constant 16 : i32
        %add3A_167 = arith.addi %mul3A_165, %add3A_166 : i32
        %get3A_168 = arith.index_cast %add3A_167 : i32 to index
        %get3A_169 = tpu.vector_load %arg7[%get3A_168] {strides = array<i32>} : memref<10080xi32, #tpu.memory_space<vmem>>, vector<16xi32>,
        %get3A_170 = vector.shape_cast %get3A_169 : vector<16xi32> to vector<16xi32>
        %swap3A_171 = arith.constant 16 : index
        %swap3A_172 = tpu.vector_load %arg8[%swap3A_171] {strides = array<i32>} : memref<112xi32, #tpu.memory_space<vmem>>, vector<16xi32>,
        %swap3A_173 = vector.shape_cast %swap3A_172 : vector<16xi32> to vector<16xi32>
        %swap3A_174 = vector.shape_cast %get3A_170 : vector<16xi32> to vector<16xi32>
        tpu.vector_store %arg8[%swap3A_171], %swap3A_174 {strides = array<i32>} : memref<112xi32, #tpu.memory_space<vmem>>, vector<16xi32>,
        %mul3A_175 = arith.constant 112 : i32
        %mul3A_176 = arith.muli %add3A_56, %mul3A_175 : i32
        %add3A_177 = arith.constant 32 : i32
        %add3A_178 = arith.addi %mul3A_176, %add3A_177 : i32
        %get3A_179 = arith.index_cast %add3A_178 : i32 to index
        %get3A_180 = tpu.vector_load %arg7[%get3A_179] {strides = array<i32>} : memref<10080xi32, #tpu.memory_space<vmem>>, vector<16xi32>,
        %get3A_181 = vector.shape_cast %get3A_180 : vector<16xi32> to vector<16xi32>
        %swap3A_182 = arith.constant 32 : index
        %swap3A_183 = tpu.vector_load %arg8[%swap3A_182] {strides = array<i32>} : memref<112xi32, #tpu.memory_space<vmem>>, vector<16xi32>,
        %swap3A_184 = vector.shape_cast %swap3A_183 : vector<16xi32> to vector<16xi32>
        %swap3A_185 = vector.shape_cast %get3A_181 : vector<16xi32> to vector<16xi32>
        tpu.vector_store %arg8[%swap3A_182], %swap3A_185 {strides = array<i32>} : memref<112xi32, #tpu.memory_space<vmem>>, vector<16xi32>,
        %mul3A_186 = arith.constant 112 : i32
        %mul3A_187 = arith.muli %add3A_56, %mul3A_186 : i32
        %add3A_188 = arith.constant 48 : i32
        %add3A_189 = arith.addi %mul3A_187, %add3A_188 : i32
        %get3A_190 = arith.index_cast %add3A_189 : i32 to index
        %get3A_191 = tpu.vector_load %arg7[%get3A_190] {strides = array<i32>} : memref<10080xi32, #tpu.memory_space<vmem>>, vector<16xi32>,
        %get3A_192 = vector.shape_cast %get3A_191 : vector<16xi32> to vector<16xi32>
        %swap3A_193 = arith.constant 48 : index
        %swap3A_194 = tpu.vector_load %arg8[%swap3A_193] {strides = array<i32>} : memref<112xi32, #tpu.memory_space<vmem>>, vector<16xi32>,
        %swap3A_195 = vector.shape_cast %swap3A_194 : vector<16xi32> to vector<16xi32>
        %swap3A_196 = vector.shape_cast %get3A_192 : vector<16xi32> to vector<16xi32>
        tpu.vector_store %arg8[%swap3A_193], %swap3A_196 {strides = array<i32>} : memref<112xi32, #tpu.memory_space<vmem>>, vector<16xi32>,
        %mul3A_197 = arith.constant 112 : i32
        %mul3A_198 = arith.muli %add3A_56, %mul3A_197 : i32
        %add3A_199 = arith.constant 64 : i32
        %add3A_200 = arith.addi %mul3A_198, %add3A_199 : i32
        %get3A_201 = arith.index_cast %add3A_200 : i32 to index
        %get3A_202 = tpu.vector_load %arg7[%get3A_201] {strides = array<i32>} : memref<10080xi32, #tpu.memory_space<vmem>>, vector<16xi32>,
        %get3A_203 = vector.shape_cast %get3A_202 : vector<16xi32> to vector<16xi32>
        %swap3A_204 = arith.constant 64 : index
        %swap3A_205 = tpu.vector_load %arg8[%swap3A_204] {strides = array<i32>} : memref<112xi32, #tpu.memory_space<vmem>>, vector<16xi32>,
        %swap3A_206 = vector.shape_cast %swap3A_205 : vector<16xi32> to vector<16xi32>
        %swap3A_207 = vector.shape_cast %get3A_203 : vector<16xi32> to vector<16xi32>
        tpu.vector_store %arg8[%swap3A_204], %swap3A_207 {strides = array<i32>} : memref<112xi32, #tpu.memory_space<vmem>>, vector<16xi32>,
        %mul3A_208 = arith.constant 112 : i32
        %mul3A_209 = arith.muli %add3A_56, %mul3A_208 : i32
        %add3A_210 = arith.constant 80 : i32
        %add3A_211 = arith.addi %mul3A_209, %add3A_210 : i32
        %get3A_212 = arith.index_cast %add3A_211 : i32 to index
        %get3A_213 = tpu.vector_load %arg7[%get3A_212] {strides = array<i32>} : memref<10080xi32, #tpu.memory_space<vmem>>, vector<16xi32>,
        %get3A_214 = vector.shape_cast %get3A_213 : vector<16xi32> to vector<16xi32>
        %swap3A_215 = arith.constant 80 : index
        %swap3A_216 = tpu.vector_load %arg8[%swap3A_215] {strides = array<i32>} : memref<112xi32, #tpu.memory_space<vmem>>, vector<16xi32>,
        %swap3A_217 = vector.shape_cast %swap3A_216 : vector<16xi32> to vector<16xi32>
        %swap3A_218 = vector.shape_cast %get3A_214 : vector<16xi32> to vector<16xi32>
        tpu.vector_store %arg8[%swap3A_215], %swap3A_218 {strides = array<i32>} : memref<112xi32, #tpu.memory_space<vmem>>, vector<16xi32>,
        %mul3A_219 = arith.constant 112 : i32
        %mul3A_220 = arith.muli %add3A_56, %mul3A_219 : i32
        %add3A_221 = arith.constant 96 : i32
        %add3A_222 = arith.addi %mul3A_220, %add3A_221 : i32
        %get3A_223 = arith.index_cast %add3A_222 : i32 to index
        %get3A_224 = tpu.vector_load %arg7[%get3A_223] {strides = array<i32>} : memref<10080xi32, #tpu.memory_space<vmem>>, vector<16xi32>,
        %get3A_225 = vector.shape_cast %get3A_224 : vector<16xi32> to vector<16xi32>
        %swap3A_226 = arith.constant 96 : index
        %swap3A_227 = tpu.vector_load %arg8[%swap3A_226] {strides = array<i32>} : memref<112xi32, #tpu.memory_space<vmem>>, vector<16xi32>,
        %swap3A_228 = vector.shape_cast %swap3A_227 : vector<16xi32> to vector<16xi32>
        %swap3A_229 = vector.shape_cast %get3A_225 : vector<16xi32> to vector<16xi32>
        tpu.vector_store %arg8[%swap3A_226], %swap3A_229 {strides = array<i32>} : memref<112xi32, #tpu.memory_space<vmem>>, vector<16xi32>,
        %mul3A_230 = arith.constant 112 : i32
        %mul3A_231 = arith.muli %add3A_56, %mul3A_230 : i32
        %dma_start3A = tpu.memref_slice %arg6[%mul3A_231] : memref<10080xi32, #tpu.memory_space<vmem>> -> memref<112xi32, #tpu.memory_space<vmem>>
        %dma_start3A_232 = arith.constant 0 : i32
        %dma_start3A_233 = arith.constant 0 : i32
        %dma_start3A_234 = tpu.memref_slice %arg2[%dma_start3A_232, %dma_start3A_233] : memref<10000x128xf32, #tpu.memory_space<hbm>> -> memref<10000x128xf32, #tpu.memory_space<hbm>>
        tpu.enqueue_indirect_dma source(%dma_start3A_234 : memref<10000x128xf32, #tpu.memory_space<hbm>>) target(%arg10 : memref<112x128xf32, #tpu.memory_space<vmem>>) offsets(%dma_start3A : memref<112xi32, #tpu.memory_space<vmem>>) semaphore(%arg13 : memref<!tpu.dma_semaphore, #tpu.memory_space<semaphore_mem>>)
      } else {
      }
      %lt3A_77 = arith.cmpi slt, %add3A_56, %add3A_32 : i32
      %jit3A_78 = arith.constant 2 : i32
      %eq3A_79 = arith.constant 0 : i32
      %eq3A_80 = arith.cmpi eq, %jit3A_78, %eq3A_79 : i32
      %jit3A_81 = arith.constant 1 : i32
      %select_n3A_82 = arith.select %eq3A_80, %jit3A_81, %jit3A_78 : i32
      %rem3A_83 = arith.remsi %add3A_56, %select_n3A_82 : i32
      %ne3A_84 = arith.constant 0 : i32
      %ne3A_85 = arith.cmpi ne, %rem3A_83, %ne3A_84 : i32
      %lt3A_86 = arith.constant 0 : i32
      %lt3A_87 = arith.cmpi slt, %rem3A_83, %lt3A_86 : i32
      %lt3A_88 = arith.constant 0 : i32
      %lt3A_89 = arith.cmpi slt, %select_n3A_82, %lt3A_88 : i32
      %ne3A_90 = arith.xori %lt3A_87, %lt3A_89 : i1
      %and3A_91 = arith.andi %ne3A_90, %ne3A_85 : i1
      %add3A_92 = arith.addi %rem3A_83, %select_n3A_82 : i32
      %select_n3A_93 = arith.select %and3A_91, %add3A_92, %rem3A_83 : i32
      %eq3A_94 = arith.constant 1 : i32
      %eq3A_95 = arith.cmpi eq, %select_n3A_93, %eq3A_94 : i32
      %and3A_96 = arith.andi %lt3A_77, %eq3A_95 : i1
      %convert_element_type3A_97 = arith.extui %and3A_96 : i1 to i32
      %cond3A_98 = arith.constant 0 : i32
      %cond3A_99 = arith.cmpi ne, %convert_element_type3A_97, %cond3A_98 : i32
      scf.if %cond3A_99 {
        %ge3A_150 = arith.constant 2 : i32
        %ge3A_151 = arith.cmpi sge, %add3A_56, %ge3A_150 : i32
        %convert_element_type3A_152 = arith.extui %ge3A_151 : i1 to i32
        %cond3A_153 = arith.constant 0 : i32
        %cond3A_154 = arith.cmpi ne, %convert_element_type3A_152, %cond3A_153 : i32
        scf.if %cond3A_154 {
          %dma_wait3A_235 = arith.constant 0 : i32
          %dma_wait3A_236 = arith.constant 0 : i32
          %dma_wait3A_237 = tpu.memref_slice %arg12[%dma_wait3A_235, %dma_wait3A_236] : memref<10112x128xf32, #tpu.memory_space<vmem_shared>> -> memref<10112x128xf32, #tpu.memory_space<vmem_shared>>
          tpu.wait_indirect_dma semaphore(%arg16 : memref<!tpu.dma_semaphore, #tpu.memory_space<semaphore_mem>>) src(%arg11 : memref<112x128xf32, #tpu.memory_space<vmem>>) dst(%dma_wait3A_237 : memref<10112x128xf32, #tpu.memory_space<vmem_shared>>)
        } else {
        }
        %mul3A_155 = arith.constant 112 : i32
        %mul3A_156 = arith.muli %add3A_56, %mul3A_155 : i32
        %add3A_157 = arith.constant 0 : i32
        %add3A_158 = arith.addi %mul3A_156, %add3A_157 : i32
        %get3A = arith.index_cast %add3A_158 : i32 to index
        %get3A_159 = tpu.vector_load %arg7[%get3A] {strides = array<i32>} : memref<10080xi32, #tpu.memory_space<vmem>>, vector<16xi32>,
        %get3A_160 = vector.shape_cast %get3A_159 : vector<16xi32> to vector<16xi32>
        %swap3A = arith.constant 0 : index
        %swap3A_161 = tpu.vector_load %arg9[%swap3A] {strides = array<i32>} : memref<112xi32, #tpu.memory_space<vmem>>, vector<16xi32>,
        %swap3A_162 = vector.shape_cast %swap3A_161 : vector<16xi32> to vector<16xi32>
        %swap3A_163 = vector.shape_cast %get3A_160 : vector<16xi32> to vector<16xi32>
        tpu.vector_store %arg9[%swap3A], %swap3A_163 {strides = array<i32>} : memref<112xi32, #tpu.memory_space<vmem>>, vector<16xi32>,
        %mul3A_164 = arith.constant 112 : i32
        %mul3A_165 = arith.muli %add3A_56, %mul3A_164 : i32
        %add3A_166 = arith.constant 16 : i32
        %add3A_167 = arith.addi %mul3A_165, %add3A_166 : i32
        %get3A_168 = arith.index_cast %add3A_167 : i32 to index
        %get3A_169 = tpu.vector_load %arg7[%get3A_168] {strides = array<i32>} : memref<10080xi32, #tpu.memory_space<vmem>>, vector<16xi32>,
        %get3A_170 = vector.shape_cast %get3A_169 : vector<16xi32> to vector<16xi32>
        %swap3A_171 = arith.constant 16 : index
        %swap3A_172 = tpu.vector_load %arg9[%swap3A_171] {strides = array<i32>} : memref<112xi32, #tpu.memory_space<vmem>>, vector<16xi32>,
        %swap3A_173 = vector.shape_cast %swap3A_172 : vector<16xi32> to vector<16xi32>
        %swap3A_174 = vector.shape_cast %get3A_170 : vector<16xi32> to vector<16xi32>
        tpu.vector_store %arg9[%swap3A_171], %swap3A_174 {strides = array<i32>} : memref<112xi32, #tpu.memory_space<vmem>>, vector<16xi32>,
        %mul3A_175 = arith.constant 112 : i32
        %mul3A_176 = arith.muli %add3A_56, %mul3A_175 : i32
        %add3A_177 = arith.constant 32 : i32
        %add3A_178 = arith.addi %mul3A_176, %add3A_177 : i32
        %get3A_179 = arith.index_cast %add3A_178 : i32 to index
        %get3A_180 = tpu.vector_load %arg7[%get3A_179] {strides = array<i32>} : memref<10080xi32, #tpu.memory_space<vmem>>, vector<16xi32>,
        %get3A_181 = vector.shape_cast %get3A_180 : vector<16xi32> to vector<16xi32>
        %swap3A_182 = arith.constant 32 : index
        %swap3A_183 = tpu.vector_load %arg9[%swap3A_182] {strides = array<i32>} : memref<112xi32, #tpu.memory_space<vmem>>, vector<16xi32>,
        %swap3A_184 = vector.shape_cast %swap3A_183 : vector<16xi32> to vector<16xi32>
        %swap3A_185 = vector.shape_cast %get3A_181 : vector<16xi32> to vector<16xi32>
        tpu.vector_store %arg9[%swap3A_182], %swap3A_185 {strides = array<i32>} : memref<112xi32, #tpu.memory_space<vmem>>, vector<16xi32>,
        %mul3A_186 = arith.constant 112 : i32
        %mul3A_187 = arith.muli %add3A_56, %mul3A_186 : i32
        %add3A_188 = arith.constant 48 : i32
        %add3A_189 = arith.addi %mul3A_187, %add3A_188 : i32
        %get3A_190 = arith.index_cast %add3A_189 : i32 to index
        %get3A_191 = tpu.vector_load %arg7[%get3A_190] {strides = array<i32>} : memref<10080xi32, #tpu.memory_space<vmem>>, vector<16xi32>,
        %get3A_192 = vector.shape_cast %get3A_191 : vector<16xi32> to vector<16xi32>
        %swap3A_193 = arith.constant 48 : index
        %swap3A_194 = tpu.vector_load %arg9[%swap3A_193] {strides = array<i32>} : memref<112xi32, #tpu.memory_space<vmem>>, vector<16xi32>,
        %swap3A_195 = vector.shape_cast %swap3A_194 : vector<16xi32> to vector<16xi32>
        %swap3A_196 = vector.shape_cast %get3A_192 : vector<16xi32> to vector<16xi32>
        tpu.vector_store %arg9[%swap3A_193], %swap3A_196 {strides = array<i32>} : memref<112xi32, #tpu.memory_space<vmem>>, vector<16xi32>,
        %mul3A_197 = arith.constant 112 : i32
        %mul3A_198 = arith.muli %add3A_56, %mul3A_197 : i32
        %add3A_199 = arith.constant 64 : i32
        %add3A_200 = arith.addi %mul3A_198, %add3A_199 : i32
        %get3A_201 = arith.index_cast %add3A_200 : i32 to index
        %get3A_202 = tpu.vector_load %arg7[%get3A_201] {strides = array<i32>} : memref<10080xi32, #tpu.memory_space<vmem>>, vector<16xi32>,
        %get3A_203 = vector.shape_cast %get3A_202 : vector<16xi32> to vector<16xi32>
        %swap3A_204 = arith.constant 64 : index
        %swap3A_205 = tpu.vector_load %arg9[%swap3A_204] {strides = array<i32>} : memref<112xi32, #tpu.memory_space<vmem>>, vector<16xi32>,
        %swap3A_206 = vector.shape_cast %swap3A_205 : vector<16xi32> to vector<16xi32>
        %swap3A_207 = vector.shape_cast %get3A_203 : vector<16xi32> to vector<16xi32>
        tpu.vector_store %arg9[%swap3A_204], %swap3A_207 {strides = array<i32>} : memref<112xi32, #tpu.memory_space<vmem>>, vector<16xi32>,
        %mul3A_208 = arith.constant 112 : i32
        %mul3A_209 = arith.muli %add3A_56, %mul3A_208 : i32
        %add3A_210 = arith.constant 80 : i32
        %add3A_211 = arith.addi %mul3A_209, %add3A_210 : i32
        %get3A_212 = arith.index_cast %add3A_211 : i32 to index
        %get3A_213 = tpu.vector_load %arg7[%get3A_212] {strides = array<i32>} : memref<10080xi32, #tpu.memory_space<vmem>>, vector<16xi32>,
        %get3A_214 = vector.shape_cast %get3A_213 : vector<16xi32> to vector<16xi32>
        %swap3A_215 = arith.constant 80 : index
        %swap3A_216 = tpu.vector_load %arg9[%swap3A_215] {strides = array<i32>} : memref<112xi32, #tpu.memory_space<vmem>>, vector<16xi32>,
        %swap3A_217 = vector.shape_cast %swap3A_216 : vector<16xi32> to vector<16xi32>
        %swap3A_218 = vector.shape_cast %get3A_214 : vector<16xi32> to vector<16xi32>
        tpu.vector_store %arg9[%swap3A_215], %swap3A_218 {strides = array<i32>} : memref<112xi32, #tpu.memory_space<vmem>>, vector<16xi32>,
        %mul3A_219 = arith.constant 112 : i32
        %mul3A_220 = arith.muli %add3A_56, %mul3A_219 : i32
        %add3A_221 = arith.constant 96 : i32
        %add3A_222 = arith.addi %mul3A_220, %add3A_221 : i32
        %get3A_223 = arith.index_cast %add3A_222 : i32 to index
        %get3A_224 = tpu.vector_load %arg7[%get3A_223] {strides = array<i32>} : memref<10080xi32, #tpu.memory_space<vmem>>, vector<16xi32>,
        %get3A_225 = vector.shape_cast %get3A_224 : vector<16xi32> to vector<16xi32>
        %swap3A_226 = arith.constant 96 : index
        %swap3A_227 = tpu.vector_load %arg9[%swap3A_226] {strides = array<i32>} : memref<112xi32, #tpu.memory_space<vmem>>, vector<16xi32>,
        %swap3A_228 = vector.shape_cast %swap3A_227 : vector<16xi32> to vector<16xi32>
        %swap3A_229 = vector.shape_cast %get3A_225 : vector<16xi32> to vector<16xi32>
        tpu.vector_store %arg9[%swap3A_226], %swap3A_229 {strides = array<i32>} : memref<112xi32, #tpu.memory_space<vmem>>, vector<16xi32>,
        %mul3A_230 = arith.constant 112 : i32
        %mul3A_231 = arith.muli %add3A_56, %mul3A_230 : i32
        %dma_start3A = tpu.memref_slice %arg6[%mul3A_231] : memref<10080xi32, #tpu.memory_space<vmem>> -> memref<112xi32, #tpu.memory_space<vmem>>
        %dma_start3A_232 = arith.constant 0 : i32
        %dma_start3A_233 = arith.constant 0 : i32
        %dma_start3A_234 = tpu.memref_slice %arg2[%dma_start3A_232, %dma_start3A_233] : memref<10000x128xf32, #tpu.memory_space<hbm>> -> memref<10000x128xf32, #tpu.memory_space<hbm>>
        tpu.enqueue_indirect_dma source(%dma_start3A_234 : memref<10000x128xf32, #tpu.memory_space<hbm>>) target(%arg11 : memref<112x128xf32, #tpu.memory_space<vmem>>) offsets(%dma_start3A : memref<112xi32, #tpu.memory_space<vmem>>) semaphore(%arg14 : memref<!tpu.dma_semaphore, #tpu.memory_space<semaphore_mem>>)
      } else {
      }
      %ge3A = arith.constant 1 : i32
      %ge3A_100 = arith.cmpi sge, %add3A_56, %ge3A : i32
      %le3A = arith.cmpi sle, %add3A_56, %add3A_32 : i32
      %and3A_101 = arith.andi %ge3A_100, %le3A : i1
      %jit3A_102 = arith.constant 2 : i32
      %eq3A_103 = arith.constant 0 : i32
      %eq3A_104 = arith.cmpi eq, %jit3A_102, %eq3A_103 : i32
      %jit3A_105 = arith.constant 1 : i32
      %select_n3A_106 = arith.select %eq3A_104, %jit3A_105, %jit3A_102 : i32
      %rem3A_107 = arith.remsi %add3A_56, %select_n3A_106 : i32
      %ne3A_108 = arith.constant 0 : i32
      %ne3A_109 = arith.cmpi ne, %rem3A_107, %ne3A_108 : i32
      %lt3A_110 = arith.constant 0 : i32
      %lt3A_111 = arith.cmpi slt, %rem3A_107, %lt3A_110 : i32
      %lt3A_112 = arith.constant 0 : i32
      %lt3A_113 = arith.cmpi slt, %select_n3A_106, %lt3A_112 : i32
      %ne3A_114 = arith.xori %lt3A_111, %lt3A_113 : i1
      %and3A_115 = arith.andi %ne3A_114, %ne3A_109 : i1
      %add3A_116 = arith.addi %rem3A_107, %select_n3A_106 : i32
      %select_n3A_117 = arith.select %and3A_115, %add3A_116, %rem3A_107 : i32
      %eq3A_118 = arith.constant 1 : i32
      %eq3A_119 = arith.cmpi eq, %select_n3A_117, %eq3A_118 : i32
      %and3A_120 = arith.andi %and3A_101, %eq3A_119 : i1
      %convert_element_type3A_121 = arith.extui %and3A_120 : i1 to i32
      %cond3A_122 = arith.constant 0 : i32
      %cond3A_123 = arith.cmpi ne, %convert_element_type3A_121, %cond3A_122 : i32
      scf.if %cond3A_123 {
        %sub3A = arith.constant 1 : i32
        %sub3A_150 = arith.subi %add3A_56, %sub3A : i32
        %mul3A_151 = arith.constant 112 : i32
        %mul3A_152 = arith.muli %sub3A_150, %mul3A_151 : i32
        %dma_wait3A_153 = tpu.memref_slice %arg6[%mul3A_152] : memref<10080xi32, #tpu.memory_space<vmem>> -> memref<112xi32, #tpu.memory_space<vmem>>
        %dma_wait3A_154 = arith.constant 0 : i32
        %dma_wait3A_155 = arith.constant 0 : i32
        %dma_wait3A_156 = tpu.memref_slice %arg2[%dma_wait3A_154, %dma_wait3A_155] : memref<10000x128xf32, #tpu.memory_space<hbm>> -> memref<10000x128xf32, #tpu.memory_space<hbm>>
        tpu.wait_indirect_dma semaphore(%arg13 : memref<!tpu.dma_semaphore, #tpu.memory_space<semaphore_mem>>) src(%dma_wait3A_156 : memref<10000x128xf32, #tpu.memory_space<hbm>>) dst(%arg10 : memref<112x128xf32, #tpu.memory_space<vmem>>)
        %dma_start3A = arith.constant 0 : i32
        %dma_start3A_157 = arith.constant 0 : i32
        %dma_start3A_158 = tpu.memref_slice %arg12[%dma_start3A, %dma_start3A_157] : memref<10112x128xf32, #tpu.memory_space<vmem_shared>> -> memref<10112x128xf32, #tpu.memory_space<vmem_shared>>
        tpu.enqueue_indirect_dma source(%arg10 : memref<112x128xf32, #tpu.memory_space<vmem>>) target(%dma_start3A_158 : memref<10112x128xf32, #tpu.memory_space<vmem_shared>>) offsets(%arg8 : memref<112xi32, #tpu.memory_space<vmem>>) semaphore(%arg15 : memref<!tpu.dma_semaphore, #tpu.memory_space<semaphore_mem>>) {add = true}
      } else {
      }
      %ge3A_124 = arith.constant 1 : i32
      %ge3A_125 = arith.cmpi sge, %add3A_56, %ge3A_124 : i32
      %le3A_126 = arith.cmpi sle, %add3A_56, %add3A_32 : i32
      %and3A_127 = arith.andi %ge3A_125, %le3A_126 : i1
      %jit3A_128 = arith.constant 2 : i32
      %eq3A_129 = arith.constant 0 : i32
      %eq3A_130 = arith.cmpi eq, %jit3A_128, %eq3A_129 : i32
      %jit3A_131 = arith.constant 1 : i32
      %select_n3A_132 = arith.select %eq3A_130, %jit3A_131, %jit3A_128 : i32
      %rem3A_133 = arith.remsi %add3A_56, %select_n3A_132 : i32
      %ne3A_134 = arith.constant 0 : i32
      %ne3A_135 = arith.cmpi ne, %rem3A_133, %ne3A_134 : i32
      %lt3A_136 = arith.constant 0 : i32
      %lt3A_137 = arith.cmpi slt, %rem3A_133, %lt3A_136 : i32
      %lt3A_138 = arith.constant 0 : i32
      %lt3A_139 = arith.cmpi slt, %select_n3A_132, %lt3A_138 : i32
      %ne3A_140 = arith.xori %lt3A_137, %lt3A_139 : i1
      %and3A_141 = arith.andi %ne3A_140, %ne3A_135 : i1
      %add3A_142 = arith.addi %rem3A_133, %select_n3A_132 : i32
      %select_n3A_143 = arith.select %and3A_141, %add3A_142, %rem3A_133 : i32
      %eq3A_144 = arith.constant 0 : i32
      %eq3A_145 = arith.cmpi eq, %select_n3A_143, %eq3A_144 : i32
      %and3A_146 = arith.andi %and3A_127, %eq3A_145 : i1
      %convert_element_type3A_147 = arith.extui %and3A_146 : i1 to i32
      %cond3A_148 = arith.constant 0 : i32
      %cond3A_149 = arith.cmpi ne, %convert_element_type3A_147, %cond3A_148 : i32
      scf.if %cond3A_149 {
        %sub3A = arith.constant 1 : i32
        %sub3A_150 = arith.subi %add3A_56, %sub3A : i32
        %mul3A_151 = arith.constant 112 : i32
        %mul3A_152 = arith.muli %sub3A_150, %mul3A_151 : i32
        %dma_wait3A_153 = tpu.memref_slice %arg6[%mul3A_152] : memref<10080xi32, #tpu.memory_space<vmem>> -> memref<112xi32, #tpu.memory_space<vmem>>
        %dma_wait3A_154 = arith.constant 0 : i32
        %dma_wait3A_155 = arith.constant 0 : i32
        %dma_wait3A_156 = tpu.memref_slice %arg2[%dma_wait3A_154, %dma_wait3A_155] : memref<10000x128xf32, #tpu.memory_space<hbm>> -> memref<10000x128xf32, #tpu.memory_space<hbm>>
        tpu.wait_indirect_dma semaphore(%arg14 : memref<!tpu.dma_semaphore, #tpu.memory_space<semaphore_mem>>) src(%dma_wait3A_156 : memref<10000x128xf32, #tpu.memory_space<hbm>>) dst(%arg11 : memref<112x128xf32, #tpu.memory_space<vmem>>)
        %dma_start3A = arith.constant 0 : i32
        %dma_start3A_157 = arith.constant 0 : i32
        %dma_start3A_158 = tpu.memref_slice %arg12[%dma_start3A, %dma_start3A_157] : memref<10112x128xf32, #tpu.memory_space<vmem_shared>> -> memref<10112x128xf32, #tpu.memory_space<vmem_shared>>
        tpu.enqueue_indirect_dma source(%arg11 : memref<112x128xf32, #tpu.memory_space<vmem>>) target(%dma_start3A_158 : memref<10112x128xf32, #tpu.memory_space<vmem_shared>>) offsets(%arg9 : memref<112xi32, #tpu.memory_space<vmem>>) semaphore(%arg16 : memref<!tpu.dma_semaphore, #tpu.memory_space<semaphore_mem>>) {add = true}
      } else {
      }
    }
    %scan3A_43 = arith.constant 91 : i32
    %dma_wait3A = arith.constant 0 : i32
    %dma_wait3A_44 = arith.constant 0 : i32
    %dma_wait3A_45 = tpu.memref_slice %arg12[%dma_wait3A, %dma_wait3A_44] : memref<10112x128xf32, #tpu.memory_space<vmem_shared>> -> memref<10112x128xf32, #tpu.memory_space<vmem_shared>>
    tpu.wait_indirect_dma semaphore(%arg15 : memref<!tpu.dma_semaphore, #tpu.memory_space<semaphore_mem>>) src(%arg10 : memref<112x128xf32, #tpu.memory_space<vmem>>) dst(%dma_wait3A_45 : memref<10112x128xf32, #tpu.memory_space<vmem_shared>>)
    %dma_wait3A_46 = arith.constant 0 : i32
    %dma_wait3A_47 = arith.constant 0 : i32
    %dma_wait3A_48 = tpu.memref_slice %arg12[%dma_wait3A_46, %dma_wait3A_47] : memref<10112x128xf32, #tpu.memory_space<vmem_shared>> -> memref<10112x128xf32, #tpu.memory_space<vmem_shared>>
    tpu.wait_indirect_dma semaphore(%arg16 : memref<!tpu.dma_semaphore, #tpu.memory_space<semaphore_mem>>) src(%arg11 : memref<112x128xf32, #tpu.memory_space<vmem>>) dst(%dma_wait3A_48 : memref<10112x128xf32, #tpu.memory_space<vmem_shared>>)
    %barrier3A_49 = arith.constant 0 : index
    tpu.barrier barrier_id(%barrier3A_49)
    %eq3A = arith.constant 0 : i32
    %eq3A_50 = arith.cmpi eq, %arg1, %eq3A : i32
    %convert_element_type3A = arith.extui %eq3A_50 : i1 to i32
    %cond3A = arith.constant 0 : i32
    %cond3A_51 = arith.cmpi ne, %convert_element_type3A, %cond3A : i32
    scf.if %cond3A_51 {
      "tpu.region"() ({
        %run_scoped3A = tpu.sem_alloc : memref<!tpu.dma_semaphore, #tpu.memory_space<semaphore_mem>>
        %dma_start3A = arith.constant 0 : i32
        %dma_start3A_52 = arith.constant 0 : i32
        %dma_start3A_53 = tpu.memref_slice %arg5[%arg0, %dma_start3A, %dma_start3A_52] : memref<2x10112x128xf32, #tpu.memory_space<hbm>> -> memref<1x10112x128xf32, #tpu.memory_space<hbm>>
        %dma_start3A_54 = tpu.memref_squeeze %dma_start3A_53 : memref<1x10112x128xf32, #tpu.memory_space<hbm>> -> memref<10112x128xf32, #tpu.memory_space<hbm>>
        tpu.enqueue_dma source(%arg12 : memref<10112x128xf32, #tpu.memory_space<vmem_shared>>) target(%dma_start3A_54 : memref<10112x128xf32, #tpu.memory_space<hbm>>) target_semaphore(%run_scoped3A : memref<!tpu.dma_semaphore, #tpu.memory_space<semaphore_mem>>)
        %dma_wait3A_55 = arith.constant 0 : i32
        %dma_wait3A_56 = arith.constant 0 : i32
        %dma_wait3A_57 = tpu.memref_slice %arg5[%arg0, %dma_wait3A_55, %dma_wait3A_56] : memref<2x10112x128xf32, #tpu.memory_space<hbm>> -> memref<1x10112x128xf32, #tpu.memory_space<hbm>>
        %dma_wait3A_58 = tpu.memref_squeeze %dma_wait3A_57 : memref<1x10112x128xf32, #tpu.memory_space<hbm>> -> memref<10112x128xf32, #tpu.memory_space<hbm>>
        tpu.wait_dma2 semaphore(%run_scoped3A : memref<!tpu.dma_semaphore, #tpu.memory_space<semaphore_mem>>) src(%arg12 : memref<10112x128xf32, #tpu.memory_space<vmem_shared>>) dst(%dma_wait3A_58 : memref<10112x128xf32, #tpu.memory_space<hbm>>)
        tpu.yield
      }) : () -> ()
    } else {
    }
    return
  }
}

#map = affine_map<(d0, d1) -> (0, 0)>
#map1 = affine_map<(d0, d1) -> (0)>
#map2 = affine_map<(d0, d1) -> (0, 0, 0)>
module attributes {stable_mosaic.version = 14 : i64} {
  func.func @body(%arg0: i32, %arg1: i32, %arg2: memref<10000x128xf32, #tpu.memory_space<hbm>>, %arg3: memref<320224xi32, #tpu.memory_space<hbm>>, %arg4: memref<320224xi32, #tpu.memory_space<hbm>>, %arg5: memref<2x10112x128xf32, #tpu.memory_space<hbm>>, %arg6: memref<10080xi32, #tpu.memory_space<vmem>>, %arg7: memref<10080xi32, #tpu.memory_space<vmem>>, %arg8: memref<112xi32, #tpu.memory_space<vmem>>, %arg9: memref<112xi32, #tpu.memory_space<vmem>>, %arg10: memref<112x128xf32, #tpu.memory_space<vmem>>, %arg11: memref<112x128xf32, #tpu.memory_space<vmem>>, %arg12: memref<10112x128xf32, #tpu.memory_space<vmem_shared>>, %arg13: memref<!tpu.dma_semaphore, #tpu.memory_space<semaphore_mem>>, %arg14: memref<!tpu.dma_semaphore, #tpu.memory_space<semaphore_mem>>, %arg15: memref<!tpu.dma_semaphore, #tpu.memory_space<semaphore_mem>>, %arg16: memref<!tpu.dma_semaphore, #tpu.memory_space<semaphore_mem>>) attributes {dimension_semantics = [#tpu.dimension_semantics<core_parallel>, #tpu.dimension_semantics<subcore_parallel>], iteration_bounds = array<i64: 2, 16>, scalar_prefetch = 0 : i64, scratch_operands = 11 : i64, tpu.core_type = #tpu.core_type<sc_vector_subcore>, window_params = [{transform_indices = #map}, {transform_indices = #map1}, {transform_indices = #map1}, {transform_indices = #map2}]} {
    %mul3A = arith.constant 2 : i32
    %mul3A_0 = arith.muli %arg1, %mul3A : i32
    %add3A = arith.addi %mul3A_0, %arg0 : i32
    %scan3A = arith.constant 0 : i32
    %scan3A_1 = arith.constant 112 : i32
    %scan3A_2 = arith.addi %scan3A, %scan3A_1 : i32
    %scan3A_3 = arith.constant 1 : i32
    scf.for %scan3A_52 = %scan3A to %scan3A_2 step %scan3A_3  : i32 {
      %mul3A_53 = arith.constant 1 : i32
      %mul3A_54 = arith.muli %scan3A_52, %mul3A_53 : i32
      %add3A_55 = arith.constant 0 : i32
      %add3A_56 = arith.addi %add3A_55, %mul3A_54 : i32
      %broadcast_in_dim3A = arith.constant 0.000000e+00 : f32
      %broadcast_in_dim3A_57 = vector.broadcast %broadcast_in_dim3A : f32 to vector<16xf32>
      %swap3A = arith.index_cast %add3A_56 : i32 to index
      %swap3A_58 = arith.constant 0 : index
      %swap3A_59 = tpu.vector_load %arg10[%swap3A, %swap3A_58] {strides = array<i32>} : memref<112x128xf32, #tpu.memory_space<vmem>>, vector<1x16xf32>,
      %swap3A_60 = vector.shape_cast %swap3A_59 : vector<1x16xf32> to vector<16xf32>
      %swap3A_61 = vector.shape_cast %broadcast_in_dim3A_57 : vector<16xf32> to vector<1x16xf32>
      tpu.vector_store %arg10[%swap3A, %swap3A_58], %swap3A_61 {strides = array<i32>} : memref<112x128xf32, #tpu.memory_space<vmem>>, vector<1x16xf32>,
      %broadcast_in_dim3A_62 = arith.constant 0.000000e+00 : f32
      %broadcast_in_dim3A_63 = vector.broadcast %broadcast_in_dim3A_62 : f32 to vector<16xf32>
      %swap3A_64 = arith.index_cast %add3A_56 : i32 to index
      %swap3A_65 = arith.constant 16 : index
      %swap3A_66 = tpu.vector_load %arg10[%swap3A_64, %swap3A_65] {strides = array<i32>} : memref<112x128xf32, #tpu.memory_space<vmem>>, vector<1x16xf32>,
      %swap3A_67 = vector.shape_cast %swap3A_66 : vector<1x16xf32> to vector<16xf32>
      %swap3A_68 = vector.shape_cast %broadcast_in_dim3A_63 : vector<16xf32> to vector<1x16xf32>
      tpu.vector_store %arg10[%swap3A_64, %swap3A_65], %swap3A_68 {strides = array<i32>} : memref<112x128xf32, #tpu.memory_space<vmem>>, vector<1x16xf32>,
      %broadcast_in_dim3A_69 = arith.constant 0.000000e+00 : f32
      %broadcast_in_dim3A_70 = vector.broadcast %broadcast_in_dim3A_69 : f32 to vector<16xf32>
      %swap3A_71 = arith.index_cast %add3A_56 : i32 to index
      %swap3A_72 = arith.constant 32 : index
      %swap3A_73 = tpu.vector_load %arg10[%swap3A_71, %swap3A_72] {strides = array<i32>} : memref<112x128xf32, #tpu.memory_space<vmem>>, vector<1x16xf32>,
      %swap3A_74 = vector.shape_cast %swap3A_73 : vector<1x16xf32> to vector<16xf32>
      %swap3A_75 = vector.shape_cast %broadcast_in_dim3A_70 : vector<16xf32> to vector<1x16xf32>
      tpu.vector_store %arg10[%swap3A_71, %swap3A_72], %swap3A_75 {strides = array<i32>} : memref<112x128xf32, #tpu.memory_space<vmem>>, vector<1x16xf32>,
      %broadcast_in_dim3A_76 = arith.constant 0.000000e+00 : f32
      %broadcast_in_dim3A_77 = vector.broadcast %broadcast_in_dim3A_76 : f32 to vector<16xf32>
      %swap3A_78 = arith.index_cast %add3A_56 : i32 to index
      %swap3A_79 = arith.constant 48 : index
      %swap3A_80 = tpu.vector_load %arg10[%swap3A_78, %swap3A_79] {strides = array<i32>} : memref<112x128xf32, #tpu.memory_space<vmem>>, vector<1x16xf32>,
      %swap3A_81 = vector.shape_cast %swap3A_80 : vector<1x16xf32> to vector<16xf32>
      %swap3A_82 = vector.shape_cast %broadcast_in_dim3A_77 : vector<16xf32> to vector<1x16xf32>
      tpu.vector_store %arg10[%swap3A_78, %swap3A_79], %swap3A_82 {strides = array<i32>} : memref<112x128xf32, #tpu.memory_space<vmem>>, vector<1x16xf32>,
      %broadcast_in_dim3A_83 = arith.constant 0.000000e+00 : f32
      %broadcast_in_dim3A_84 = vector.broadcast %broadcast_in_dim3A_83 : f32 to vector<16xf32>
      %swap3A_85 = arith.index_cast %add3A_56 : i32 to index
      %swap3A_86 = arith.constant 64 : index
      %swap3A_87 = tpu.vector_load %arg10[%swap3A_85, %swap3A_86] {strides = array<i32>} : memref<112x128xf32, #tpu.memory_space<vmem>>, vector<1x16xf32>,
      %swap3A_88 = vector.shape_cast %swap3A_87 : vector<1x16xf32> to vector<16xf32>
      %swap3A_89 = vector.shape_cast %broadcast_in_dim3A_84 : vector<16xf32> to vector<1x16xf32>
      tpu.vector_store %arg10[%swap3A_85, %swap3A_86], %swap3A_89 {strides = array<i32>} : memref<112x128xf32, #tpu.memory_space<vmem>>, vector<1x16xf32>,
      %broadcast_in_dim3A_90 = arith.constant 0.000000e+00 : f32
      %broadcast_in_dim3A_91 = vector.broadcast %broadcast_in_dim3A_90 : f32 to vector<16xf32>
      %swap3A_92 = arith.index_cast %add3A_56 : i32 to index
      %swap3A_93 = arith.constant 80 : index
      %swap3A_94 = tpu.vector_load %arg10[%swap3A_92, %swap3A_93] {strides = array<i32>} : memref<112x128xf32, #tpu.memory_space<vmem>>, vector<1x16xf32>,
      %swap3A_95 = vector.shape_cast %swap3A_94 : vector<1x16xf32> to vector<16xf32>
      %swap3A_96 = vector.shape_cast %broadcast_in_dim3A_91 : vector<16xf32> to vector<1x16xf32>
      tpu.vector_store %arg10[%swap3A_92, %swap3A_93], %swap3A_96 {strides = array<i32>} : memref<112x128xf32, #tpu.memory_space<vmem>>, vector<1x16xf32>,
      %broadcast_in_dim3A_97 = arith.constant 0.000000e+00 : f32
      %broadcast_in_dim3A_98 = vector.broadcast %broadcast_in_dim3A_97 : f32 to vector<16xf32>
      %swap3A_99 = arith.index_cast %add3A_56 : i32 to index
      %swap3A_100 = arith.constant 96 : index
      %swap3A_101 = tpu.vector_load %arg10[%swap3A_99, %swap3A_100] {strides = array<i32>} : memref<112x128xf32, #tpu.memory_space<vmem>>, vector<1x16xf32>,
      %swap3A_102 = vector.shape_cast %swap3A_101 : vector<1x16xf32> to vector<16xf32>
      %swap3A_103 = vector.shape_cast %broadcast_in_dim3A_98 : vector<16xf32> to vector<1x16xf32>
      tpu.vector_store %arg10[%swap3A_99, %swap3A_100], %swap3A_103 {strides = array<i32>} : memref<112x128xf32, #tpu.memory_space<vmem>>, vector<1x16xf32>,
      %broadcast_in_dim3A_104 = arith.constant 0.000000e+00 : f32
      %broadcast_in_dim3A_105 = vector.broadcast %broadcast_in_dim3A_104 : f32 to vector<16xf32>
      %swap3A_106 = arith.index_cast %add3A_56 : i32 to index
      %swap3A_107 = arith.constant 112 : index
      %swap3A_108 = tpu.vector_load %arg10[%swap3A_106, %swap3A_107] {strides = array<i32>} : memref<112x128xf32, #tpu.memory_space<vmem>>, vector<1x16xf32>,
      %swap3A_109 = vector.shape_cast %swap3A_108 : vector<1x16xf32> to vector<16xf32>
      %swap3A_110 = vector.shape_cast %broadcast_in_dim3A_105 : vector<16xf32> to vector<1x16xf32>
      tpu.vector_store %arg10[%swap3A_106, %swap3A_107], %swap3A_110 {strides = array<i32>} : memref<112x128xf32, #tpu.memory_space<vmem>>, vector<1x16xf32>,
    }
    %scan3A_4 = arith.constant 112 : i32
    %mul3A_5 = arith.constant 632 : i32
    %mul3A_6 = arith.muli %arg1, %mul3A_5 : i32
    %add3A_7 = arith.constant 0 : i32
    %add3A_8 = arith.addi %mul3A_6, %add3A_7 : i32
    "tpu.region"() ({
      %run_scoped3A = tpu.sem_alloc : memref<!tpu.dma_semaphore, #tpu.memory_space<semaphore_mem>>
      %dma_start3A = arith.constant 0 : i32
      %dma_start3A_52 = tpu.memref_slice %arg12[%add3A_8, %dma_start3A] : memref<10112x128xf32, #tpu.memory_space<vmem_shared>> -> memref<112x128xf32, #tpu.memory_space<vmem_shared>>
      %dma_start3A_53 = arith.constant 0 : i32
      %dma_start3A_54 = tpu.memref_slice %arg12[%add3A_8, %dma_start3A_53] : memref<10112x128xf32, #tpu.memory_space<vmem_shared>> -> memref<112x128xf32, #tpu.memory_space<vmem_shared>>
      tpu.enqueue_dma source(%arg10 : memref<112x128xf32, #tpu.memory_space<vmem>>) target(%dma_start3A_54 : memref<112x128xf32, #tpu.memory_space<vmem_shared>>) target_semaphore(%run_scoped3A : memref<!tpu.dma_semaphore, #tpu.memory_space<semaphore_mem>>)
      %dma_wait3A_55 = arith.constant 0 : i32
      %dma_wait3A_56 = tpu.memref_slice %arg12[%add3A_8, %dma_wait3A_55] : memref<10112x128xf32, #tpu.memory_space<vmem_shared>> -> memref<112x128xf32, #tpu.memory_space<vmem_shared>>
      %dma_wait3A_57 = arith.constant 0 : i32
      %dma_wait3A_58 = tpu.memref_slice %arg12[%add3A_8, %dma_wait3A_57] : memref<10112x128xf32, #tpu.memory_space<vmem_shared>> -> memref<112x128xf32, #tpu.memory_space<vmem_shared>>
      tpu.wait_dma2 semaphore(%run_scoped3A : memref<!tpu.dma_semaphore, #tpu.memory_space<semaphore_mem>>) src(%arg10 : memref<112x128xf32, #tpu.memory_space<vmem>>) dst(%dma_wait3A_58 : memref<112x128xf32, #tpu.memory_space<vmem_shared>>)
      tpu.yield
    }) : () -> ()
    %mul3A_9 = arith.constant 632 : i32
    %mul3A_10 = arith.muli %arg1, %mul3A_9 : i32
    %add3A_11 = arith.constant 112 : i32
    %add3A_12 = arith.addi %mul3A_10, %add3A_11 : i32
    "tpu.region"() ({
      %run_scoped3A = tpu.sem_alloc : memref<!tpu.dma_semaphore, #tpu.memory_space<semaphore_mem>>
      %dma_start3A = arith.constant 0 : i32
      %dma_start3A_52 = tpu.memref_slice %arg12[%add3A_12, %dma_start3A] : memref<10112x128xf32, #tpu.memory_space<vmem_shared>> -> memref<112x128xf32, #tpu.memory_space<vmem_shared>>
      %dma_start3A_53 = arith.constant 0 : i32
      %dma_start3A_54 = tpu.memref_slice %arg12[%add3A_12, %dma_start3A_53] : memref<10112x128xf32, #tpu.memory_space<vmem_shared>> -> memref<112x128xf32, #tpu.memory_space<vmem_shared>>
      tpu.enqueue_dma source(%arg10 : memref<112x128xf32, #tpu.memory_space<vmem>>) target(%dma_start3A_54 : memref<112x128xf32, #tpu.memory_space<vmem_shared>>) target_semaphore(%run_scoped3A : memref<!tpu.dma_semaphore, #tpu.memory_space<semaphore_mem>>)
      %dma_wait3A_55 = arith.constant 0 : i32
      %dma_wait3A_56 = tpu.memref_slice %arg12[%add3A_12, %dma_wait3A_55] : memref<10112x128xf32, #tpu.memory_space<vmem_shared>> -> memref<112x128xf32, #tpu.memory_space<vmem_shared>>
      %dma_wait3A_57 = arith.constant 0 : i32
      %dma_wait3A_58 = tpu.memref_slice %arg12[%add3A_12, %dma_wait3A_57] : memref<10112x128xf32, #tpu.memory_space<vmem_shared>> -> memref<112x128xf32, #tpu.memory_space<vmem_shared>>
      tpu.wait_dma2 semaphore(%run_scoped3A : memref<!tpu.dma_semaphore, #tpu.memory_space<semaphore_mem>>) src(%arg10 : memref<112x128xf32, #tpu.memory_space<vmem>>) dst(%dma_wait3A_58 : memref<112x128xf32, #tpu.memory_space<vmem_shared>>)
      tpu.yield
    }) : () -> ()
    %mul3A_13 = arith.constant 632 : i32
    %mul3A_14 = arith.muli %arg1, %mul3A_13 : i32
    %add3A_15 = arith.constant 224 : i32
    %add3A_16 = arith.addi %mul3A_14, %add3A_15 : i32
    "tpu.region"() ({
      %run_scoped3A = tpu.sem_alloc : memref<!tpu.dma_semaphore, #tpu.memory_space<semaphore_mem>>
      %dma_start3A = arith.constant 0 : i32
      %dma_start3A_52 = tpu.memref_slice %arg12[%add3A_16, %dma_start3A] : memref<10112x128xf32, #tpu.memory_space<vmem_shared>> -> memref<112x128xf32, #tpu.memory_space<vmem_shared>>
      %dma_start3A_53 = arith.constant 0 : i32
      %dma_start3A_54 = tpu.memref_slice %arg12[%add3A_16, %dma_start3A_53] : memref<10112x128xf32, #tpu.memory_space<vmem_shared>> -> memref<112x128xf32, #tpu.memory_space<vmem_shared>>
      tpu.enqueue_dma source(%arg10 : memref<112x128xf32, #tpu.memory_space<vmem>>) target(%dma_start3A_54 : memref<112x128xf32, #tpu.memory_space<vmem_shared>>) target_semaphore(%run_scoped3A : memref<!tpu.dma_semaphore, #tpu.memory_space<semaphore_mem>>)
      %dma_wait3A_55 = arith.constant 0 : i32
      %dma_wait3A_56 = tpu.memref_slice %arg12[%add3A_16, %dma_wait3A_55] : memref<10112x128xf32, #tpu.memory_space<vmem_shared>> -> memref<112x128xf32, #tpu.memory_space<vmem_shared>>
      %dma_wait3A_57 = arith.constant 0 : i32
      %dma_wait3A_58 = tpu.memref_slice %arg12[%add3A_16, %dma_wait3A_57] : memref<10112x128xf32, #tpu.memory_space<vmem_shared>> -> memref<112x128xf32, #tpu.memory_space<vmem_shared>>
      tpu.wait_dma2 semaphore(%run_scoped3A : memref<!tpu.dma_semaphore, #tpu.memory_space<semaphore_mem>>) src(%arg10 : memref<112x128xf32, #tpu.memory_space<vmem>>) dst(%dma_wait3A_58 : memref<112x128xf32, #tpu.memory_space<vmem_shared>>)
      tpu.yield
    }) : () -> ()
    %mul3A_17 = arith.constant 632 : i32
    %mul3A_18 = arith.muli %arg1, %mul3A_17 : i32
    %add3A_19 = arith.constant 336 : i32
    %add3A_20 = arith.addi %mul3A_18, %add3A_19 : i32
    "tpu.region"() ({
      %run_scoped3A = tpu.sem_alloc : memref<!tpu.dma_semaphore, #tpu.memory_space<semaphore_mem>>
      %dma_start3A = arith.constant 0 : i32
      %dma_start3A_52 = tpu.memref_slice %arg12[%add3A_20, %dma_start3A] : memref<10112x128xf32, #tpu.memory_space<vmem_shared>> -> memref<112x128xf32, #tpu.memory_space<vmem_shared>>
      %dma_start3A_53 = arith.constant 0 : i32
      %dma_start3A_54 = tpu.memref_slice %arg12[%add3A_20, %dma_start3A_53] : memref<10112x128xf32, #tpu.memory_space<vmem_shared>> -> memref<112x128xf32, #tpu.memory_space<vmem_shared>>
      tpu.enqueue_dma source(%arg10 : memref<112x128xf32, #tpu.memory_space<vmem>>) target(%dma_start3A_54 : memref<112x128xf32, #tpu.memory_space<vmem_shared>>) target_semaphore(%run_scoped3A : memref<!tpu.dma_semaphore, #tpu.memory_space<semaphore_mem>>)
      %dma_wait3A_55 = arith.constant 0 : i32
      %dma_wait3A_56 = tpu.memref_slice %arg12[%add3A_20, %dma_wait3A_55] : memref<10112x128xf32, #tpu.memory_space<vmem_shared>> -> memref<112x128xf32, #tpu.memory_space<vmem_shared>>
      %dma_wait3A_57 = arith.constant 0 : i32
      %dma_wait3A_58 = tpu.memref_slice %arg12[%add3A_20, %dma_wait3A_57] : memref<10112x128xf32, #tpu.memory_space<vmem_shared>> -> memref<112x128xf32, #tpu.memory_space<vmem_shared>>
      tpu.wait_dma2 semaphore(%run_scoped3A : memref<!tpu.dma_semaphore, #tpu.memory_space<semaphore_mem>>) src(%arg10 : memref<112x128xf32, #tpu.memory_space<vmem>>) dst(%dma_wait3A_58 : memref<112x128xf32, #tpu.memory_space<vmem_shared>>)
      tpu.yield
    }) : () -> ()
    %mul3A_21 = arith.constant 632 : i32
    %mul3A_22 = arith.muli %arg1, %mul3A_21 : i32
    %add3A_23 = arith.constant 448 : i32
    %add3A_24 = arith.addi %mul3A_22, %add3A_23 : i32
    "tpu.region"() ({
      %run_scoped3A = tpu.sem_alloc : memref<!tpu.dma_semaphore, #tpu.memory_space<semaphore_mem>>
      %dma_start3A = arith.constant 0 : i32
      %dma_start3A_52 = tpu.memref_slice %arg12[%add3A_24, %dma_start3A] : memref<10112x128xf32, #tpu.memory_space<vmem_shared>> -> memref<112x128xf32, #tpu.memory_space<vmem_shared>>
      %dma_start3A_53 = arith.constant 0 : i32
      %dma_start3A_54 = tpu.memref_slice %arg12[%add3A_24, %dma_start3A_53] : memref<10112x128xf32, #tpu.memory_space<vmem_shared>> -> memref<112x128xf32, #tpu.memory_space<vmem_shared>>
      tpu.enqueue_dma source(%arg10 : memref<112x128xf32, #tpu.memory_space<vmem>>) target(%dma_start3A_54 : memref<112x128xf32, #tpu.memory_space<vmem_shared>>) target_semaphore(%run_scoped3A : memref<!tpu.dma_semaphore, #tpu.memory_space<semaphore_mem>>)
      %dma_wait3A_55 = arith.constant 0 : i32
      %dma_wait3A_56 = tpu.memref_slice %arg12[%add3A_24, %dma_wait3A_55] : memref<10112x128xf32, #tpu.memory_space<vmem_shared>> -> memref<112x128xf32, #tpu.memory_space<vmem_shared>>
      %dma_wait3A_57 = arith.constant 0 : i32
      %dma_wait3A_58 = tpu.memref_slice %arg12[%add3A_24, %dma_wait3A_57] : memref<10112x128xf32, #tpu.memory_space<vmem_shared>> -> memref<112x128xf32, #tpu.memory_space<vmem_shared>>
      tpu.wait_dma2 semaphore(%run_scoped3A : memref<!tpu.dma_semaphore, #tpu.memory_space<semaphore_mem>>) src(%arg10 : memref<112x128xf32, #tpu.memory_space<vmem>>) dst(%dma_wait3A_58 : memref<112x128xf32, #tpu.memory_space<vmem_shared>>)
      tpu.yield
    }) : () -> ()
    %mul3A_25 = arith.constant 632 : i32
    %mul3A_26 = arith.muli %arg1, %mul3A_25 : i32
    %add3A_27 = arith.constant 560 : i32
    %add3A_28 = arith.addi %mul3A_26, %add3A_27 : i32
    "tpu.region"() ({
      %run_scoped3A = tpu.sem_alloc : memref<!tpu.dma_semaphore, #tpu.memory_space<semaphore_mem>>
      %dma_start3A = arith.constant 0 : i32
      %dma_start3A_52 = arith.constant 0 : i32
      %dma_start3A_53 = tpu.memref_slice %arg10[%dma_start3A, %dma_start3A_52] : memref<112x128xf32, #tpu.memory_space<vmem>> -> memref<72x128xf32, #tpu.memory_space<vmem>>
      %dma_start3A_54 = arith.constant 0 : i32
      %dma_start3A_55 = tpu.memref_slice %arg12[%add3A_28, %dma_start3A_54] : memref<10112x128xf32, #tpu.memory_space<vmem_shared>> -> memref<72x128xf32, #tpu.memory_space<vmem_shared>>
      %dma_start3A_56 = arith.constant 0 : i32
      %dma_start3A_57 = tpu.memref_slice %arg12[%add3A_28, %dma_start3A_56] : memref<10112x128xf32, #tpu.memory_space<vmem_shared>> -> memref<72x128xf32, #tpu.memory_space<vmem_shared>>
      %dma_start3A_58 = arith.constant 0 : i32
      %dma_start3A_59 = arith.constant 0 : i32
      %dma_start3A_60 = tpu.memref_slice %arg10[%dma_start3A_58, %dma_start3A_59] : memref<112x128xf32, #tpu.memory_space<vmem>> -> memref<72x128xf32, #tpu.memory_space<vmem>>
      tpu.enqueue_dma source(%dma_start3A_60 : memref<72x128xf32, #tpu.memory_space<vmem>>) target(%dma_start3A_57 : memref<72x128xf32, #tpu.memory_space<vmem_shared>>) target_semaphore(%run_scoped3A : memref<!tpu.dma_semaphore, #tpu.memory_space<semaphore_mem>>)
      %dma_wait3A_61 = arith.constant 0 : i32
      %dma_wait3A_62 = arith.constant 0 : i32
      %dma_wait3A_63 = tpu.memref_slice %arg10[%dma_wait3A_61, %dma_wait3A_62] : memref<112x128xf32, #tpu.memory_space<vmem>> -> memref<72x128xf32, #tpu.memory_space<vmem>>
      %dma_wait3A_64 = arith.constant 0 : i32
      %dma_wait3A_65 = tpu.memref_slice %arg12[%add3A_28, %dma_wait3A_64] : memref<10112x128xf32, #tpu.memory_space<vmem_shared>> -> memref<72x128xf32, #tpu.memory_space<vmem_shared>>
      %dma_wait3A_66 = arith.constant 0 : i32
      %dma_wait3A_67 = tpu.memref_slice %arg12[%add3A_28, %dma_wait3A_66] : memref<10112x128xf32, #tpu.memory_space<vmem_shared>> -> memref<72x128xf32, #tpu.memory_space<vmem_shared>>
      %dma_wait3A_68 = arith.constant 0 : i32
      %dma_wait3A_69 = arith.constant 0 : i32
      %dma_wait3A_70 = tpu.memref_slice %arg10[%dma_wait3A_68, %dma_wait3A_69] : memref<112x128xf32, #tpu.memory_space<vmem>> -> memref<72x128xf32, #tpu.memory_space<vmem>>
      tpu.wait_dma2 semaphore(%run_scoped3A : memref<!tpu.dma_semaphore, #tpu.memory_space<semaphore_mem>>) src(%dma_wait3A_70 : memref<72x128xf32, #tpu.memory_space<vmem>>) dst(%dma_wait3A_67 : memref<72x128xf32, #tpu.memory_space<vmem_shared>>)
      tpu.yield
    }) : () -> ()
    %lt3A = arith.constant 10 : i32
    %lt3A_29 = arith.cmpi slt, %add3A, %lt3A : i32
    %jit3A = arith.constant 1 : i32
    %jit3A_30 = arith.constant 0 : i32
    %select_n3A = arith.select %lt3A_29, %jit3A, %jit3A_30 : i32
    %add3A_31 = arith.constant 89 : i32
    %add3A_32 = arith.addi %add3A_31, %select_n3A : i32
    %mul3A_33 = arith.constant 89 : i32
    %mul3A_34 = arith.muli %add3A, %mul3A_33 : i32
    %min3A = arith.constant 10 : i32
    %min3A_35 = arith.minsi %add3A, %min3A : i32
    %add3A_36 = arith.addi %mul3A_34, %min3A_35 : i32
    %mul3A_37 = arith.constant 112 : i32
    %mul3A_38 = arith.muli %add3A_36, %mul3A_37 : i32
    "tpu.region"() ({
      %run_scoped3A = tpu.sem_alloc : memref<!tpu.dma_semaphore, #tpu.memory_space<semaphore_mem>>
      %dma_start3A = tpu.memref_slice %arg3[%mul3A_38] : memref<320224xi32, #tpu.memory_space<hbm>> -> memref<10080xi32, #tpu.memory_space<hbm>>
      %dma_start3A_52 = tpu.memref_slice %arg3[%mul3A_38] : memref<320224xi32, #tpu.memory_space<hbm>> -> memref<10080xi32, #tpu.memory_space<hbm>>
      tpu.enqueue_dma source(%dma_start3A_52 : memref<10080xi32, #tpu.memory_space<hbm>>) target(%arg6 : memref<10080xi32, #tpu.memory_space<vmem>>) target_semaphore(%run_scoped3A : memref<!tpu.dma_semaphore, #tpu.memory_space<semaphore_mem>>)
      %dma_wait3A_53 = tpu.memref_slice %arg3[%mul3A_38] : memref<320224xi32, #tpu.memory_space<hbm>> -> memref<10080xi32, #tpu.memory_space<hbm>>
      %dma_wait3A_54 = tpu.memref_slice %arg3[%mul3A_38] : memref<320224xi32, #tpu.memory_space<hbm>> -> memref<10080xi32, #tpu.memory_space<hbm>>
      tpu.wait_dma2 semaphore(%run_scoped3A : memref<!tpu.dma_semaphore, #tpu.memory_space<semaphore_mem>>) src(%dma_wait3A_54 : memref<10080xi32, #tpu.memory_space<hbm>>) dst(%arg6 : memref<10080xi32, #tpu.memory_space<vmem>>)
      tpu.yield
    }) : () -> ()
    "tpu.region"() ({
      %run_scoped3A = tpu.sem_alloc : memref<!tpu.dma_semaphore, #tpu.memory_space<semaphore_mem>>
      %dma_start3A = tpu.memref_slice %arg4[%mul3A_38] : memref<320224xi32, #tpu.memory_space<hbm>> -> memref<10080xi32, #tpu.memory_space<hbm>>
      %dma_start3A_52 = tpu.memref_slice %arg4[%mul3A_38] : memref<320224xi32, #tpu.memory_space<hbm>> -> memref<10080xi32, #tpu.memory_space<hbm>>
      tpu.enqueue_dma source(%dma_start3A_52 : memref<10080xi32, #tpu.memory_space<hbm>>) target(%arg7 : memref<10080xi32, #tpu.memory_space<vmem>>) target_semaphore(%run_scoped3A : memref<!tpu.dma_semaphore, #tpu.memory_space<semaphore_mem>>)
      %dma_wait3A_53 = tpu.memref_slice %arg4[%mul3A_38] : memref<320224xi32, #tpu.memory_space<hbm>> -> memref<10080xi32, #tpu.memory_space<hbm>>
      %dma_wait3A_54 = tpu.memref_slice %arg4[%mul3A_38] : memref<320224xi32, #tpu.memory_space<hbm>> -> memref<10080xi32, #tpu.memory_space<hbm>>
      tpu.wait_dma2 semaphore(%run_scoped3A : memref<!tpu.dma_semaphore, #tpu.memory_space<semaphore_mem>>) src(%dma_wait3A_54 : memref<10080xi32, #tpu.memory_space<hbm>>) dst(%arg7 : memref<10080xi32, #tpu.memory_space<vmem>>)
      tpu.yield
    }) : () -> ()
    %barrier3A = arith.constant 0 : index
    tpu.barrier barrier_id(%barrier3A)
    %scan3A_39 = arith.constant 0 : i32
    %scan3A_40 = arith.constant 91 : i32
    %scan3A_41 = arith.addi %scan3A_39, %scan3A_40 : i32
    %scan3A_42 = arith.constant 1 : i32
    scf.for %scan3A_52 = %scan3A_39 to %scan3A_41 step %scan3A_42  : i32 {
      %mul3A_53 = arith.constant 1 : i32
      %mul3A_54 = arith.muli %scan3A_52, %mul3A_53 : i32
      %add3A_55 = arith.constant 0 : i32
      %add3A_56 = arith.addi %add3A_55, %mul3A_54 : i32
      %lt3A_57 = arith.cmpi slt, %add3A_56, %add3A_32 : i32
      %jit3A_58 = arith.constant 2 : i32
      %eq3A_59 = arith.constant 0 : i32
      %eq3A_60 = arith.cmpi eq, %jit3A_58, %eq3A_59 : i32
      %jit3A_61 = arith.constant 1 : i32
      %select_n3A_62 = arith.select %eq3A_60, %jit3A_61, %jit3A_58 : i32
      %rem3A = arith.remsi %add3A_56, %select_n3A_62 : i32
      %ne3A = arith.constant 0 : i32
      %ne3A_63 = arith.cmpi ne, %rem3A, %ne3A : i32
      %lt3A_64 = arith.constant 0 : i32
      %lt3A_65 = arith.cmpi slt, %rem3A, %lt3A_64 : i32
      %lt3A_66 = arith.constant 0 : i32
      %lt3A_67 = arith.cmpi slt, %select_n3A_62, %lt3A_66 : i32
      %ne3A_68 = arith.xori %lt3A_65, %lt3A_67 : i1
      %and3A = arith.andi %ne3A_68, %ne3A_63 : i1
      %add3A_69 = arith.addi %rem3A, %select_n3A_62 : i32
      %select_n3A_70 = arith.select %and3A, %add3A_69, %rem3A : i32
      %eq3A_71 = arith.constant 0 : i32
      %eq3A_72 = arith.cmpi eq, %select_n3A_70, %eq3A_71 : i32
      %and3A_73 = arith.andi %lt3A_57, %eq3A_72 : i1
      %convert_element_type3A_74 = arith.extui %and3A_73 : i1 to i32
      %cond3A_75 = arith.constant 0 : i32
      %cond3A_76 = arith.cmpi ne, %convert_element_type3A_74, %cond3A_75 : i32
      scf.if %cond3A_76 {
        %ge3A_150 = arith.constant 2 : i32
        %ge3A_151 = arith.cmpi sge, %add3A_56, %ge3A_150 : i32
        %convert_element_type3A_152 = arith.extui %ge3A_151 : i1 to i32
        %cond3A_153 = arith.constant 0 : i32
        %cond3A_154 = arith.cmpi ne, %convert_element_type3A_152, %cond3A_153 : i32
        scf.if %cond3A_154 {
          %dma_wait3A_235 = arith.constant 0 : i32
          %dma_wait3A_236 = arith.constant 0 : i32
          %dma_wait3A_237 = tpu.memref_slice %arg12[%dma_wait3A_235, %dma_wait3A_236] : memref<10112x128xf32, #tpu.memory_space<vmem_shared>> -> memref<10112x128xf32, #tpu.memory_space<vmem_shared>>
          tpu.wait_indirect_dma semaphore(%arg15 : memref<!tpu.dma_semaphore, #tpu.memory_space<semaphore_mem>>) src(%arg10 : memref<112x128xf32, #tpu.memory_space<vmem>>) dst(%dma_wait3A_237 : memref<10112x128xf32, #tpu.memory_space<vmem_shared>>)
        } else {
        }
        %mul3A_155 = arith.constant 112 : i32
        %mul3A_156 = arith.muli %add3A_56, %mul3A_155 : i32
        %add3A_157 = arith.constant 0 : i32
        %add3A_158 = arith.addi %mul3A_156, %add3A_157 : i32
        %get3A = arith.index_cast %add3A_158 : i32 to index
        %get3A_159 = tpu.vector_load %arg7[%get3A] {strides = array<i32>} : memref<10080xi32, #tpu.memory_space<vmem>>, vector<16xi32>,
        %get3A_160 = vector.shape_cast %get3A_159 : vector<16xi32> to vector<16xi32>
        %swap3A = arith.constant 0 : index
        %swap3A_161 = tpu.vector_load %arg8[%swap3A] {strides = array<i32>} : memref<112xi32, #tpu.memory_space<vmem>>, vector<16xi32>,
        %swap3A_162 = vector.shape_cast %swap3A_161 : vector<16xi32> to vector<16xi32>
        %swap3A_163 = vector.shape_cast %get3A_160 : vector<16xi32> to vector<16xi32>
        tpu.vector_store %arg8[%swap3A], %swap3A_163 {strides = array<i32>} : memref<112xi32, #tpu.memory_space<vmem>>, vector<16xi32>,
        %mul3A_164 = arith.constant 112 : i32
        %mul3A_165 = arith.muli %add3A_56, %mul3A_164 : i32
        %add3A_166 = arith.constant 16 : i32
        %add3A_167 = arith.addi %mul3A_165, %add3A_166 : i32
        %get3A_168 = arith.index_cast %add3A_167 : i32 to index
        %get3A_169 = tpu.vector_load %arg7[%get3A_168] {strides = array<i32>} : memref<10080xi32, #tpu.memory_space<vmem>>, vector<16xi32>,
        %get3A_170 = vector.shape_cast %get3A_169 : vector<16xi32> to vector<16xi32>
        %swap3A_171 = arith.constant 16 : index
        %swap3A_172 = tpu.vector_load %arg8[%swap3A_171] {strides = array<i32>} : memref<112xi32, #tpu.memory_space<vmem>>, vector<16xi32>,
        %swap3A_173 = vector.shape_cast %swap3A_172 : vector<16xi32> to vector<16xi32>
        %swap3A_174 = vector.shape_cast %get3A_170 : vector<16xi32> to vector<16xi32>
        tpu.vector_store %arg8[%swap3A_171], %swap3A_174 {strides = array<i32>} : memref<112xi32, #tpu.memory_space<vmem>>, vector<16xi32>,
        %mul3A_175 = arith.constant 112 : i32
        %mul3A_176 = arith.muli %add3A_56, %mul3A_175 : i32
        %add3A_177 = arith.constant 32 : i32
        %add3A_178 = arith.addi %mul3A_176, %add3A_177 : i32
        %get3A_179 = arith.index_cast %add3A_178 : i32 to index
        %get3A_180 = tpu.vector_load %arg7[%get3A_179] {strides = array<i32>} : memref<10080xi32, #tpu.memory_space<vmem>>, vector<16xi32>,
        %get3A_181 = vector.shape_cast %get3A_180 : vector<16xi32> to vector<16xi32>
        %swap3A_182 = arith.constant 32 : index
        %swap3A_183 = tpu.vector_load %arg8[%swap3A_182] {strides = array<i32>} : memref<112xi32, #tpu.memory_space<vmem>>, vector<16xi32>,
        %swap3A_184 = vector.shape_cast %swap3A_183 : vector<16xi32> to vector<16xi32>
        %swap3A_185 = vector.shape_cast %get3A_181 : vector<16xi32> to vector<16xi32>
        tpu.vector_store %arg8[%swap3A_182], %swap3A_185 {strides = array<i32>} : memref<112xi32, #tpu.memory_space<vmem>>, vector<16xi32>,
        %mul3A_186 = arith.constant 112 : i32
        %mul3A_187 = arith.muli %add3A_56, %mul3A_186 : i32
        %add3A_188 = arith.constant 48 : i32
        %add3A_189 = arith.addi %mul3A_187, %add3A_188 : i32
        %get3A_190 = arith.index_cast %add3A_189 : i32 to index
        %get3A_191 = tpu.vector_load %arg7[%get3A_190] {strides = array<i32>} : memref<10080xi32, #tpu.memory_space<vmem>>, vector<16xi32>,
        %get3A_192 = vector.shape_cast %get3A_191 : vector<16xi32> to vector<16xi32>
        %swap3A_193 = arith.constant 48 : index
        %swap3A_194 = tpu.vector_load %arg8[%swap3A_193] {strides = array<i32>} : memref<112xi32, #tpu.memory_space<vmem>>, vector<16xi32>,
        %swap3A_195 = vector.shape_cast %swap3A_194 : vector<16xi32> to vector<16xi32>
        %swap3A_196 = vector.shape_cast %get3A_192 : vector<16xi32> to vector<16xi32>
        tpu.vector_store %arg8[%swap3A_193], %swap3A_196 {strides = array<i32>} : memref<112xi32, #tpu.memory_space<vmem>>, vector<16xi32>,
        %mul3A_197 = arith.constant 112 : i32
        %mul3A_198 = arith.muli %add3A_56, %mul3A_197 : i32
        %add3A_199 = arith.constant 64 : i32
        %add3A_200 = arith.addi %mul3A_198, %add3A_199 : i32
        %get3A_201 = arith.index_cast %add3A_200 : i32 to index
        %get3A_202 = tpu.vector_load %arg7[%get3A_201] {strides = array<i32>} : memref<10080xi32, #tpu.memory_space<vmem>>, vector<16xi32>,
        %get3A_203 = vector.shape_cast %get3A_202 : vector<16xi32> to vector<16xi32>
        %swap3A_204 = arith.constant 64 : index
        %swap3A_205 = tpu.vector_load %arg8[%swap3A_204] {strides = array<i32>} : memref<112xi32, #tpu.memory_space<vmem>>, vector<16xi32>,
        %swap3A_206 = vector.shape_cast %swap3A_205 : vector<16xi32> to vector<16xi32>
        %swap3A_207 = vector.shape_cast %get3A_203 : vector<16xi32> to vector<16xi32>
        tpu.vector_store %arg8[%swap3A_204], %swap3A_207 {strides = array<i32>} : memref<112xi32, #tpu.memory_space<vmem>>, vector<16xi32>,
        %mul3A_208 = arith.constant 112 : i32
        %mul3A_209 = arith.muli %add3A_56, %mul3A_208 : i32
        %add3A_210 = arith.constant 80 : i32
        %add3A_211 = arith.addi %mul3A_209, %add3A_210 : i32
        %get3A_212 = arith.index_cast %add3A_211 : i32 to index
        %get3A_213 = tpu.vector_load %arg7[%get3A_212] {strides = array<i32>} : memref<10080xi32, #tpu.memory_space<vmem>>, vector<16xi32>,
        %get3A_214 = vector.shape_cast %get3A_213 : vector<16xi32> to vector<16xi32>
        %swap3A_215 = arith.constant 80 : index
        %swap3A_216 = tpu.vector_load %arg8[%swap3A_215] {strides = array<i32>} : memref<112xi32, #tpu.memory_space<vmem>>, vector<16xi32>,
        %swap3A_217 = vector.shape_cast %swap3A_216 : vector<16xi32> to vector<16xi32>
        %swap3A_218 = vector.shape_cast %get3A_214 : vector<16xi32> to vector<16xi32>
        tpu.vector_store %arg8[%swap3A_215], %swap3A_218 {strides = array<i32>} : memref<112xi32, #tpu.memory_space<vmem>>, vector<16xi32>,
        %mul3A_219 = arith.constant 112 : i32
        %mul3A_220 = arith.muli %add3A_56, %mul3A_219 : i32
        %add3A_221 = arith.constant 96 : i32
        %add3A_222 = arith.addi %mul3A_220, %add3A_221 : i32
        %get3A_223 = arith.index_cast %add3A_222 : i32 to index
        %get3A_224 = tpu.vector_load %arg7[%get3A_223] {strides = array<i32>} : memref<10080xi32, #tpu.memory_space<vmem>>, vector<16xi32>,
        %get3A_225 = vector.shape_cast %get3A_224 : vector<16xi32> to vector<16xi32>
        %swap3A_226 = arith.constant 96 : index
        %swap3A_227 = tpu.vector_load %arg8[%swap3A_226] {strides = array<i32>} : memref<112xi32, #tpu.memory_space<vmem>>, vector<16xi32>,
        %swap3A_228 = vector.shape_cast %swap3A_227 : vector<16xi32> to vector<16xi32>
        %swap3A_229 = vector.shape_cast %get3A_225 : vector<16xi32> to vector<16xi32>
        tpu.vector_store %arg8[%swap3A_226], %swap3A_229 {strides = array<i32>} : memref<112xi32, #tpu.memory_space<vmem>>, vector<16xi32>,
        %mul3A_230 = arith.constant 112 : i32
        %mul3A_231 = arith.muli %add3A_56, %mul3A_230 : i32
        %dma_start3A = tpu.memref_slice %arg6[%mul3A_231] : memref<10080xi32, #tpu.memory_space<vmem>> -> memref<112xi32, #tpu.memory_space<vmem>>
        %dma_start3A_232 = arith.constant 0 : i32
        %dma_start3A_233 = arith.constant 0 : i32
        %dma_start3A_234 = tpu.memref_slice %arg2[%dma_start3A_232, %dma_start3A_233] : memref<10000x128xf32, #tpu.memory_space<hbm>> -> memref<10000x128xf32, #tpu.memory_space<hbm>>
        tpu.enqueue_indirect_dma source(%dma_start3A_234 : memref<10000x128xf32, #tpu.memory_space<hbm>>) target(%arg10 : memref<112x128xf32, #tpu.memory_space<vmem>>) offsets(%dma_start3A : memref<112xi32, #tpu.memory_space<vmem>>) semaphore(%arg13 : memref<!tpu.dma_semaphore, #tpu.memory_space<semaphore_mem>>)
      } else {
      }
      %lt3A_77 = arith.cmpi slt, %add3A_56, %add3A_32 : i32
      %jit3A_78 = arith.constant 2 : i32
      %eq3A_79 = arith.constant 0 : i32
      %eq3A_80 = arith.cmpi eq, %jit3A_78, %eq3A_79 : i32
      %jit3A_81 = arith.constant 1 : i32
      %select_n3A_82 = arith.select %eq3A_80, %jit3A_81, %jit3A_78 : i32
      %rem3A_83 = arith.remsi %add3A_56, %select_n3A_82 : i32
      %ne3A_84 = arith.constant 0 : i32
      %ne3A_85 = arith.cmpi ne, %rem3A_83, %ne3A_84 : i32
      %lt3A_86 = arith.constant 0 : i32
      %lt3A_87 = arith.cmpi slt, %rem3A_83, %lt3A_86 : i32
      %lt3A_88 = arith.constant 0 : i32
      %lt3A_89 = arith.cmpi slt, %select_n3A_82, %lt3A_88 : i32
      %ne3A_90 = arith.xori %lt3A_87, %lt3A_89 : i1
      %and3A_91 = arith.andi %ne3A_90, %ne3A_85 : i1
      %add3A_92 = arith.addi %rem3A_83, %select_n3A_82 : i32
      %select_n3A_93 = arith.select %and3A_91, %add3A_92, %rem3A_83 : i32
      %eq3A_94 = arith.constant 1 : i32
      %eq3A_95 = arith.cmpi eq, %select_n3A_93, %eq3A_94 : i32
      %and3A_96 = arith.andi %lt3A_77, %eq3A_95 : i1
      %convert_element_type3A_97 = arith.extui %and3A_96 : i1 to i32
      %cond3A_98 = arith.constant 0 : i32
      %cond3A_99 = arith.cmpi ne, %convert_element_type3A_97, %cond3A_98 : i32
      scf.if %cond3A_99 {
        %ge3A_150 = arith.constant 2 : i32
        %ge3A_151 = arith.cmpi sge, %add3A_56, %ge3A_150 : i32
        %convert_element_type3A_152 = arith.extui %ge3A_151 : i1 to i32
        %cond3A_153 = arith.constant 0 : i32
        %cond3A_154 = arith.cmpi ne, %convert_element_type3A_152, %cond3A_153 : i32
        scf.if %cond3A_154 {
          %dma_wait3A_235 = arith.constant 0 : i32
          %dma_wait3A_236 = arith.constant 0 : i32
          %dma_wait3A_237 = tpu.memref_slice %arg12[%dma_wait3A_235, %dma_wait3A_236] : memref<10112x128xf32, #tpu.memory_space<vmem_shared>> -> memref<10112x128xf32, #tpu.memory_space<vmem_shared>>
          tpu.wait_indirect_dma semaphore(%arg16 : memref<!tpu.dma_semaphore, #tpu.memory_space<semaphore_mem>>) src(%arg11 : memref<112x128xf32, #tpu.memory_space<vmem>>) dst(%dma_wait3A_237 : memref<10112x128xf32, #tpu.memory_space<vmem_shared>>)
        } else {
        }
        %mul3A_155 = arith.constant 112 : i32
        %mul3A_156 = arith.muli %add3A_56, %mul3A_155 : i32
        %add3A_157 = arith.constant 0 : i32
        %add3A_158 = arith.addi %mul3A_156, %add3A_157 : i32
        %get3A = arith.index_cast %add3A_158 : i32 to index
        %get3A_159 = tpu.vector_load %arg7[%get3A] {strides = array<i32>} : memref<10080xi32, #tpu.memory_space<vmem>>, vector<16xi32>,
        %get3A_160 = vector.shape_cast %get3A_159 : vector<16xi32> to vector<16xi32>
        %swap3A = arith.constant 0 : index
        %swap3A_161 = tpu.vector_load %arg9[%swap3A] {strides = array<i32>} : memref<112xi32, #tpu.memory_space<vmem>>, vector<16xi32>,
        %swap3A_162 = vector.shape_cast %swap3A_161 : vector<16xi32> to vector<16xi32>
        %swap3A_163 = vector.shape_cast %get3A_160 : vector<16xi32> to vector<16xi32>
        tpu.vector_store %arg9[%swap3A], %swap3A_163 {strides = array<i32>} : memref<112xi32, #tpu.memory_space<vmem>>, vector<16xi32>,
        %mul3A_164 = arith.constant 112 : i32
        %mul3A_165 = arith.muli %add3A_56, %mul3A_164 : i32
        %add3A_166 = arith.constant 16 : i32
        %add3A_167 = arith.addi %mul3A_165, %add3A_166 : i32
        %get3A_168 = arith.index_cast %add3A_167 : i32 to index
        %get3A_169 = tpu.vector_load %arg7[%get3A_168] {strides = array<i32>} : memref<10080xi32, #tpu.memory_space<vmem>>, vector<16xi32>,
        %get3A_170 = vector.shape_cast %get3A_169 : vector<16xi32> to vector<16xi32>
        %swap3A_171 = arith.constant 16 : index
        %swap3A_172 = tpu.vector_load %arg9[%swap3A_171] {strides = array<i32>} : memref<112xi32, #tpu.memory_space<vmem>>, vector<16xi32>,
        %swap3A_173 = vector.shape_cast %swap3A_172 : vector<16xi32> to vector<16xi32>
        %swap3A_174 = vector.shape_cast %get3A_170 : vector<16xi32> to vector<16xi32>
        tpu.vector_store %arg9[%swap3A_171], %swap3A_174 {strides = array<i32>} : memref<112xi32, #tpu.memory_space<vmem>>, vector<16xi32>,
        %mul3A_175 = arith.constant 112 : i32
        %mul3A_176 = arith.muli %add3A_56, %mul3A_175 : i32
        %add3A_177 = arith.constant 32 : i32
        %add3A_178 = arith.addi %mul3A_176, %add3A_177 : i32
        %get3A_179 = arith.index_cast %add3A_178 : i32 to index
        %get3A_180 = tpu.vector_load %arg7[%get3A_179] {strides = array<i32>} : memref<10080xi32, #tpu.memory_space<vmem>>, vector<16xi32>,
        %get3A_181 = vector.shape_cast %get3A_180 : vector<16xi32> to vector<16xi32>
        %swap3A_182 = arith.constant 32 : index
        %swap3A_183 = tpu.vector_load %arg9[%swap3A_182] {strides = array<i32>} : memref<112xi32, #tpu.memory_space<vmem>>, vector<16xi32>,
        %swap3A_184 = vector.shape_cast %swap3A_183 : vector<16xi32> to vector<16xi32>
        %swap3A_185 = vector.shape_cast %get3A_181 : vector<16xi32> to vector<16xi32>
        tpu.vector_store %arg9[%swap3A_182], %swap3A_185 {strides = array<i32>} : memref<112xi32, #tpu.memory_space<vmem>>, vector<16xi32>,
        %mul3A_186 = arith.constant 112 : i32
        %mul3A_187 = arith.muli %add3A_56, %mul3A_186 : i32
        %add3A_188 = arith.constant 48 : i32
        %add3A_189 = arith.addi %mul3A_187, %add3A_188 : i32
        %get3A_190 = arith.index_cast %add3A_189 : i32 to index
        %get3A_191 = tpu.vector_load %arg7[%get3A_190] {strides = array<i32>} : memref<10080xi32, #tpu.memory_space<vmem>>, vector<16xi32>,
        %get3A_192 = vector.shape_cast %get3A_191 : vector<16xi32> to vector<16xi32>
        %swap3A_193 = arith.constant 48 : index
        %swap3A_194 = tpu.vector_load %arg9[%swap3A_193] {strides = array<i32>} : memref<112xi32, #tpu.memory_space<vmem>>, vector<16xi32>,
        %swap3A_195 = vector.shape_cast %swap3A_194 : vector<16xi32> to vector<16xi32>
        %swap3A_196 = vector.shape_cast %get3A_192 : vector<16xi32> to vector<16xi32>
        tpu.vector_store %arg9[%swap3A_193], %swap3A_196 {strides = array<i32>} : memref<112xi32, #tpu.memory_space<vmem>>, vector<16xi32>,
        %mul3A_197 = arith.constant 112 : i32
        %mul3A_198 = arith.muli %add3A_56, %mul3A_197 : i32
        %add3A_199 = arith.constant 64 : i32
        %add3A_200 = arith.addi %mul3A_198, %add3A_199 : i32
        %get3A_201 = arith.index_cast %add3A_200 : i32 to index
        %get3A_202 = tpu.vector_load %arg7[%get3A_201] {strides = array<i32>} : memref<10080xi32, #tpu.memory_space<vmem>>, vector<16xi32>,
        %get3A_203 = vector.shape_cast %get3A_202 : vector<16xi32> to vector<16xi32>
        %swap3A_204 = arith.constant 64 : index
        %swap3A_205 = tpu.vector_load %arg9[%swap3A_204] {strides = array<i32>} : memref<112xi32, #tpu.memory_space<vmem>>, vector<16xi32>,
        %swap3A_206 = vector.shape_cast %swap3A_205 : vector<16xi32> to vector<16xi32>
        %swap3A_207 = vector.shape_cast %get3A_203 : vector<16xi32> to vector<16xi32>
        tpu.vector_store %arg9[%swap3A_204], %swap3A_207 {strides = array<i32>} : memref<112xi32, #tpu.memory_space<vmem>>, vector<16xi32>,
        %mul3A_208 = arith.constant 112 : i32
        %mul3A_209 = arith.muli %add3A_56, %mul3A_208 : i32
        %add3A_210 = arith.constant 80 : i32
        %add3A_211 = arith.addi %mul3A_209, %add3A_210 : i32
        %get3A_212 = arith.index_cast %add3A_211 : i32 to index
        %get3A_213 = tpu.vector_load %arg7[%get3A_212] {strides = array<i32>} : memref<10080xi32, #tpu.memory_space<vmem>>, vector<16xi32>,
        %get3A_214 = vector.shape_cast %get3A_213 : vector<16xi32> to vector<16xi32>
        %swap3A_215 = arith.constant 80 : index
        %swap3A_216 = tpu.vector_load %arg9[%swap3A_215] {strides = array<i32>} : memref<112xi32, #tpu.memory_space<vmem>>, vector<16xi32>,
        %swap3A_217 = vector.shape_cast %swap3A_216 : vector<16xi32> to vector<16xi32>
        %swap3A_218 = vector.shape_cast %get3A_214 : vector<16xi32> to vector<16xi32>
        tpu.vector_store %arg9[%swap3A_215], %swap3A_218 {strides = array<i32>} : memref<112xi32, #tpu.memory_space<vmem>>, vector<16xi32>,
        %mul3A_219 = arith.constant 112 : i32
        %mul3A_220 = arith.muli %add3A_56, %mul3A_219 : i32
        %add3A_221 = arith.constant 96 : i32
        %add3A_222 = arith.addi %mul3A_220, %add3A_221 : i32
        %get3A_223 = arith.index_cast %add3A_222 : i32 to index
        %get3A_224 = tpu.vector_load %arg7[%get3A_223] {strides = array<i32>} : memref<10080xi32, #tpu.memory_space<vmem>>, vector<16xi32>,
        %get3A_225 = vector.shape_cast %get3A_224 : vector<16xi32> to vector<16xi32>
        %swap3A_226 = arith.constant 96 : index
        %swap3A_227 = tpu.vector_load %arg9[%swap3A_226] {strides = array<i32>} : memref<112xi32, #tpu.memory_space<vmem>>, vector<16xi32>,
        %swap3A_228 = vector.shape_cast %swap3A_227 : vector<16xi32> to vector<16xi32>
        %swap3A_229 = vector.shape_cast %get3A_225 : vector<16xi32> to vector<16xi32>
        tpu.vector_store %arg9[%swap3A_226], %swap3A_229 {strides = array<i32>} : memref<112xi32, #tpu.memory_space<vmem>>, vector<16xi32>,
        %mul3A_230 = arith.constant 112 : i32
        %mul3A_231 = arith.muli %add3A_56, %mul3A_230 : i32
        %dma_start3A = tpu.memref_slice %arg6[%mul3A_231] : memref<10080xi32, #tpu.memory_space<vmem>> -> memref<112xi32, #tpu.memory_space<vmem>>
        %dma_start3A_232 = arith.constant 0 : i32
        %dma_start3A_233 = arith.constant 0 : i32
        %dma_start3A_234 = tpu.memref_slice %arg2[%dma_start3A_232, %dma_start3A_233] : memref<10000x128xf32, #tpu.memory_space<hbm>> -> memref<10000x128xf32, #tpu.memory_space<hbm>>
        tpu.enqueue_indirect_dma source(%dma_start3A_234 : memref<10000x128xf32, #tpu.memory_space<hbm>>) target(%arg11 : memref<112x128xf32, #tpu.memory_space<vmem>>) offsets(%dma_start3A : memref<112xi32, #tpu.memory_space<vmem>>) semaphore(%arg14 : memref<!tpu.dma_semaphore, #tpu.memory_space<semaphore_mem>>)
      } else {
      }
      %ge3A = arith.constant 1 : i32
      %ge3A_100 = arith.cmpi sge, %add3A_56, %ge3A : i32
      %le3A = arith.cmpi sle, %add3A_56, %add3A_32 : i32
      %and3A_101 = arith.andi %ge3A_100, %le3A : i1
      %jit3A_102 = arith.constant 2 : i32
      %eq3A_103 = arith.constant 0 : i32
      %eq3A_104 = arith.cmpi eq, %jit3A_102, %eq3A_103 : i32
      %jit3A_105 = arith.constant 1 : i32
      %select_n3A_106 = arith.select %eq3A_104, %jit3A_105, %jit3A_102 : i32
      %rem3A_107 = arith.remsi %add3A_56, %select_n3A_106 : i32
      %ne3A_108 = arith.constant 0 : i32
      %ne3A_109 = arith.cmpi ne, %rem3A_107, %ne3A_108 : i32
      %lt3A_110 = arith.constant 0 : i32
      %lt3A_111 = arith.cmpi slt, %rem3A_107, %lt3A_110 : i32
      %lt3A_112 = arith.constant 0 : i32
      %lt3A_113 = arith.cmpi slt, %select_n3A_106, %lt3A_112 : i32
      %ne3A_114 = arith.xori %lt3A_111, %lt3A_113 : i1
      %and3A_115 = arith.andi %ne3A_114, %ne3A_109 : i1
      %add3A_116 = arith.addi %rem3A_107, %select_n3A_106 : i32
      %select_n3A_117 = arith.select %and3A_115, %add3A_116, %rem3A_107 : i32
      %eq3A_118 = arith.constant 1 : i32
      %eq3A_119 = arith.cmpi eq, %select_n3A_117, %eq3A_118 : i32
      %and3A_120 = arith.andi %and3A_101, %eq3A_119 : i1
      %convert_element_type3A_121 = arith.extui %and3A_120 : i1 to i32
      %cond3A_122 = arith.constant 0 : i32
      %cond3A_123 = arith.cmpi ne, %convert_element_type3A_121, %cond3A_122 : i32
      scf.if %cond3A_123 {
        %sub3A = arith.constant 1 : i32
        %sub3A_150 = arith.subi %add3A_56, %sub3A : i32
        %mul3A_151 = arith.constant 112 : i32
        %mul3A_152 = arith.muli %sub3A_150, %mul3A_151 : i32
        %dma_wait3A_153 = tpu.memref_slice %arg6[%mul3A_152] : memref<10080xi32, #tpu.memory_space<vmem>> -> memref<112xi32, #tpu.memory_space<vmem>>
        %dma_wait3A_154 = arith.constant 0 : i32
        %dma_wait3A_155 = arith.constant 0 : i32
        %dma_wait3A_156 = tpu.memref_slice %arg2[%dma_wait3A_154, %dma_wait3A_155] : memref<10000x128xf32, #tpu.memory_space<hbm>> -> memref<10000x128xf32, #tpu.memory_space<hbm>>
        tpu.wait_indirect_dma semaphore(%arg13 : memref<!tpu.dma_semaphore, #tpu.memory_space<semaphore_mem>>) src(%dma_wait3A_156 : memref<10000x128xf32, #tpu.memory_space<hbm>>) dst(%arg10 : memref<112x128xf32, #tpu.memory_space<vmem>>)
        %dma_start3A = arith.constant 0 : i32
        %dma_start3A_157 = arith.constant 0 : i32
        %dma_start3A_158 = tpu.memref_slice %arg12[%dma_start3A, %dma_start3A_157] : memref<10112x128xf32, #tpu.memory_space<vmem_shared>> -> memref<10112x128xf32, #tpu.memory_space<vmem_shared>>
        tpu.enqueue_indirect_dma source(%arg10 : memref<112x128xf32, #tpu.memory_space<vmem>>) target(%dma_start3A_158 : memref<10112x128xf32, #tpu.memory_space<vmem_shared>>) offsets(%arg8 : memref<112xi32, #tpu.memory_space<vmem>>) semaphore(%arg15 : memref<!tpu.dma_semaphore, #tpu.memory_space<semaphore_mem>>) {add = true}
      } else {
      }
      %ge3A_124 = arith.constant 1 : i32
      %ge3A_125 = arith.cmpi sge, %add3A_56, %ge3A_124 : i32
      %le3A_126 = arith.cmpi sle, %add3A_56, %add3A_32 : i32
      %and3A_127 = arith.andi %ge3A_125, %le3A_126 : i1
      %jit3A_128 = arith.constant 2 : i32
      %eq3A_129 = arith.constant 0 : i32
      %eq3A_130 = arith.cmpi eq, %jit3A_128, %eq3A_129 : i32
      %jit3A_131 = arith.constant 1 : i32
      %select_n3A_132 = arith.select %eq3A_130, %jit3A_131, %jit3A_128 : i32
      %rem3A_133 = arith.remsi %add3A_56, %select_n3A_132 : i32
      %ne3A_134 = arith.constant 0 : i32
      %ne3A_135 = arith.cmpi ne, %rem3A_133, %ne3A_134 : i32
      %lt3A_136 = arith.constant 0 : i32
      %lt3A_137 = arith.cmpi slt, %rem3A_133, %lt3A_136 : i32
      %lt3A_138 = arith.constant 0 : i32
      %lt3A_139 = arith.cmpi slt, %select_n3A_132, %lt3A_138 : i32
      %ne3A_140 = arith.xori %lt3A_137, %lt3A_139 : i1
      %and3A_141 = arith.andi %ne3A_140, %ne3A_135 : i1
      %add3A_142 = arith.addi %rem3A_133, %select_n3A_132 : i32
      %select_n3A_143 = arith.select %and3A_141, %add3A_142, %rem3A_133 : i32
      %eq3A_144 = arith.constant 0 : i32
      %eq3A_145 = arith.cmpi eq, %select_n3A_143, %eq3A_144 : i32
      %and3A_146 = arith.andi %and3A_127, %eq3A_145 : i1
      %convert_element_type3A_147 = arith.extui %and3A_146 : i1 to i32
      %cond3A_148 = arith.constant 0 : i32
      %cond3A_149 = arith.cmpi ne, %convert_element_type3A_147, %cond3A_148 : i32
      scf.if %cond3A_149 {
        %sub3A = arith.constant 1 : i32
        %sub3A_150 = arith.subi %add3A_56, %sub3A : i32
        %mul3A_151 = arith.constant 112 : i32
        %mul3A_152 = arith.muli %sub3A_150, %mul3A_151 : i32
        %dma_wait3A_153 = tpu.memref_slice %arg6[%mul3A_152] : memref<10080xi32, #tpu.memory_space<vmem>> -> memref<112xi32, #tpu.memory_space<vmem>>
        %dma_wait3A_154 = arith.constant 0 : i32
        %dma_wait3A_155 = arith.constant 0 : i32
        %dma_wait3A_156 = tpu.memref_slice %arg2[%dma_wait3A_154, %dma_wait3A_155] : memref<10000x128xf32, #tpu.memory_space<hbm>> -> memref<10000x128xf32, #tpu.memory_space<hbm>>
        tpu.wait_indirect_dma semaphore(%arg14 : memref<!tpu.dma_semaphore, #tpu.memory_space<semaphore_mem>>) src(%dma_wait3A_156 : memref<10000x128xf32, #tpu.memory_space<hbm>>) dst(%arg11 : memref<112x128xf32, #tpu.memory_space<vmem>>)
        %dma_start3A = arith.constant 0 : i32
        %dma_start3A_157 = arith.constant 0 : i32
        %dma_start3A_158 = tpu.memref_slice %arg12[%dma_start3A, %dma_start3A_157] : memref<10112x128xf32, #tpu.memory_space<vmem_shared>> -> memref<10112x128xf32, #tpu.memory_space<vmem_shared>>
        tpu.enqueue_indirect_dma source(%arg11 : memref<112x128xf32, #tpu.memory_space<vmem>>) target(%dma_start3A_158 : memref<10112x128xf32, #tpu.memory_space<vmem_shared>>) offsets(%arg9 : memref<112xi32, #tpu.memory_space<vmem>>) semaphore(%arg16 : memref<!tpu.dma_semaphore, #tpu.memory_space<semaphore_mem>>) {add = true}
      } else {
      }
    }
    %scan3A_43 = arith.constant 91 : i32
    %dma_wait3A = arith.constant 0 : i32
    %dma_wait3A_44 = arith.constant 0 : i32
    %dma_wait3A_45 = tpu.memref_slice %arg12[%dma_wait3A, %dma_wait3A_44] : memref<10112x128xf32, #tpu.memory_space<vmem_shared>> -> memref<10112x128xf32, #tpu.memory_space<vmem_shared>>
    tpu.wait_indirect_dma semaphore(%arg15 : memref<!tpu.dma_semaphore, #tpu.memory_space<semaphore_mem>>) src(%arg10 : memref<112x128xf32, #tpu.memory_space<vmem>>) dst(%dma_wait3A_45 : memref<10112x128xf32, #tpu.memory_space<vmem_shared>>)
    %dma_wait3A_46 = arith.constant 0 : i32
    %dma_wait3A_47 = arith.constant 0 : i32
    %dma_wait3A_48 = tpu.memref_slice %arg12[%dma_wait3A_46, %dma_wait3A_47] : memref<10112x128xf32, #tpu.memory_space<vmem_shared>> -> memref<10112x128xf32, #tpu.memory_space<vmem_shared>>
    tpu.wait_indirect_dma semaphore(%arg16 : memref<!tpu.dma_semaphore, #tpu.memory_space<semaphore_mem>>) src(%arg11 : memref<112x128xf32, #tpu.memory_space<vmem>>) dst(%dma_wait3A_48 : memref<10112x128xf32, #tpu.memory_space<vmem_shared>>)
    %barrier3A_49 = arith.constant 0 : index
    tpu.barrier barrier_id(%barrier3A_49)
    %eq3A = arith.constant 0 : i32
    %eq3A_50 = arith.cmpi eq, %arg1, %eq3A : i32
    %convert_element_type3A = arith.extui %eq3A_50 : i1 to i32
    %cond3A = arith.constant 0 : i32
    %cond3A_51 = arith.cmpi ne, %convert_element_type3A, %cond3A : i32
    scf.if %cond3A_51 {
      "tpu.region"() ({
        %run_scoped3A = tpu.sem_alloc : memref<!tpu.dma_semaphore, #tpu.memory_space<semaphore_mem>>
        %dma_start3A = arith.constant 0 : i32
        %dma_start3A_52 = arith.constant 0 : i32
        %dma_start3A_53 = tpu.memref_slice %arg5[%arg0, %dma_start3A, %dma_start3A_52] : memref<2x10112x128xf32, #tpu.memory_space<hbm>> -> memref<1x10112x128xf32, #tpu.memory_space<hbm>>
        %dma_start3A_54 = tpu.memref_squeeze %dma_start3A_53 : memref<1x10112x128xf32, #tpu.memory_space<hbm>> -> memref<10112x128xf32, #tpu.memory_space<hbm>>
        tpu.enqueue_dma source(%arg12 : memref<10112x128xf32, #tpu.memory_space<vmem_shared>>) target(%dma_start3A_54 : memref<10112x128xf32, #tpu.memory_space<hbm>>) target_semaphore(%run_scoped3A : memref<!tpu.dma_semaphore, #tpu.memory_space<semaphore_mem>>)
        %dma_wait3A_55 = arith.constant 0 : i32
        %dma_wait3A_56 = arith.constant 0 : i32
        %dma_wait3A_57 = tpu.memref_slice %arg5[%arg0, %dma_wait3A_55, %dma_wait3A_56] : memref<2x10112x128xf32, #tpu.memory_space<hbm>> -> memref<1x10112x128xf32, #tpu.memory_space<hbm>>
        %dma_wait3A_58 = tpu.memref_squeeze %dma_wait3A_57 : memref<1x10112x128xf32, #tpu.memory_space<hbm>> -> memref<10112x128xf32, #tpu.memory_space<hbm>>
        tpu.wait_dma2 semaphore(%run_scoped3A : memref<!tpu.dma_semaphore, #tpu.memory_space<semaphore_mem>>) src(%arg12 : memref<10112x128xf32, #tpu.memory_space<vmem_shared>>) dst(%dma_wait3A_58 : memref<10112x128xf32, #tpu.memory_space<hbm>>)
        tpu.yield
      }) : () -> ()
    } else {
    }
    return
  }
}

#map = affine_map<(d0, d1) -> (0)>
module attributes {stable_mosaic.version = 14 : i64} {
  func.func @body(%arg0: i32, %arg1: i32, %arg2: memref<320224xi32, #tpu.memory_space<hbm>>, %arg3: memref<112xf32, #tpu.memory_space<hbm>>, %arg4: memref<10112xf32, #tpu.memory_space<hbm>>, %arg5: memref<10112xf32, #tpu.memory_space<hbm>>, %arg6: memref<10080xi32, #tpu.memory_space<vmem>>, %arg7: memref<112xi32, #tpu.memory_space<vmem>>, %arg8: memref<112xi32, #tpu.memory_space<vmem>>, %arg9: memref<112xf32, #tpu.memory_space<vmem>>, %arg10: memref<112xf32, #tpu.memory_space<vmem>>, %arg11: memref<10112xf32, #tpu.memory_space<vmem_shared>>, %arg12: memref<!tpu.dma_semaphore, #tpu.memory_space<semaphore_mem>>, %arg13: memref<!tpu.dma_semaphore, #tpu.memory_space<semaphore_mem>>) attributes {dimension_semantics = [#tpu.dimension_semantics<core_parallel>, #tpu.dimension_semantics<subcore_parallel>], iteration_bounds = array<i64: 2, 16>, scalar_prefetch = 0 : i64, scratch_operands = 8 : i64, tpu.core_type = #tpu.core_type<sc_vector_subcore>, window_params = [{transform_indices = #map}, {transform_indices = #map}, {transform_indices = #map}, {transform_indices = #map}]} {
    %mul3A = arith.constant 2 : i32
    %mul3A_0 = arith.muli %arg1, %mul3A : i32
    %add3A = arith.addi %mul3A_0, %arg0 : i32
    "tpu.region"() ({
      %run_scoped3A = tpu.sem_alloc : memref<!tpu.dma_semaphore, #tpu.memory_space<semaphore_mem>>
      tpu.enqueue_dma source(%arg3 : memref<112xf32, #tpu.memory_space<hbm>>) target(%arg9 : memref<112xf32, #tpu.memory_space<vmem>>) target_semaphore(%run_scoped3A : memref<!tpu.dma_semaphore, #tpu.memory_space<semaphore_mem>>)
      tpu.wait_dma2 semaphore(%run_scoped3A : memref<!tpu.dma_semaphore, #tpu.memory_space<semaphore_mem>>) src(%arg3 : memref<112xf32, #tpu.memory_space<hbm>>) dst(%arg9 : memref<112xf32, #tpu.memory_space<vmem>>)
      tpu.yield
    }) : () -> ()
    %broadcast_in_dim3A = arith.constant 0.000000e+00 : f32
    %broadcast_in_dim3A_1 = vector.broadcast %broadcast_in_dim3A : f32 to vector<16xf32>
    %swap3A = arith.constant 0 : index
    %swap3A_2 = tpu.vector_load %arg10[%swap3A] {strides = array<i32>} : memref<112xf32, #tpu.memory_space<vmem>>, vector<16xf32>,
    %swap3A_3 = vector.shape_cast %swap3A_2 : vector<16xf32> to vector<16xf32>
    %swap3A_4 = vector.shape_cast %broadcast_in_dim3A_1 : vector<16xf32> to vector<16xf32>
    tpu.vector_store %arg10[%swap3A], %swap3A_4 {strides = array<i32>} : memref<112xf32, #tpu.memory_space<vmem>>, vector<16xf32>,
    %broadcast_in_dim3A_5 = arith.constant 0.000000e+00 : f32
    %broadcast_in_dim3A_6 = vector.broadcast %broadcast_in_dim3A_5 : f32 to vector<16xf32>
    %swap3A_7 = arith.constant 16 : index
    %swap3A_8 = tpu.vector_load %arg10[%swap3A_7] {strides = array<i32>} : memref<112xf32, #tpu.memory_space<vmem>>, vector<16xf32>,
    %swap3A_9 = vector.shape_cast %swap3A_8 : vector<16xf32> to vector<16xf32>
    %swap3A_10 = vector.shape_cast %broadcast_in_dim3A_6 : vector<16xf32> to vector<16xf32>
    tpu.vector_store %arg10[%swap3A_7], %swap3A_10 {strides = array<i32>} : memref<112xf32, #tpu.memory_space<vmem>>, vector<16xf32>,
    %broadcast_in_dim3A_11 = arith.constant 0.000000e+00 : f32
    %broadcast_in_dim3A_12 = vector.broadcast %broadcast_in_dim3A_11 : f32 to vector<16xf32>
    %swap3A_13 = arith.constant 32 : index
    %swap3A_14 = tpu.vector_load %arg10[%swap3A_13] {strides = array<i32>} : memref<112xf32, #tpu.memory_space<vmem>>, vector<16xf32>,
    %swap3A_15 = vector.shape_cast %swap3A_14 : vector<16xf32> to vector<16xf32>
    %swap3A_16 = vector.shape_cast %broadcast_in_dim3A_12 : vector<16xf32> to vector<16xf32>
    tpu.vector_store %arg10[%swap3A_13], %swap3A_16 {strides = array<i32>} : memref<112xf32, #tpu.memory_space<vmem>>, vector<16xf32>,
    %broadcast_in_dim3A_17 = arith.constant 0.000000e+00 : f32
    %broadcast_in_dim3A_18 = vector.broadcast %broadcast_in_dim3A_17 : f32 to vector<16xf32>
    %swap3A_19 = arith.constant 48 : index
    %swap3A_20 = tpu.vector_load %arg10[%swap3A_19] {strides = array<i32>} : memref<112xf32, #tpu.memory_space<vmem>>, vector<16xf32>,
    %swap3A_21 = vector.shape_cast %swap3A_20 : vector<16xf32> to vector<16xf32>
    %swap3A_22 = vector.shape_cast %broadcast_in_dim3A_18 : vector<16xf32> to vector<16xf32>
    tpu.vector_store %arg10[%swap3A_19], %swap3A_22 {strides = array<i32>} : memref<112xf32, #tpu.memory_space<vmem>>, vector<16xf32>,
    %broadcast_in_dim3A_23 = arith.constant 0.000000e+00 : f32
    %broadcast_in_dim3A_24 = vector.broadcast %broadcast_in_dim3A_23 : f32 to vector<16xf32>
    %swap3A_25 = arith.constant 64 : index
    %swap3A_26 = tpu.vector_load %arg10[%swap3A_25] {strides = array<i32>} : memref<112xf32, #tpu.memory_space<vmem>>, vector<16xf32>,
    %swap3A_27 = vector.shape_cast %swap3A_26 : vector<16xf32> to vector<16xf32>
    %swap3A_28 = vector.shape_cast %broadcast_in_dim3A_24 : vector<16xf32> to vector<16xf32>
    tpu.vector_store %arg10[%swap3A_25], %swap3A_28 {strides = array<i32>} : memref<112xf32, #tpu.memory_space<vmem>>, vector<16xf32>,
    %broadcast_in_dim3A_29 = arith.constant 0.000000e+00 : f32
    %broadcast_in_dim3A_30 = vector.broadcast %broadcast_in_dim3A_29 : f32 to vector<16xf32>
    %swap3A_31 = arith.constant 80 : index
    %swap3A_32 = tpu.vector_load %arg10[%swap3A_31] {strides = array<i32>} : memref<112xf32, #tpu.memory_space<vmem>>, vector<16xf32>,
    %swap3A_33 = vector.shape_cast %swap3A_32 : vector<16xf32> to vector<16xf32>
    %swap3A_34 = vector.shape_cast %broadcast_in_dim3A_30 : vector<16xf32> to vector<16xf32>
    tpu.vector_store %arg10[%swap3A_31], %swap3A_34 {strides = array<i32>} : memref<112xf32, #tpu.memory_space<vmem>>, vector<16xf32>,
    %broadcast_in_dim3A_35 = arith.constant 0.000000e+00 : f32
    %broadcast_in_dim3A_36 = vector.broadcast %broadcast_in_dim3A_35 : f32 to vector<16xf32>
    %swap3A_37 = arith.constant 96 : index
    %swap3A_38 = tpu.vector_load %arg10[%swap3A_37] {strides = array<i32>} : memref<112xf32, #tpu.memory_space<vmem>>, vector<16xf32>,
    %swap3A_39 = vector.shape_cast %swap3A_38 : vector<16xf32> to vector<16xf32>
    %swap3A_40 = vector.shape_cast %broadcast_in_dim3A_36 : vector<16xf32> to vector<16xf32>
    tpu.vector_store %arg10[%swap3A_37], %swap3A_40 {strides = array<i32>} : memref<112xf32, #tpu.memory_space<vmem>>, vector<16xf32>,
    %mul3A_41 = arith.constant 632 : i32
    %mul3A_42 = arith.muli %arg1, %mul3A_41 : i32
    %add3A_43 = arith.constant 0 : i32
    %add3A_44 = arith.addi %mul3A_42, %add3A_43 : i32
    "tpu.region"() ({
      %run_scoped3A = tpu.sem_alloc : memref<!tpu.dma_semaphore, #tpu.memory_space<semaphore_mem>>
      %dma_start3A = tpu.memref_slice %arg11[%add3A_44] : memref<10112xf32, #tpu.memory_space<vmem_shared>> -> memref<112xf32, #tpu.memory_space<vmem_shared>>
      %dma_start3A_95 = tpu.memref_slice %arg11[%add3A_44] : memref<10112xf32, #tpu.memory_space<vmem_shared>> -> memref<112xf32, #tpu.memory_space<vmem_shared>>
      tpu.enqueue_dma source(%arg10 : memref<112xf32, #tpu.memory_space<vmem>>) target(%dma_start3A_95 : memref<112xf32, #tpu.memory_space<vmem_shared>>) target_semaphore(%run_scoped3A : memref<!tpu.dma_semaphore, #tpu.memory_space<semaphore_mem>>)
      %dma_wait3A_96 = tpu.memref_slice %arg11[%add3A_44] : memref<10112xf32, #tpu.memory_space<vmem_shared>> -> memref<112xf32, #tpu.memory_space<vmem_shared>>
      %dma_wait3A_97 = tpu.memref_slice %arg11[%add3A_44] : memref<10112xf32, #tpu.memory_space<vmem_shared>> -> memref<112xf32, #tpu.memory_space<vmem_shared>>
      tpu.wait_dma2 semaphore(%run_scoped3A : memref<!tpu.dma_semaphore, #tpu.memory_space<semaphore_mem>>) src(%arg10 : memref<112xf32, #tpu.memory_space<vmem>>) dst(%dma_wait3A_97 : memref<112xf32, #tpu.memory_space<vmem_shared>>)
      tpu.yield
    }) : () -> ()
    %mul3A_45 = arith.constant 632 : i32
    %mul3A_46 = arith.muli %arg1, %mul3A_45 : i32
    %add3A_47 = arith.constant 112 : i32
    %add3A_48 = arith.addi %mul3A_46, %add3A_47 : i32
    "tpu.region"() ({
      %run_scoped3A = tpu.sem_alloc : memref<!tpu.dma_semaphore, #tpu.memory_space<semaphore_mem>>
      %dma_start3A = tpu.memref_slice %arg11[%add3A_48] : memref<10112xf32, #tpu.memory_space<vmem_shared>> -> memref<112xf32, #tpu.memory_space<vmem_shared>>
      %dma_start3A_95 = tpu.memref_slice %arg11[%add3A_48] : memref<10112xf32, #tpu.memory_space<vmem_shared>> -> memref<112xf32, #tpu.memory_space<vmem_shared>>
      tpu.enqueue_dma source(%arg10 : memref<112xf32, #tpu.memory_space<vmem>>) target(%dma_start3A_95 : memref<112xf32, #tpu.memory_space<vmem_shared>>) target_semaphore(%run_scoped3A : memref<!tpu.dma_semaphore, #tpu.memory_space<semaphore_mem>>)
      %dma_wait3A_96 = tpu.memref_slice %arg11[%add3A_48] : memref<10112xf32, #tpu.memory_space<vmem_shared>> -> memref<112xf32, #tpu.memory_space<vmem_shared>>
      %dma_wait3A_97 = tpu.memref_slice %arg11[%add3A_48] : memref<10112xf32, #tpu.memory_space<vmem_shared>> -> memref<112xf32, #tpu.memory_space<vmem_shared>>
      tpu.wait_dma2 semaphore(%run_scoped3A : memref<!tpu.dma_semaphore, #tpu.memory_space<semaphore_mem>>) src(%arg10 : memref<112xf32, #tpu.memory_space<vmem>>) dst(%dma_wait3A_97 : memref<112xf32, #tpu.memory_space<vmem_shared>>)
      tpu.yield
    }) : () -> ()
    %mul3A_49 = arith.constant 632 : i32
    %mul3A_50 = arith.muli %arg1, %mul3A_49 : i32
    %add3A_51 = arith.constant 224 : i32
    %add3A_52 = arith.addi %mul3A_50, %add3A_51 : i32
    "tpu.region"() ({
      %run_scoped3A = tpu.sem_alloc : memref<!tpu.dma_semaphore, #tpu.memory_space<semaphore_mem>>
      %dma_start3A = tpu.memref_slice %arg11[%add3A_52] : memref<10112xf32, #tpu.memory_space<vmem_shared>> -> memref<112xf32, #tpu.memory_space<vmem_shared>>
      %dma_start3A_95 = tpu.memref_slice %arg11[%add3A_52] : memref<10112xf32, #tpu.memory_space<vmem_shared>> -> memref<112xf32, #tpu.memory_space<vmem_shared>>
      tpu.enqueue_dma source(%arg10 : memref<112xf32, #tpu.memory_space<vmem>>) target(%dma_start3A_95 : memref<112xf32, #tpu.memory_space<vmem_shared>>) target_semaphore(%run_scoped3A : memref<!tpu.dma_semaphore, #tpu.memory_space<semaphore_mem>>)
      %dma_wait3A_96 = tpu.memref_slice %arg11[%add3A_52] : memref<10112xf32, #tpu.memory_space<vmem_shared>> -> memref<112xf32, #tpu.memory_space<vmem_shared>>
      %dma_wait3A_97 = tpu.memref_slice %arg11[%add3A_52] : memref<10112xf32, #tpu.memory_space<vmem_shared>> -> memref<112xf32, #tpu.memory_space<vmem_shared>>
      tpu.wait_dma2 semaphore(%run_scoped3A : memref<!tpu.dma_semaphore, #tpu.memory_space<semaphore_mem>>) src(%arg10 : memref<112xf32, #tpu.memory_space<vmem>>) dst(%dma_wait3A_97 : memref<112xf32, #tpu.memory_space<vmem_shared>>)
      tpu.yield
    }) : () -> ()
    %mul3A_53 = arith.constant 632 : i32
    %mul3A_54 = arith.muli %arg1, %mul3A_53 : i32
    %add3A_55 = arith.constant 336 : i32
    %add3A_56 = arith.addi %mul3A_54, %add3A_55 : i32
    "tpu.region"() ({
      %run_scoped3A = tpu.sem_alloc : memref<!tpu.dma_semaphore, #tpu.memory_space<semaphore_mem>>
      %dma_start3A = tpu.memref_slice %arg11[%add3A_56] : memref<10112xf32, #tpu.memory_space<vmem_shared>> -> memref<112xf32, #tpu.memory_space<vmem_shared>>
      %dma_start3A_95 = tpu.memref_slice %arg11[%add3A_56] : memref<10112xf32, #tpu.memory_space<vmem_shared>> -> memref<112xf32, #tpu.memory_space<vmem_shared>>
      tpu.enqueue_dma source(%arg10 : memref<112xf32, #tpu.memory_space<vmem>>) target(%dma_start3A_95 : memref<112xf32, #tpu.memory_space<vmem_shared>>) target_semaphore(%run_scoped3A : memref<!tpu.dma_semaphore, #tpu.memory_space<semaphore_mem>>)
      %dma_wait3A_96 = tpu.memref_slice %arg11[%add3A_56] : memref<10112xf32, #tpu.memory_space<vmem_shared>> -> memref<112xf32, #tpu.memory_space<vmem_shared>>
      %dma_wait3A_97 = tpu.memref_slice %arg11[%add3A_56] : memref<10112xf32, #tpu.memory_space<vmem_shared>> -> memref<112xf32, #tpu.memory_space<vmem_shared>>
      tpu.wait_dma2 semaphore(%run_scoped3A : memref<!tpu.dma_semaphore, #tpu.memory_space<semaphore_mem>>) src(%arg10 : memref<112xf32, #tpu.memory_space<vmem>>) dst(%dma_wait3A_97 : memref<112xf32, #tpu.memory_space<vmem_shared>>)
      tpu.yield
    }) : () -> ()
    %mul3A_57 = arith.constant 632 : i32
    %mul3A_58 = arith.muli %arg1, %mul3A_57 : i32
    %add3A_59 = arith.constant 448 : i32
    %add3A_60 = arith.addi %mul3A_58, %add3A_59 : i32
    "tpu.region"() ({
      %run_scoped3A = tpu.sem_alloc : memref<!tpu.dma_semaphore, #tpu.memory_space<semaphore_mem>>
      %dma_start3A = tpu.memref_slice %arg11[%add3A_60] : memref<10112xf32, #tpu.memory_space<vmem_shared>> -> memref<112xf32, #tpu.memory_space<vmem_shared>>
      %dma_start3A_95 = tpu.memref_slice %arg11[%add3A_60] : memref<10112xf32, #tpu.memory_space<vmem_shared>> -> memref<112xf32, #tpu.memory_space<vmem_shared>>
      tpu.enqueue_dma source(%arg10 : memref<112xf32, #tpu.memory_space<vmem>>) target(%dma_start3A_95 : memref<112xf32, #tpu.memory_space<vmem_shared>>) target_semaphore(%run_scoped3A : memref<!tpu.dma_semaphore, #tpu.memory_space<semaphore_mem>>)
      %dma_wait3A_96 = tpu.memref_slice %arg11[%add3A_60] : memref<10112xf32, #tpu.memory_space<vmem_shared>> -> memref<112xf32, #tpu.memory_space<vmem_shared>>
      %dma_wait3A_97 = tpu.memref_slice %arg11[%add3A_60] : memref<10112xf32, #tpu.memory_space<vmem_shared>> -> memref<112xf32, #tpu.memory_space<vmem_shared>>
      tpu.wait_dma2 semaphore(%run_scoped3A : memref<!tpu.dma_semaphore, #tpu.memory_space<semaphore_mem>>) src(%arg10 : memref<112xf32, #tpu.memory_space<vmem>>) dst(%dma_wait3A_97 : memref<112xf32, #tpu.memory_space<vmem_shared>>)
      tpu.yield
    }) : () -> ()
    %mul3A_61 = arith.constant 632 : i32
    %mul3A_62 = arith.muli %arg1, %mul3A_61 : i32
    %add3A_63 = arith.constant 560 : i32
    %add3A_64 = arith.addi %mul3A_62, %add3A_63 : i32
    "tpu.region"() ({
      %run_scoped3A = tpu.sem_alloc : memref<!tpu.dma_semaphore, #tpu.memory_space<semaphore_mem>>
      %dma_start3A = arith.constant 0 : i32
      %dma_start3A_95 = tpu.memref_slice %arg10[%dma_start3A] : memref<112xf32, #tpu.memory_space<vmem>> -> memref<72xf32, #tpu.memory_space<vmem>>
      %dma_start3A_96 = tpu.memref_slice %arg11[%add3A_64] : memref<10112xf32, #tpu.memory_space<vmem_shared>> -> memref<72xf32, #tpu.memory_space<vmem_shared>>
      %dma_start3A_97 = tpu.memref_slice %arg11[%add3A_64] : memref<10112xf32, #tpu.memory_space<vmem_shared>> -> memref<72xf32, #tpu.memory_space<vmem_shared>>
      %dma_start3A_98 = arith.constant 0 : i32
      %dma_start3A_99 = tpu.memref_slice %arg10[%dma_start3A_98] : memref<112xf32, #tpu.memory_space<vmem>> -> memref<72xf32, #tpu.memory_space<vmem>>
      tpu.enqueue_dma source(%dma_start3A_99 : memref<72xf32, #tpu.memory_space<vmem>>) target(%dma_start3A_97 : memref<72xf32, #tpu.memory_space<vmem_shared>>) target_semaphore(%run_scoped3A : memref<!tpu.dma_semaphore, #tpu.memory_space<semaphore_mem>>)
      %dma_wait3A_100 = arith.constant 0 : i32
      %dma_wait3A_101 = tpu.memref_slice %arg10[%dma_wait3A_100] : memref<112xf32, #tpu.memory_space<vmem>> -> memref<72xf32, #tpu.memory_space<vmem>>
      %dma_wait3A_102 = tpu.memref_slice %arg11[%add3A_64] : memref<10112xf32, #tpu.memory_space<vmem_shared>> -> memref<72xf32, #tpu.memory_space<vmem_shared>>
      %dma_wait3A_103 = tpu.memref_slice %arg11[%add3A_64] : memref<10112xf32, #tpu.memory_space<vmem_shared>> -> memref<72xf32, #tpu.memory_space<vmem_shared>>
      %dma_wait3A_104 = arith.constant 0 : i32
      %dma_wait3A_105 = tpu.memref_slice %arg10[%dma_wait3A_104] : memref<112xf32, #tpu.memory_space<vmem>> -> memref<72xf32, #tpu.memory_space<vmem>>
      tpu.wait_dma2 semaphore(%run_scoped3A : memref<!tpu.dma_semaphore, #tpu.memory_space<semaphore_mem>>) src(%dma_wait3A_105 : memref<72xf32, #tpu.memory_space<vmem>>) dst(%dma_wait3A_103 : memref<72xf32, #tpu.memory_space<vmem_shared>>)
      tpu.yield
    }) : () -> ()
    %barrier3A = arith.constant 0 : index
    tpu.barrier barrier_id(%barrier3A)
    %lt3A = arith.constant 10 : i32
    %lt3A_65 = arith.cmpi slt, %add3A, %lt3A : i32
    %jit3A = arith.constant 1 : i32
    %jit3A_66 = arith.constant 0 : i32
    %select_n3A = arith.select %lt3A_65, %jit3A, %jit3A_66 : i32
    %add3A_67 = arith.constant 89 : i32
    %add3A_68 = arith.addi %add3A_67, %select_n3A : i32
    %mul3A_69 = arith.constant 89 : i32
    %mul3A_70 = arith.muli %add3A, %mul3A_69 : i32
    %min3A = arith.constant 10 : i32
    %min3A_71 = arith.minsi %add3A, %min3A : i32
    %add3A_72 = arith.addi %mul3A_70, %min3A_71 : i32
    %mul3A_73 = arith.constant 112 : i32
    %mul3A_74 = arith.muli %add3A_72, %mul3A_73 : i32
    "tpu.region"() ({
      %run_scoped3A = tpu.sem_alloc : memref<!tpu.dma_semaphore, #tpu.memory_space<semaphore_mem>>
      %dma_start3A = tpu.memref_slice %arg2[%mul3A_74] : memref<320224xi32, #tpu.memory_space<hbm>> -> memref<10080xi32, #tpu.memory_space<hbm>>
      %dma_start3A_95 = tpu.memref_slice %arg2[%mul3A_74] : memref<320224xi32, #tpu.memory_space<hbm>> -> memref<10080xi32, #tpu.memory_space<hbm>>
      tpu.enqueue_dma source(%dma_start3A_95 : memref<10080xi32, #tpu.memory_space<hbm>>) target(%arg6 : memref<10080xi32, #tpu.memory_space<vmem>>) target_semaphore(%run_scoped3A : memref<!tpu.dma_semaphore, #tpu.memory_space<semaphore_mem>>)
      %dma_wait3A_96 = tpu.memref_slice %arg2[%mul3A_74] : memref<320224xi32, #tpu.memory_space<hbm>> -> memref<10080xi32, #tpu.memory_space<hbm>>
      %dma_wait3A_97 = tpu.memref_slice %arg2[%mul3A_74] : memref<320224xi32, #tpu.memory_space<hbm>> -> memref<10080xi32, #tpu.memory_space<hbm>>
      tpu.wait_dma2 semaphore(%run_scoped3A : memref<!tpu.dma_semaphore, #tpu.memory_space<semaphore_mem>>) src(%dma_wait3A_97 : memref<10080xi32, #tpu.memory_space<hbm>>) dst(%arg6 : memref<10080xi32, #tpu.memory_space<vmem>>)
      tpu.yield
    }) : () -> ()
    %scan3A = arith.constant 0 : i32
    %scan3A_75 = arith.constant 90 : i32
    %scan3A_76 = arith.addi %scan3A, %scan3A_75 : i32
    %scan3A_77 = arith.constant 1 : i32
    scf.for %scan3A_95 = %scan3A to %scan3A_76 step %scan3A_77  : i32 {
      %mul3A_96 = arith.constant 1 : i32
      %mul3A_97 = arith.muli %scan3A_95, %mul3A_96 : i32
      %add3A_98 = arith.constant 0 : i32
      %add3A_99 = arith.addi %add3A_98, %mul3A_97 : i32
      %lt3A_100 = arith.cmpi slt, %add3A_99, %add3A_68 : i32
      %jit3A_101 = arith.constant 2 : i32
      %eq3A_102 = arith.constant 0 : i32
      %eq3A_103 = arith.cmpi eq, %jit3A_101, %eq3A_102 : i32
      %jit3A_104 = arith.constant 1 : i32
      %select_n3A_105 = arith.select %eq3A_103, %jit3A_104, %jit3A_101 : i32
      %rem3A = arith.remsi %add3A_99, %select_n3A_105 : i32
      %ne3A = arith.constant 0 : i32
      %ne3A_106 = arith.cmpi ne, %rem3A, %ne3A : i32
      %lt3A_107 = arith.constant 0 : i32
      %lt3A_108 = arith.cmpi slt, %rem3A, %lt3A_107 : i32
      %lt3A_109 = arith.constant 0 : i32
      %lt3A_110 = arith.cmpi slt, %select_n3A_105, %lt3A_109 : i32
      %ne3A_111 = arith.xori %lt3A_108, %lt3A_110 : i1
      %and3A_112 = arith.andi %ne3A_111, %ne3A_106 : i1
      %add3A_113 = arith.addi %rem3A, %select_n3A_105 : i32
      %select_n3A_114 = arith.select %and3A_112, %add3A_113, %rem3A : i32
      %eq3A_115 = arith.constant 0 : i32
      %eq3A_116 = arith.cmpi eq, %select_n3A_114, %eq3A_115 : i32
      %and3A_117 = arith.andi %lt3A_100, %eq3A_116 : i1
      %convert_element_type3A_118 = arith.extui %and3A_117 : i1 to i32
      %cond3A_119 = arith.constant 0 : i32
      %cond3A_120 = arith.cmpi ne, %convert_element_type3A_118, %cond3A_119 : i32
      scf.if %cond3A_120 {
        %ge3A = arith.constant 2 : i32
        %ge3A_144 = arith.cmpi sge, %add3A_99, %ge3A : i32
        %convert_element_type3A_145 = arith.extui %ge3A_144 : i1 to i32
        %cond3A_146 = arith.constant 0 : i32
        %cond3A_147 = arith.cmpi ne, %convert_element_type3A_145, %cond3A_146 : i32
        scf.if %cond3A_147 {
          %dma_wait3A_225 = arith.constant 0 : i32
          %dma_wait3A_226 = tpu.memref_slice %arg11[%dma_wait3A_225] : memref<10112xf32, #tpu.memory_space<vmem_shared>> -> memref<10112xf32, #tpu.memory_space<vmem_shared>>
          tpu.wait_indirect_dma semaphore(%arg12 : memref<!tpu.dma_semaphore, #tpu.memory_space<semaphore_mem>>) src(%arg9 : memref<112xf32, #tpu.memory_space<vmem>>) dst(%dma_wait3A_226 : memref<10112xf32, #tpu.memory_space<vmem_shared>>)
        } else {
        }
        %mul3A_148 = arith.constant 112 : i32
        %mul3A_149 = arith.muli %add3A_99, %mul3A_148 : i32
        %add3A_150 = arith.constant 0 : i32
        %add3A_151 = arith.addi %mul3A_149, %add3A_150 : i32
        %get3A = arith.index_cast %add3A_151 : i32 to index
        %get3A_152 = tpu.vector_load %arg6[%get3A] {strides = array<i32>} : memref<10080xi32, #tpu.memory_space<vmem>>, vector<16xi32>,
        %get3A_153 = vector.shape_cast %get3A_152 : vector<16xi32> to vector<16xi32>
        %swap3A_154 = arith.constant 0 : index
        %swap3A_155 = tpu.vector_load %arg7[%swap3A_154] {strides = array<i32>} : memref<112xi32, #tpu.memory_space<vmem>>, vector<16xi32>,
        %swap3A_156 = vector.shape_cast %swap3A_155 : vector<16xi32> to vector<16xi32>
        %swap3A_157 = vector.shape_cast %get3A_153 : vector<16xi32> to vector<16xi32>
        tpu.vector_store %arg7[%swap3A_154], %swap3A_157 {strides = array<i32>} : memref<112xi32, #tpu.memory_space<vmem>>, vector<16xi32>,
        %mul3A_158 = arith.constant 112 : i32
        %mul3A_159 = arith.muli %add3A_99, %mul3A_158 : i32
        %add3A_160 = arith.constant 16 : i32
        %add3A_161 = arith.addi %mul3A_159, %add3A_160 : i32
        %get3A_162 = arith.index_cast %add3A_161 : i32 to index
        %get3A_163 = tpu.vector_load %arg6[%get3A_162] {strides = array<i32>} : memref<10080xi32, #tpu.memory_space<vmem>>, vector<16xi32>,
        %get3A_164 = vector.shape_cast %get3A_163 : vector<16xi32> to vector<16xi32>
        %swap3A_165 = arith.constant 16 : index
        %swap3A_166 = tpu.vector_load %arg7[%swap3A_165] {strides = array<i32>} : memref<112xi32, #tpu.memory_space<vmem>>, vector<16xi32>,
        %swap3A_167 = vector.shape_cast %swap3A_166 : vector<16xi32> to vector<16xi32>
        %swap3A_168 = vector.shape_cast %get3A_164 : vector<16xi32> to vector<16xi32>
        tpu.vector_store %arg7[%swap3A_165], %swap3A_168 {strides = array<i32>} : memref<112xi32, #tpu.memory_space<vmem>>, vector<16xi32>,
        %mul3A_169 = arith.constant 112 : i32
        %mul3A_170 = arith.muli %add3A_99, %mul3A_169 : i32
        %add3A_171 = arith.constant 32 : i32
        %add3A_172 = arith.addi %mul3A_170, %add3A_171 : i32
        %get3A_173 = arith.index_cast %add3A_172 : i32 to index
        %get3A_174 = tpu.vector_load %arg6[%get3A_173] {strides = array<i32>} : memref<10080xi32, #tpu.memory_space<vmem>>, vector<16xi32>,
        %get3A_175 = vector.shape_cast %get3A_174 : vector<16xi32> to vector<16xi32>
        %swap3A_176 = arith.constant 32 : index
        %swap3A_177 = tpu.vector_load %arg7[%swap3A_176] {strides = array<i32>} : memref<112xi32, #tpu.memory_space<vmem>>, vector<16xi32>,
        %swap3A_178 = vector.shape_cast %swap3A_177 : vector<16xi32> to vector<16xi32>
        %swap3A_179 = vector.shape_cast %get3A_175 : vector<16xi32> to vector<16xi32>
        tpu.vector_store %arg7[%swap3A_176], %swap3A_179 {strides = array<i32>} : memref<112xi32, #tpu.memory_space<vmem>>, vector<16xi32>,
        %mul3A_180 = arith.constant 112 : i32
        %mul3A_181 = arith.muli %add3A_99, %mul3A_180 : i32
        %add3A_182 = arith.constant 48 : i32
        %add3A_183 = arith.addi %mul3A_181, %add3A_182 : i32
        %get3A_184 = arith.index_cast %add3A_183 : i32 to index
        %get3A_185 = tpu.vector_load %arg6[%get3A_184] {strides = array<i32>} : memref<10080xi32, #tpu.memory_space<vmem>>, vector<16xi32>,
        %get3A_186 = vector.shape_cast %get3A_185 : vector<16xi32> to vector<16xi32>
        %swap3A_187 = arith.constant 48 : index
        %swap3A_188 = tpu.vector_load %arg7[%swap3A_187] {strides = array<i32>} : memref<112xi32, #tpu.memory_space<vmem>>, vector<16xi32>,
        %swap3A_189 = vector.shape_cast %swap3A_188 : vector<16xi32> to vector<16xi32>
        %swap3A_190 = vector.shape_cast %get3A_186 : vector<16xi32> to vector<16xi32>
        tpu.vector_store %arg7[%swap3A_187], %swap3A_190 {strides = array<i32>} : memref<112xi32, #tpu.memory_space<vmem>>, vector<16xi32>,
        %mul3A_191 = arith.constant 112 : i32
        %mul3A_192 = arith.muli %add3A_99, %mul3A_191 : i32
        %add3A_193 = arith.constant 64 : i32
        %add3A_194 = arith.addi %mul3A_192, %add3A_193 : i32
        %get3A_195 = arith.index_cast %add3A_194 : i32 to index
        %get3A_196 = tpu.vector_load %arg6[%get3A_195] {strides = array<i32>} : memref<10080xi32, #tpu.memory_space<vmem>>, vector<16xi32>,
        %get3A_197 = vector.shape_cast %get3A_196 : vector<16xi32> to vector<16xi32>
        %swap3A_198 = arith.constant 64 : index
        %swap3A_199 = tpu.vector_load %arg7[%swap3A_198] {strides = array<i32>} : memref<112xi32, #tpu.memory_space<vmem>>, vector<16xi32>,
        %swap3A_200 = vector.shape_cast %swap3A_199 : vector<16xi32> to vector<16xi32>
        %swap3A_201 = vector.shape_cast %get3A_197 : vector<16xi32> to vector<16xi32>
        tpu.vector_store %arg7[%swap3A_198], %swap3A_201 {strides = array<i32>} : memref<112xi32, #tpu.memory_space<vmem>>, vector<16xi32>,
        %mul3A_202 = arith.constant 112 : i32
        %mul3A_203 = arith.muli %add3A_99, %mul3A_202 : i32
        %add3A_204 = arith.constant 80 : i32
        %add3A_205 = arith.addi %mul3A_203, %add3A_204 : i32
        %get3A_206 = arith.index_cast %add3A_205 : i32 to index
        %get3A_207 = tpu.vector_load %arg6[%get3A_206] {strides = array<i32>} : memref<10080xi32, #tpu.memory_space<vmem>>, vector<16xi32>,
        %get3A_208 = vector.shape_cast %get3A_207 : vector<16xi32> to vector<16xi32>
        %swap3A_209 = arith.constant 80 : index
        %swap3A_210 = tpu.vector_load %arg7[%swap3A_209] {strides = array<i32>} : memref<112xi32, #tpu.memory_space<vmem>>, vector<16xi32>,
        %swap3A_211 = vector.shape_cast %swap3A_210 : vector<16xi32> to vector<16xi32>
        %swap3A_212 = vector.shape_cast %get3A_208 : vector<16xi32> to vector<16xi32>
        tpu.vector_store %arg7[%swap3A_209], %swap3A_212 {strides = array<i32>} : memref<112xi32, #tpu.memory_space<vmem>>, vector<16xi32>,
        %mul3A_213 = arith.constant 112 : i32
        %mul3A_214 = arith.muli %add3A_99, %mul3A_213 : i32
        %add3A_215 = arith.constant 96 : i32
        %add3A_216 = arith.addi %mul3A_214, %add3A_215 : i32
        %get3A_217 = arith.index_cast %add3A_216 : i32 to index
        %get3A_218 = tpu.vector_load %arg6[%get3A_217] {strides = array<i32>} : memref<10080xi32, #tpu.memory_space<vmem>>, vector<16xi32>,
        %get3A_219 = vector.shape_cast %get3A_218 : vector<16xi32> to vector<16xi32>
        %swap3A_220 = arith.constant 96 : index
        %swap3A_221 = tpu.vector_load %arg7[%swap3A_220] {strides = array<i32>} : memref<112xi32, #tpu.memory_space<vmem>>, vector<16xi32>,
        %swap3A_222 = vector.shape_cast %swap3A_221 : vector<16xi32> to vector<16xi32>
        %swap3A_223 = vector.shape_cast %get3A_219 : vector<16xi32> to vector<16xi32>
        tpu.vector_store %arg7[%swap3A_220], %swap3A_223 {strides = array<i32>} : memref<112xi32, #tpu.memory_space<vmem>>, vector<16xi32>,
        %dma_start3A = arith.constant 0 : i32
        %dma_start3A_224 = tpu.memref_slice %arg11[%dma_start3A] : memref<10112xf32, #tpu.memory_space<vmem_shared>> -> memref<10112xf32, #tpu.memory_space<vmem_shared>>
        tpu.enqueue_indirect_dma source(%arg9 : memref<112xf32, #tpu.memory_space<vmem>>) target(%dma_start3A_224 : memref<10112xf32, #tpu.memory_space<vmem_shared>>) offsets(%arg7 : memref<112xi32, #tpu.memory_space<vmem>>) semaphore(%arg12 : memref<!tpu.dma_semaphore, #tpu.memory_space<semaphore_mem>>) {add = true}
      } else {
      }
      %lt3A_121 = arith.cmpi slt, %add3A_99, %add3A_68 : i32
      %jit3A_122 = arith.constant 2 : i32
      %eq3A_123 = arith.constant 0 : i32
      %eq3A_124 = arith.cmpi eq, %jit3A_122, %eq3A_123 : i32
      %jit3A_125 = arith.constant 1 : i32
      %select_n3A_126 = arith.select %eq3A_124, %jit3A_125, %jit3A_122 : i32
      %rem3A_127 = arith.remsi %add3A_99, %select_n3A_126 : i32
      %ne3A_128 = arith.constant 0 : i32
      %ne3A_129 = arith.cmpi ne, %rem3A_127, %ne3A_128 : i32
      %lt3A_130 = arith.constant 0 : i32
      %lt3A_131 = arith.cmpi slt, %rem3A_127, %lt3A_130 : i32
      %lt3A_132 = arith.constant 0 : i32
      %lt3A_133 = arith.cmpi slt, %select_n3A_126, %lt3A_132 : i32
      %ne3A_134 = arith.xori %lt3A_131, %lt3A_133 : i1
      %and3A_135 = arith.andi %ne3A_134, %ne3A_129 : i1
      %add3A_136 = arith.addi %rem3A_127, %select_n3A_126 : i32
      %select_n3A_137 = arith.select %and3A_135, %add3A_136, %rem3A_127 : i32
      %eq3A_138 = arith.constant 1 : i32
      %eq3A_139 = arith.cmpi eq, %select_n3A_137, %eq3A_138 : i32
      %and3A_140 = arith.andi %lt3A_121, %eq3A_139 : i1
      %convert_element_type3A_141 = arith.extui %and3A_140 : i1 to i32
      %cond3A_142 = arith.constant 0 : i32
      %cond3A_143 = arith.cmpi ne, %convert_element_type3A_141, %cond3A_142 : i32
      scf.if %cond3A_143 {
        %ge3A = arith.constant 2 : i32
        %ge3A_144 = arith.cmpi sge, %add3A_99, %ge3A : i32
        %convert_element_type3A_145 = arith.extui %ge3A_144 : i1 to i32
        %cond3A_146 = arith.constant 0 : i32
        %cond3A_147 = arith.cmpi ne, %convert_element_type3A_145, %cond3A_146 : i32
        scf.if %cond3A_147 {
          %dma_wait3A_225 = arith.constant 0 : i32
          %dma_wait3A_226 = tpu.memref_slice %arg11[%dma_wait3A_225] : memref<10112xf32, #tpu.memory_space<vmem_shared>> -> memref<10112xf32, #tpu.memory_space<vmem_shared>>
          tpu.wait_indirect_dma semaphore(%arg13 : memref<!tpu.dma_semaphore, #tpu.memory_space<semaphore_mem>>) src(%arg9 : memref<112xf32, #tpu.memory_space<vmem>>) dst(%dma_wait3A_226 : memref<10112xf32, #tpu.memory_space<vmem_shared>>)
        } else {
        }
        %mul3A_148 = arith.constant 112 : i32
        %mul3A_149 = arith.muli %add3A_99, %mul3A_148 : i32
        %add3A_150 = arith.constant 0 : i32
        %add3A_151 = arith.addi %mul3A_149, %add3A_150 : i32
        %get3A = arith.index_cast %add3A_151 : i32 to index
        %get3A_152 = tpu.vector_load %arg6[%get3A] {strides = array<i32>} : memref<10080xi32, #tpu.memory_space<vmem>>, vector<16xi32>,
        %get3A_153 = vector.shape_cast %get3A_152 : vector<16xi32> to vector<16xi32>
        %swap3A_154 = arith.constant 0 : index
        %swap3A_155 = tpu.vector_load %arg8[%swap3A_154] {strides = array<i32>} : memref<112xi32, #tpu.memory_space<vmem>>, vector<16xi32>,
        %swap3A_156 = vector.shape_cast %swap3A_155 : vector<16xi32> to vector<16xi32>
        %swap3A_157 = vector.shape_cast %get3A_153 : vector<16xi32> to vector<16xi32>
        tpu.vector_store %arg8[%swap3A_154], %swap3A_157 {strides = array<i32>} : memref<112xi32, #tpu.memory_space<vmem>>, vector<16xi32>,
        %mul3A_158 = arith.constant 112 : i32
        %mul3A_159 = arith.muli %add3A_99, %mul3A_158 : i32
        %add3A_160 = arith.constant 16 : i32
        %add3A_161 = arith.addi %mul3A_159, %add3A_160 : i32
        %get3A_162 = arith.index_cast %add3A_161 : i32 to index
        %get3A_163 = tpu.vector_load %arg6[%get3A_162] {strides = array<i32>} : memref<10080xi32, #tpu.memory_space<vmem>>, vector<16xi32>,
        %get3A_164 = vector.shape_cast %get3A_163 : vector<16xi32> to vector<16xi32>
        %swap3A_165 = arith.constant 16 : index
        %swap3A_166 = tpu.vector_load %arg8[%swap3A_165] {strides = array<i32>} : memref<112xi32, #tpu.memory_space<vmem>>, vector<16xi32>,
        %swap3A_167 = vector.shape_cast %swap3A_166 : vector<16xi32> to vector<16xi32>
        %swap3A_168 = vector.shape_cast %get3A_164 : vector<16xi32> to vector<16xi32>
        tpu.vector_store %arg8[%swap3A_165], %swap3A_168 {strides = array<i32>} : memref<112xi32, #tpu.memory_space<vmem>>, vector<16xi32>,
        %mul3A_169 = arith.constant 112 : i32
        %mul3A_170 = arith.muli %add3A_99, %mul3A_169 : i32
        %add3A_171 = arith.constant 32 : i32
        %add3A_172 = arith.addi %mul3A_170, %add3A_171 : i32
        %get3A_173 = arith.index_cast %add3A_172 : i32 to index
        %get3A_174 = tpu.vector_load %arg6[%get3A_173] {strides = array<i32>} : memref<10080xi32, #tpu.memory_space<vmem>>, vector<16xi32>,
        %get3A_175 = vector.shape_cast %get3A_174 : vector<16xi32> to vector<16xi32>
        %swap3A_176 = arith.constant 32 : index
        %swap3A_177 = tpu.vector_load %arg8[%swap3A_176] {strides = array<i32>} : memref<112xi32, #tpu.memory_space<vmem>>, vector<16xi32>,
        %swap3A_178 = vector.shape_cast %swap3A_177 : vector<16xi32> to vector<16xi32>
        %swap3A_179 = vector.shape_cast %get3A_175 : vector<16xi32> to vector<16xi32>
        tpu.vector_store %arg8[%swap3A_176], %swap3A_179 {strides = array<i32>} : memref<112xi32, #tpu.memory_space<vmem>>, vector<16xi32>,
        %mul3A_180 = arith.constant 112 : i32
        %mul3A_181 = arith.muli %add3A_99, %mul3A_180 : i32
        %add3A_182 = arith.constant 48 : i32
        %add3A_183 = arith.addi %mul3A_181, %add3A_182 : i32
        %get3A_184 = arith.index_cast %add3A_183 : i32 to index
        %get3A_185 = tpu.vector_load %arg6[%get3A_184] {strides = array<i32>} : memref<10080xi32, #tpu.memory_space<vmem>>, vector<16xi32>,
        %get3A_186 = vector.shape_cast %get3A_185 : vector<16xi32> to vector<16xi32>
        %swap3A_187 = arith.constant 48 : index
        %swap3A_188 = tpu.vector_load %arg8[%swap3A_187] {strides = array<i32>} : memref<112xi32, #tpu.memory_space<vmem>>, vector<16xi32>,
        %swap3A_189 = vector.shape_cast %swap3A_188 : vector<16xi32> to vector<16xi32>
        %swap3A_190 = vector.shape_cast %get3A_186 : vector<16xi32> to vector<16xi32>
        tpu.vector_store %arg8[%swap3A_187], %swap3A_190 {strides = array<i32>} : memref<112xi32, #tpu.memory_space<vmem>>, vector<16xi32>,
        %mul3A_191 = arith.constant 112 : i32
        %mul3A_192 = arith.muli %add3A_99, %mul3A_191 : i32
        %add3A_193 = arith.constant 64 : i32
        %add3A_194 = arith.addi %mul3A_192, %add3A_193 : i32
        %get3A_195 = arith.index_cast %add3A_194 : i32 to index
        %get3A_196 = tpu.vector_load %arg6[%get3A_195] {strides = array<i32>} : memref<10080xi32, #tpu.memory_space<vmem>>, vector<16xi32>,
        %get3A_197 = vector.shape_cast %get3A_196 : vector<16xi32> to vector<16xi32>
        %swap3A_198 = arith.constant 64 : index
        %swap3A_199 = tpu.vector_load %arg8[%swap3A_198] {strides = array<i32>} : memref<112xi32, #tpu.memory_space<vmem>>, vector<16xi32>,
        %swap3A_200 = vector.shape_cast %swap3A_199 : vector<16xi32> to vector<16xi32>
        %swap3A_201 = vector.shape_cast %get3A_197 : vector<16xi32> to vector<16xi32>
        tpu.vector_store %arg8[%swap3A_198], %swap3A_201 {strides = array<i32>} : memref<112xi32, #tpu.memory_space<vmem>>, vector<16xi32>,
        %mul3A_202 = arith.constant 112 : i32
        %mul3A_203 = arith.muli %add3A_99, %mul3A_202 : i32
        %add3A_204 = arith.constant 80 : i32
        %add3A_205 = arith.addi %mul3A_203, %add3A_204 : i32
        %get3A_206 = arith.index_cast %add3A_205 : i32 to index
        %get3A_207 = tpu.vector_load %arg6[%get3A_206] {strides = array<i32>} : memref<10080xi32, #tpu.memory_space<vmem>>, vector<16xi32>,
        %get3A_208 = vector.shape_cast %get3A_207 : vector<16xi32> to vector<16xi32>
        %swap3A_209 = arith.constant 80 : index
        %swap3A_210 = tpu.vector_load %arg8[%swap3A_209] {strides = array<i32>} : memref<112xi32, #tpu.memory_space<vmem>>, vector<16xi32>,
        %swap3A_211 = vector.shape_cast %swap3A_210 : vector<16xi32> to vector<16xi32>
        %swap3A_212 = vector.shape_cast %get3A_208 : vector<16xi32> to vector<16xi32>
        tpu.vector_store %arg8[%swap3A_209], %swap3A_212 {strides = array<i32>} : memref<112xi32, #tpu.memory_space<vmem>>, vector<16xi32>,
        %mul3A_213 = arith.constant 112 : i32
        %mul3A_214 = arith.muli %add3A_99, %mul3A_213 : i32
        %add3A_215 = arith.constant 96 : i32
        %add3A_216 = arith.addi %mul3A_214, %add3A_215 : i32
        %get3A_217 = arith.index_cast %add3A_216 : i32 to index
        %get3A_218 = tpu.vector_load %arg6[%get3A_217] {strides = array<i32>} : memref<10080xi32, #tpu.memory_space<vmem>>, vector<16xi32>,
        %get3A_219 = vector.shape_cast %get3A_218 : vector<16xi32> to vector<16xi32>
        %swap3A_220 = arith.constant 96 : index
        %swap3A_221 = tpu.vector_load %arg8[%swap3A_220] {strides = array<i32>} : memref<112xi32, #tpu.memory_space<vmem>>, vector<16xi32>,
        %swap3A_222 = vector.shape_cast %swap3A_221 : vector<16xi32> to vector<16xi32>
        %swap3A_223 = vector.shape_cast %get3A_219 : vector<16xi32> to vector<16xi32>
        tpu.vector_store %arg8[%swap3A_220], %swap3A_223 {strides = array<i32>} : memref<112xi32, #tpu.memory_space<vmem>>, vector<16xi32>,
        %dma_start3A = arith.constant 0 : i32
        %dma_start3A_224 = tpu.memref_slice %arg11[%dma_start3A] : memref<10112xf32, #tpu.memory_space<vmem_shared>> -> memref<10112xf32, #tpu.memory_space<vmem_shared>>
        tpu.enqueue_indirect_dma source(%arg9 : memref<112xf32, #tpu.memory_space<vmem>>) target(%dma_start3A_224 : memref<10112xf32, #tpu.memory_space<vmem_shared>>) offsets(%arg8 : memref<112xi32, #tpu.memory_space<vmem>>) semaphore(%arg13 : memref<!tpu.dma_semaphore, #tpu.memory_space<semaphore_mem>>) {add = true}
      } else {
      }
    }
    %scan3A_78 = arith.constant 90 : i32
    %dma_wait3A = arith.constant 0 : i32
    %dma_wait3A_79 = tpu.memref_slice %arg11[%dma_wait3A] : memref<10112xf32, #tpu.memory_space<vmem_shared>> -> memref<10112xf32, #tpu.memory_space<vmem_shared>>
    tpu.wait_indirect_dma semaphore(%arg12 : memref<!tpu.dma_semaphore, #tpu.memory_space<semaphore_mem>>) src(%arg9 : memref<112xf32, #tpu.memory_space<vmem>>) dst(%dma_wait3A_79 : memref<10112xf32, #tpu.memory_space<vmem_shared>>)
    %dma_wait3A_80 = arith.constant 0 : i32
    %dma_wait3A_81 = tpu.memref_slice %arg11[%dma_wait3A_80] : memref<10112xf32, #tpu.memory_space<vmem_shared>> -> memref<10112xf32, #tpu.memory_space<vmem_shared>>
    tpu.wait_indirect_dma semaphore(%arg13 : memref<!tpu.dma_semaphore, #tpu.memory_space<semaphore_mem>>) src(%arg9 : memref<112xf32, #tpu.memory_space<vmem>>) dst(%dma_wait3A_81 : memref<10112xf32, #tpu.memory_space<vmem_shared>>)
    %barrier3A_82 = arith.constant 0 : index
    tpu.barrier barrier_id(%barrier3A_82)
    %eq3A = arith.constant 0 : i32
    %eq3A_83 = arith.cmpi eq, %arg1, %eq3A : i32
    %eq3A_84 = arith.constant 0 : i32
    %eq3A_85 = arith.cmpi eq, %arg0, %eq3A_84 : i32
    %and3A = arith.andi %eq3A_83, %eq3A_85 : i1
    %convert_element_type3A = arith.extui %and3A : i1 to i32
    %cond3A = arith.constant 0 : i32
    %cond3A_86 = arith.cmpi ne, %convert_element_type3A, %cond3A : i32
    scf.if %cond3A_86 {
      "tpu.region"() ({
        %run_scoped3A = tpu.sem_alloc : memref<!tpu.dma_semaphore, #tpu.memory_space<semaphore_mem>>
        tpu.enqueue_dma source(%arg11 : memref<10112xf32, #tpu.memory_space<vmem_shared>>) target(%arg4 : memref<10112xf32, #tpu.memory_space<hbm>>) target_semaphore(%run_scoped3A : memref<!tpu.dma_semaphore, #tpu.memory_space<semaphore_mem>>)
        tpu.wait_dma2 semaphore(%run_scoped3A : memref<!tpu.dma_semaphore, #tpu.memory_space<semaphore_mem>>) src(%arg11 : memref<10112xf32, #tpu.memory_space<vmem_shared>>) dst(%arg4 : memref<10112xf32, #tpu.memory_space<hbm>>)
        tpu.yield
      }) : () -> ()
    } else {
    }
    %eq3A_87 = arith.constant 0 : i32
    %eq3A_88 = arith.cmpi eq, %arg1, %eq3A_87 : i32
    %eq3A_89 = arith.constant 1 : i32
    %eq3A_90 = arith.cmpi eq, %arg0, %eq3A_89 : i32
    %and3A_91 = arith.andi %eq3A_88, %eq3A_90 : i1
    %convert_element_type3A_92 = arith.extui %and3A_91 : i1 to i32
    %cond3A_93 = arith.constant 0 : i32
    %cond3A_94 = arith.cmpi ne, %convert_element_type3A_92, %cond3A_93 : i32
    scf.if %cond3A_94 {
      "tpu.region"() ({
        %run_scoped3A = tpu.sem_alloc : memref<!tpu.dma_semaphore, #tpu.memory_space<semaphore_mem>>
        tpu.enqueue_dma source(%arg11 : memref<10112xf32, #tpu.memory_space<vmem_shared>>) target(%arg5 : memref<10112xf32, #tpu.memory_space<hbm>>) target_semaphore(%run_scoped3A : memref<!tpu.dma_semaphore, #tpu.memory_space<semaphore_mem>>)
        tpu.wait_dma2 semaphore(%run_scoped3A : memref<!tpu.dma_semaphore, #tpu.memory_space<semaphore_mem>>) src(%arg11 : memref<10112xf32, #tpu.memory_space<vmem_shared>>) dst(%arg5 : memref<10112xf32, #tpu.memory_space<hbm>>)
        tpu.yield
      }) : () -> ()
    } else {
    }
    return
  }
}

module attributes {stable_mosaic.version = 14 : i64} {
  func.func @body(%arg0: memref<10112xf32, #tpu.memory_space<vmem>>, %arg1: memref<10112xf32, #tpu.memory_space<vmem>>, %arg2: memref<10000x128xf32, #tpu.memory_space<vmem>>, %arg3: memref<128x128xf32, #tpu.memory_space<vmem>>, %arg4: memref<10000x128xf32, #tpu.memory_space<vmem>>, %arg5: memref<10000x128xf32, #tpu.memory_space<vmem>>) attributes {dimension_semantics = [], scalar_prefetch = 0 : i64, scratch_operands = 0 : i64, tpu.core_type = #tpu.core_type<tc>} {
    %get3A = arith.constant 0 : index
    %get3A_0 = vector.load %arg0[%get3A] : memref<10112xf32, #tpu.memory_space<vmem>>, vector<10112xf32>
    %add3A = arith.constant 1.000000e+00 : f32
    %add3A_1 = vector.broadcast %add3A : f32 to vector<10112xf32>
    %add3A_2 = arith.addf %add3A_1, %get3A_0 : vector<10112xf32>
    %get3A_3 = arith.constant 0 : index
    %get3A_4 = vector.load %arg1[%get3A_3] : memref<10112xf32, #tpu.memory_space<vmem>>, vector<10112xf32>
    %add3A_5 = arith.addf %add3A_2, %get3A_4 : vector<10112xf32>
    %reshape3A = vector.shape_cast %add3A_5 : vector<10112xf32> to vector<10112x1xf32>
    %rsqrt3A = math.rsqrt %reshape3A : vector<10112x1xf32>
    %slice3A = vector.extract_strided_slice %rsqrt3A {offsets = [0, 0], sizes = [10000, 1], strides = [1, 1]} : vector<10112x1xf32> to vector<10000x1xf32>
    %get3A_6 = arith.constant 0 : index
    %get3A_7 = arith.constant 0 : index
    %get3A_8 = vector.load %arg2[%get3A_6, %get3A_7] : memref<10000x128xf32, #tpu.memory_space<vmem>>, vector<10000x128xf32>
    %get3A_9 = arith.constant 0 : index
    %get3A_10 = arith.constant 0 : index
    %get3A_11 = vector.load %arg3[%get3A_9, %get3A_10] : memref<128x128xf32, #tpu.memory_space<vmem>>, vector<128x128xf32>
    %dot_general3A = arith.constant dense<0.000000e+00> : vector<10000x128xf32>
    %dot_general3A_12 = tpu.matmul %get3A_8, %get3A_11, %dot_general3A {dimension_numbers = #tpu.dot_dimension_numbers<[1], [0], [0], [1], [0, 0, 1, 1], [], []>, precision = #tpu.contract_precision<fp32>, transpose_lhs_hint = false} : vector<10000x128xf32>, vector<128x128xf32>, vector<10000x128xf32> -> vector<10000x128xf32>
    %mul3A = vector.broadcast %slice3A : vector<10000x1xf32> to vector<10000x128xf32>
    %mul3A_13 = arith.mulf %dot_general3A_12, %mul3A : vector<10000x128xf32>
    %swap3A = arith.constant 0 : index
    %swap3A_14 = arith.constant 0 : index
    %swap3A_15 = vector.load %arg4[%swap3A, %swap3A_14] : memref<10000x128xf32, #tpu.memory_space<vmem>>, vector<10000x128xf32>
    tpu.vector_store %arg4[%swap3A, %swap3A_14], %mul3A_13 {strides = array<i32>} : memref<10000x128xf32, #tpu.memory_space<vmem>>, vector<10000x128xf32>,
    %broadcast_in_dim3A = vector.shape_cast %slice3A : vector<10000x1xf32> to vector<10000x1xf32>
    %broadcast_in_dim3A_16 = vector.broadcast %broadcast_in_dim3A : vector<10000x1xf32> to vector<10000x128xf32>
    %swap3A_17 = arith.constant 0 : index
    %swap3A_18 = arith.constant 0 : index
    %swap3A_19 = vector.load %arg5[%swap3A_17, %swap3A_18] : memref<10000x128xf32, #tpu.memory_space<vmem>>, vector<10000x128xf32>
    tpu.vector_store %arg5[%swap3A_17, %swap3A_18], %broadcast_in_dim3A_16 {strides = array<i32>} : memref<10000x128xf32, #tpu.memory_space<vmem>>, vector<10000x128xf32>,
    return
  }
}

module attributes {stable_mosaic.version = 14 : i64} {
  func.func @body(%arg0: memref<2x10112x128xf32, #tpu.memory_space<vmem>>, %arg1: memref<10000x128xf32, #tpu.memory_space<vmem>>, %arg2: memref<10000x128xf32, #tpu.memory_space<vmem>>, %arg3: memref<1x128xf32, #tpu.memory_space<vmem>>, %arg4: memref<128x128xf32, #tpu.memory_space<vmem>>, %arg5: memref<10000x128xf32, #tpu.memory_space<vmem>>) attributes {dimension_semantics = [], scalar_prefetch = 0 : i64, scratch_operands = 0 : i64, tpu.core_type = #tpu.core_type<tc>} {
    %get3A = arith.constant 0 : index
    %get3A_0 = arith.constant 0 : index
    %get3A_1 = vector.load %arg2[%get3A, %get3A_0] : memref<10000x128xf32, #tpu.memory_space<vmem>>, vector<10000x128xf32>
    %get3A_2 = arith.constant 0 : index
    %get3A_3 = arith.constant 0 : index
    %get3A_4 = arith.constant 0 : index
    %get3A_5 = vector.load %arg0[%get3A_2, %get3A_3, %get3A_4] : memref<2x10112x128xf32, #tpu.memory_space<vmem>>, vector<2x10112x128xf32>
    %slice3A = vector.extract_strided_slice %get3A_5 {offsets = [0, 0, 0], sizes = [1, 10000, 128], strides = [1, 1, 1]} : vector<2x10112x128xf32> to vector<1x10000x128xf32>
    %squeeze3A = vector.shape_cast %slice3A : vector<1x10000x128xf32> to vector<10000x128xf32>
    %slice3A_6 = vector.extract_strided_slice %get3A_5 {offsets = [1, 0, 0], sizes = [1, 10000, 128], strides = [1, 1, 1]} : vector<2x10112x128xf32> to vector<1x10000x128xf32>
    %squeeze3A_7 = vector.shape_cast %slice3A_6 : vector<1x10000x128xf32> to vector<10000x128xf32>
    %add3A = arith.addf %squeeze3A, %squeeze3A_7 : vector<10000x128xf32>
    %get3A_8 = arith.constant 0 : index
    %get3A_9 = arith.constant 0 : index
    %get3A_10 = vector.load %arg1[%get3A_8, %get3A_9] : memref<10000x128xf32, #tpu.memory_space<vmem>>, vector<10000x128xf32>
    %add3A_11 = arith.addf %add3A, %get3A_10 : vector<10000x128xf32>
    %mul3A = arith.mulf %add3A_11, %get3A_1 : vector<10000x128xf32>
    %get3A_12 = arith.constant 0 : index
    %get3A_13 = arith.constant 0 : index
    %get3A_14 = vector.load %arg3[%get3A_12, %get3A_13] : memref<1x128xf32, #tpu.memory_space<vmem>>, vector<1x128xf32>
    %add3A_15 = vector.broadcast %get3A_14 : vector<1x128xf32> to vector<10000x128xf32>
    %add3A_16 = arith.addf %mul3A, %add3A_15 : vector<10000x128xf32>
    %max3A = arith.constant 0.000000e+00 : f32
    %max3A_17 = vector.broadcast %max3A : f32 to vector<10000x128xf32>
    %max3A_18 = arith.maximumf %add3A_16, %max3A_17 : vector<10000x128xf32>
    %get3A_19 = arith.constant 0 : index
    %get3A_20 = arith.constant 0 : index
    %get3A_21 = vector.load %arg4[%get3A_19, %get3A_20] : memref<128x128xf32, #tpu.memory_space<vmem>>, vector<128x128xf32>
    %dot_general3A = arith.constant dense<0.000000e+00> : vector<10000x128xf32>
    %dot_general3A_22 = tpu.matmul %max3A_18, %get3A_21, %dot_general3A {dimension_numbers = #tpu.dot_dimension_numbers<[1], [0], [0], [1], [0, 0, 1, 1], [], []>, precision = #tpu.contract_precision<fp32>, transpose_lhs_hint = false} : vector<10000x128xf32>, vector<128x128xf32>, vector<10000x128xf32> -> vector<10000x128xf32>
    %mul3A_23 = arith.mulf %dot_general3A_22, %get3A_1 : vector<10000x128xf32>
    %swap3A = arith.constant 0 : index
    %swap3A_24 = arith.constant 0 : index
    %swap3A_25 = vector.load %arg5[%swap3A, %swap3A_24] : memref<10000x128xf32, #tpu.memory_space<vmem>>, vector<10000x128xf32>
    tpu.vector_store %arg5[%swap3A, %swap3A_24], %mul3A_23 {strides = array<i32>} : memref<10000x128xf32, #tpu.memory_space<vmem>>, vector<10000x128xf32>,
    return
  }
}

module attributes {stable_mosaic.version = 14 : i64} {
  func.func @body(%arg0: memref<2x10112x128xf32, #tpu.memory_space<vmem>>, %arg1: memref<10000x128xf32, #tpu.memory_space<vmem>>, %arg2: memref<10000x128xf32, #tpu.memory_space<vmem>>, %arg3: memref<1x128xf32, #tpu.memory_space<vmem>>, %arg4: memref<1x128xf32, #tpu.memory_space<vmem>>) attributes {dimension_semantics = [], scalar_prefetch = 0 : i64, scratch_operands = 0 : i64, tpu.core_type = #tpu.core_type<tc>} {
    %get3A = arith.constant 0 : index
    %get3A_0 = arith.constant 0 : index
    %get3A_1 = vector.load %arg2[%get3A, %get3A_0] : memref<10000x128xf32, #tpu.memory_space<vmem>>, vector<10000x128xf32>
    %get3A_2 = arith.constant 0 : index
    %get3A_3 = arith.constant 0 : index
    %get3A_4 = arith.constant 0 : index
    %get3A_5 = vector.load %arg0[%get3A_2, %get3A_3, %get3A_4] : memref<2x10112x128xf32, #tpu.memory_space<vmem>>, vector<2x10112x128xf32>
    %slice3A = vector.extract_strided_slice %get3A_5 {offsets = [0, 0, 0], sizes = [1, 10000, 128], strides = [1, 1, 1]} : vector<2x10112x128xf32> to vector<1x10000x128xf32>
    %squeeze3A = vector.shape_cast %slice3A : vector<1x10000x128xf32> to vector<10000x128xf32>
    %slice3A_6 = vector.extract_strided_slice %get3A_5 {offsets = [1, 0, 0], sizes = [1, 10000, 128], strides = [1, 1, 1]} : vector<2x10112x128xf32> to vector<1x10000x128xf32>
    %squeeze3A_7 = vector.shape_cast %slice3A_6 : vector<1x10000x128xf32> to vector<10000x128xf32>
    %add3A = arith.addf %squeeze3A, %squeeze3A_7 : vector<10000x128xf32>
    %get3A_8 = arith.constant 0 : index
    %get3A_9 = arith.constant 0 : index
    %get3A_10 = vector.load %arg1[%get3A_8, %get3A_9] : memref<10000x128xf32, #tpu.memory_space<vmem>>, vector<10000x128xf32>
    %add3A_11 = arith.addf %add3A, %get3A_10 : vector<10000x128xf32>
    %mul3A = arith.mulf %add3A_11, %get3A_1 : vector<10000x128xf32>
    %get3A_12 = arith.constant 0 : index
    %get3A_13 = arith.constant 0 : index
    %get3A_14 = vector.load %arg3[%get3A_12, %get3A_13] : memref<1x128xf32, #tpu.memory_space<vmem>>, vector<1x128xf32>
    %add3A_15 = vector.broadcast %get3A_14 : vector<1x128xf32> to vector<10000x128xf32>
    %add3A_16 = arith.addf %mul3A, %add3A_15 : vector<10000x128xf32>
    %max3A = arith.constant 0.000000e+00 : f32
    %max3A_17 = vector.broadcast %max3A : f32 to vector<10000x128xf32>
    %max3A_18 = arith.maximumf %add3A_16, %max3A_17 : vector<10000x128xf32>
    %reduce_max3A = arith.constant dense<0xFF800000> : vector<128xf32>
    %reduce_max3A_19 = vector.multi_reduction <maximumf>, %max3A_18, %reduce_max3A [0] : vector<10000x128xf32> to vector<128xf32>
    %broadcast_in_dim3A = vector.shape_cast %reduce_max3A_19 : vector<128xf32> to vector<1x128xf32>
    %swap3A = arith.constant 0 : index
    %swap3A_20 = arith.constant 0 : index
    %swap3A_21 = vector.load %arg4[%swap3A, %swap3A_20] : memref<1x128xf32, #tpu.memory_space<vmem>>, vector<1x128xf32>
    tpu.vector_store %arg4[%swap3A, %swap3A_20], %broadcast_in_dim3A {strides = array<i32>} : memref<1x128xf32, #tpu.memory_space<vmem>>, vector<1x128xf32>,
    return
  }
}

</mosaic_0001>

<sc_bundles>
// kernel: kernel.11.cloned.1.call-start
scs
__scs_entry_jumppad:
0x0: {  	(pc) =	sbr.rel $0x88, $3  }
0x1: {  	(tag) =	ssettag $0x0;
	lr =	simm.s32 $0x1  }
0x2: {  	[smem:$0x3F9B] =	sst lr;
	_ =	strace $0xD0000000  }
0x3: {  	_ = 	snop  }
0x4: {  	_ = 	snop  }
0x5: {  	_ = 	snop  }
0x6: {  	_ = 	snop  }
0x7: {  	_ = 	snop  }
__scs_overlays_trampoline_lowered:
0x8: {  	[smem:$0x3FAA] =	sst s0  }
0x9: {  	[smem:$0x3FAB] =	sst s1  }
0xa: {  	[smem:$0x3FAC] =	sst s2  }
0xb: {  	[smem:$0x3FAD] =	sst s3  }
0xc: {  	[smem:$0x3FAE] =	sst s4  }
0xd: {  	[smem:$0x3FAF] =	sst s5  }
0xe: {  	[smem:$0x3FB0] =	sst s6  }
0xf: {  	[smem:$0x3FB1] =	sst s7  }
0x10: {  	[smem:$0x3FB2] =	sst s8  }
0x11: {  	[smem:$0x3FB3] =	sst s9;
	s0 =	simm.s32 @!p0 $0x0  }
0x12: {  	s1 =	sld [smem:$0x3F99];
	s0 =	simm.s32 @p0 $0x1  }
0x13: {  	[smem:$0x3FB4] =	sst s0;
	s0 =	simm.s32 @!p1 $0x0  }
0x14: {  	s2 =	sld [smem:$0x3F98];
	s0 =	simm.s32 @p1 $0x1  }
0x15: {  	[smem:$0x3FB5] =	sst s0;
	s0 =	simm.s32 @!p2 $0x0  }
0x16: {  	s3 =	sld [smem:$0x3FDB];
	s0 =	simm.s32 @p2 $0x1  }
0x17: {  	s4 =	simm.s32 $0x1BF5;
	[smem:$0x3FB7] =	sst s0  }
0x18: {  	s0 =	sld [smem:$0x3F9A];
	_ =	swait.ge [sflag:s4], $0x0  }
0x19: {  	s7 =	sld [smem:$0x3F9B]  }
0x1a: {  	s8 =	sadd.s32 $0xFFFFE003, lr  }
0x1b: {  	s9 =	sadd.s32 $0xFFFFFEF7, lr;
	s5 =	simm.s32 $0xFFFFFFFF;
	p2 =	slt.u32 s8, $0xFFFFF086  }
0x1c: {  	p1 =	slt.u32 s9, $0xF7A;
	s5 =	simm.s32 @!p2 $0x0  }
0x1d: {  	s5 =	simm.s32 @p1 $0x1;
	p0 =	seq.s32 s7, s2  }
0x1e: {  	s7 =	smul.u32 @!p0 $0xF7A, s2;
	p2 =	seq.s32 @!p0 s5, $0x0  }
0x1f: {  	s9 =	smul.u32 $0xF7A, s1;
	s8 =	simm.s32 @!p0 $0x1BF5;
	p2 =	por !p2, p0  }
0x20: {  	[sflag:s8] =	ssyncset.s32 @!p0 $0xFFFFF086;
	s6 =	sadd.s32 @!p0 s3, s7;
	s7 =	simm.s32 @!p0 $0x108  }
0x21: {  	s3 =	sadd.s32 s3, s9;
	s6 =	sadd.s32 @!p0 $0x88, s6;
	s7 =	simm.s32 @p2 $0x1082  }
0x22: {  	[simem:s7], [sflag:s8] =	dma.local @!p0 [hbm:s6], $0xF7A  }
0x23: {  	s9 =	sor.u32 $0xD0000000, s2;
	s6 =	simm.s32 $0x108;
	_ =	swait.ge @!p0 [sflag:s8], $0x0  }
0x24: {  	s3 =	sadd.s32 $0x88, s3;
	s6 =	simm.s32 @!p1 $0x1082;
	[sflag:s4] =	ssyncset.s32 $0xFFFFF086  }
0x25: {  	[simem:s6], [sflag:s4] =	dma.local [hbm:s3], $0xF7A  }
0x26: {  	[smem:$0x3F9B] =	sst s1;
	(tag) =	ssettag s2;
	_ =	strace s9  }
0x27: {  	s1 =	sld [smem:$0x3FAB]  }
0x28: {  	s2 =	sld [smem:$0x3FAC]  }
0x29: {  	s4 =	sld [smem:$0x3FAE]  }
0x2a: {  	p0 =	seq.s32 s5, $0x0;
	s5 =	sld [smem:$0x3FAF]  }
0x2b: {  	s6 =	sld [smem:$0x3FB0]  }
0x2c: {  	s7 =	sld [smem:$0x3FB1]  }
0x2d: {  	s3 =	simm.s32 $0x108;
	s8 =	sld [smem:$0x3FB2]  }
0x2e: {  	s3 =	simm.s32 @!p0 $0x1082;
	s9 =	sld [smem:$0x3FB3]  }
0x2f: {  	lr =	sadd.s32 s0, s3;
	s0 =	sld [smem:$0x3FAA]  }
0x30: {  	s3 =	sld [smem:$0x3FAD]  }
0x31: {  	[smem:$0x3FB6] =	sst s10  }
0x32: {  	s10 =	sld [smem:$0x3FB4];
	_ =	sdelay $0x3  }
0x33: {  	p0 =	seq.s32 s10, $0x1;
	s10 =	sld [smem:$0x3FB6];
	_ =	sdelay $0x3  }
0x34: {  	[smem:$0x3FB6] =	sst s10  }
0x35: {  	s10 =	sld [smem:$0x3FB5];
	_ =	sdelay $0x3  }
0x36: {  	p1 =	seq.s32 s10, $0x1;
	s10 =	sld [smem:$0x3FB6];
	_ =	sdelay $0x3  }
0x37: {  	[smem:$0x3FB6] =	sst s10  }
0x38: {  	s10 =	sld [smem:$0x3FB7]  }
0x39: {  	_ = 	snop;
	(pc) =	sbr.ind lr, $3  }
0x3a: {  	_ = 	snop  }
0x3b: {  	_ = 	snop  }
0x3c: {  	p2 =	seq.s32 s10, $0x1;
	s10 =	sld [smem:$0x3FB6]  }
0x3d: {  	_ =	shalt  }
0x3e: {  	_ =	shalt  }
0x3f: {  	_ =	shalt  }
0x40: {  	_ =	shalt  }
0x41: {  	_ =	shalt  }
0x42: {  	_ =	shalt  }
0x43: {  	_ =	shalt  }
0x44: {  	_ =	shalt  }
0x45: {  	_ =	shalt  }
0x46: {  	_ =	shalt  }
0x47: {  	_ =	shalt  }
0x48: {  	_ =	shalt  }
0x49: {  	_ =	shalt  }
0x4a: {  	_ =	shalt  }
0x4b: {  	_ =	shalt  }
0x4c: {  	_ =	shalt  }
0x4d: {  	_ =	shalt  }
0x4e: {  	_ =	shalt  }
0x4f: {  	_ =	shalt  }
0x50: {  	_ =	shalt  }
0x51: {  	_ =	shalt  }
0x52: {  	_ =	shalt  }
0x53: {  	_ =	shalt  }
0x54: {  	_ =	shalt  }
0x55: {  	_ =	shalt  }
0x56: {  	_ =	shalt  }
0x57: {  	_ =	shalt  }
0x58: {  	_ =	shalt  }
0x59: {  	_ =	shalt  }
0x5a: {  	_ =	shalt  }
0x5b: {  	_ =	shalt  }
0x5c: {  	_ =	shalt  }
0x5d: {  	_ =	shalt  }
0x5e: {  	_ =	shalt  }
0x5f: {  	_ =	shalt  }
0x60: {  	_ =	shalt  }
0x61: {  	_ =	shalt  }
0x62: {  	_ =	shalt  }
0x63: {  	_ =	shalt  }
0x64: {  	_ =	shalt  }
0x65: {  	_ =	shalt  }
0x66: {  	_ =	shalt  }
0x67: {  	_ =	shalt  }
0x68: {  	_ =	shalt  }
0x69: {  	_ =	shalt  }
0x6a: {  	_ =	shalt  }
0x6b: {  	_ =	shalt  }
0x6c: {  	_ =	shalt  }
0x6d: {  	_ =	shalt  }
0x6e: {  	_ =	shalt  }
0x6f: {  	_ =	shalt  }
0x70: {  	_ =	shalt  }
0x71: {  	_ =	shalt  }
0x72: {  	_ =	shalt  }
0x73: {  	_ =	shalt  }
0x74: {  	_ =	shalt  }
0x75: {  	_ =	shalt  }
0x76: {  	_ =	shalt  }
0x77: {  	_ =	shalt  }
0x78: {  	_ =	shalt  }
0x79: {  	_ =	shalt  }
0x7a: {  	_ =	shalt  }
0x7b: {  	_ =	shalt  }
0x7c: {  	_ =	shalt  }
0x7d: {  	_ =	shalt  }
0x7e: {  	_ =	shalt  }
0x7f: {  	_ =	shalt  }
0x80: {  	_ =	shalt  }
0x81: {  	_ =	shalt  }
0x82: {  	_ =	shalt  }
0x83: {  	_ =	shalt  }
0x84: {  	_ =	shalt  }
0x85: {  	_ =	shalt  }
0x86: {  	_ =	shalt  }
0x87: {  	_ =	shalt  }
.Lfunc_end0:
.L_simem_size_0:
called_computation.1_lowered:
.L_overlay_start_0:
0x88: {  	s2 =	sld [smem:$0x3FD9]  }
0x89: {  	s3 =	sld [smem:$0x3FFE];
	_ =	sdelay $0x1  }
0x8a: {  	s1 =	srdreg.scid  }
0x8b: {  	s0 =	sand.u32 $0x1, s1  }
0x8c: {  	s16 =	sshll.u32 s0, $0xA;
	s2 =	sadd.s32 s3, s2  }
0x8d: {  	s2 =	sadd.s32 s2, s16  }
0x8e: {  	[smem:$0x3FC2] =	sst s2  }
0x8f: {  	_ = 	snop  }
0x90: {  	(tm) =	ssettm $0x1  }
0x91: {  	s17 =	sld [smem:$0x3FFB];
	_ =	sdelay $0x3  }
0x92: {  	_ =	strace s17  }
0x93: {  	s2 =	sld [smem:$0x3FFC];
	_ =	sdelay $0x3  }
0x94: {  	_ =	strace s2  }
0x95: {  	s2 =	sld [smem:$0x3FFD];
	_ =	sdelay $0x3  }
0x96: {  	_ =	strace s2  }
0x97: {  	_ =	strace $0x8FFFFFFF  }
0x98: {  	s18 =	sld [smem:$0x3FDB];
	_ =	sdelay $0x1  }
0x99: {  	s19 =	simm.s32 $_scs_section_size  }
0x9a: {  	s4 =	simm.s32 $_size__tile_overlayer_lowered;
	s5 =	simm.s32 $_tile_overlayer_lowered  }
0x9b: {  	s22 =	simm.s32 $0x1BFF;
	s21 =	sshll.u32 s5, $0x1;
	s2 =	sadd.s32 s19, s18  }
0x9c: {  	s6 =	simm.s32 $0x0;
	s20 =	sshll.u32 s4, $0x1;
	s4 =	sadd.s32 s21, s2  }
0x9d: {  	[timem:s6], [sflag:s22] =	dma.local [hbm:s4], s20  }
0x9e: {  	_ =	swait.ge [sflag:s22], s20  }
0x9f: {  	s3 =	ssub.s32 $0x0, s20;
	[sflag:s22] =	ssyncset.done $0x0  }
0xa0: {  	[sflag:s22] =	ssyncadd.s32 s3;
	_ =	sdelay $0x1  }
0xa1: {  	s23 =	simm.s32 $0x1B8B  }
0xa2: {  	_ =	swait.ge [sflag:s23], $0x1  }
0xa3: {  	[sflag:s23] =	ssyncset.done $0x0  }
0xa4: {  	s25 =	simm.s32 $0x1B8E;
	s24 =	sld [smem:$0x3FFE];
	[sflag:s23] =	ssyncadd.s32 $0xFFFFFFFF  }
0xa5: {  	s26 =	simm.s32 $execute0_lowered;
	[smem:$0x3FD2] =	sst s25  }
0xa6: {  	s4 =	sshll.u32 s26, $0x1;
	_ =	strace $0x80000049;
	[dreg:$0x1] =	wrdreg $0xFFFFFFFF  }
0xa7: {  	s28 =	simm.s32 $_size_execute0_lowered;
	s2 =	sadd.s32 s2, s4;
	[dreg:$0x0] =	wrdreg $0x0  }
0xa8: {  	s4 =	sshll.u32 s28, $0x1;
	[dreg:$0x2] =	wrdreg s2  }
0xa9: {  	[dreg:$0x3] =	wrdreg s4  }
0xaa: {  	[dreg:$0x4] =	wrdreg $0xC0  }
0xab: {  	_ =	task [dreg:s6], $0x5FFFF  }
0xac: {  	[dreg:$0x1] =	wrdreg $0xFFFFFFFF  }
0xad: {  	[dreg:$0x0] =	wrdreg $0x60  }
0xae: {  	[dreg:$0x2] =	wrdreg s24  }
0xaf: {  	[dreg:$0x3] =	wrdreg $0xC0000  }
0xb0: {  	[dreg:$0x4] =	wrdreg $0x9  }
0xb1: {  	_ =	task.clear_ibuf [dreg:s6], $0x5FFFF;
	_ =	strace $0x90000049  }
0xb2: {  	s29 =	simm.s32 $0x9;
	_ =	strace $0x8000004B  }
0xb3: {  	_ =	swait.ge [sflag:s29], $0x1  }
0xb4: {  	[sflag:s29] =	ssyncadd.s32 $0xFFFFFFFF  }
0xb5: {  	_ =	strace $0x9000004B  }
0xb6: {  	_ =	sfence  }
0xb7: {  	s30 =	sld [smem:$0x0];
	_ =	sdelay $0x2  }
0xb8: {  	s31 =	sshll.u32 s1, $0xD;
	s1 =	sshrl.u32 s1, $0x2  }
0xb9: {  	s3 =	sand.u32 $0x4000, s31;
	s1 =	sadd.s32 s1, s30  }
0xba: {  	s0 =	sor.u32 s3, s0;
	s1 =	sshll.u32 s1, $0x11  }
0xbb: {  	s0 =	sor.u32 s1, s0  }
0xbc: {  	s0 =	sadd.s32 $0x8F2B, s0  }
0xbd: {  	[sflag:s0] =	ssyncadd.remote.s32 $0x1  }
0xbe: {  	_ =	sfence.sel $0xFFFF  }
0xbf: {  	[dreg:$0x0] =	wrdreg $0xFFFFFFFF;
	(pc) =	sbr.abs _section_cstart, $3  }
0xc0: {  	[dreg:$0x1] =	wrdreg $0xFFFFFFFF  }
0xc1: {  	_ =	task.clear_ibuf [dreg:s6], $0x2FFFF;
	_ =	strace $0x9FFFFFFF  }
0xc2: {  	(tm) =	ssettm $0x7FFFFFFF  }
0xc3: {  	_ =	shalt  }
tec
execute0_lowered:
.L_overlay_start_1:
0x0: {  	(tag) =	ssettag $0x1  }
0x1: {  	s0 =	srdreg.scid  }
0x2: {  	s18 =	stileid.u32;
	s5 =	rddreg [dreg:$0x0]  }
0x3: {  	s1 =	rddreg [dreg:$0x1];
	s2 =	simm.s32 $0x0;
	s9 =	simm.s32 $0x5A  }
0x4: {  	s15 =	simm.s32 $0x5000;
	s16 =	simm.s32 $0x5;
	s17 =	simm.s32 $0x2780  }
0x5: {  	s19 =	simm.s32 $0x4;
	s4 =	sand.u32 $0x1, s0;
	s30 =	sshll.u32 s18, $0x1  }
0x6: {  	[smem:$0x7FF] =	sst s2;
	s7 =	smul.u32 $0x4F000, s18;
	p0 =	slt.u32 s18, $0x5  }
0x7: {  	s0 =	sor.u32 s4, s30;
	_ =	strace $0x8000004A;
	s8 =	smul.u32 $0x27800, s4  }
0x8: {  	s4 =	ssub.s32 $0x2, s4;
	s9 =	simm.s32 @!p0 $0x59;
	p0 =	sne.s32 s18, $0x0  }
0x9: {  	s18 =	simm.s32 $0x3;
	s3 =	smul.u32 $0x59, s0;
	s6 =	smin.u32 s0, $0xA  }
0xa: {  	s31 =	sshrl.u32 s4, $0x1;
	s7 =	sshrl.u32 s7, $0x2;
	s0 =	simm.s32 @!p0 $0x0  }
0xb: {  	s13 =	sadd.s32 s8, s5;
	s14 =	ssub.s32 s4, s31;
	s4 =	sadd.s32 s7, s1  }
0xc: {  	s0 =	simm.s32 @p0 $0x1;
	s3 =	sadd.s32 s6, s3;
	s7 =	sadd.s32 $0xA800, s4  }
0xd: {  	s8 =	sadd.s32 $0xE000, s4;
	s10 =	sadd.s32 $0x11800, s4;
	s6 =	smul.u32 $0xE, s3  }
0xe: {  	s13 =	sadd.s32 $0x3E800, s13;
	s14 =	smax.u32 s14, $0x1;
	[smem:$0x7FD] =	sst s0  }
0xf: {  	s3 =	sadd.s32 $0x17600, s5;
	s12 =	sadd.s32 s6, s5;
	s5 =	sadd.s32 $0x3800, s4  }
0x10: {  	v0 =	vimm.f32 $0.0e+00;
	s6 =	sadd.s32 $0x7000, s4;
	s11 =	sadd.s32 $0xD800, s12;
	s12 =	sadd.s32 $0x2E00, s12  }
.LBB2_1:
0x11: {  	s20 =	simm.s32 $0x0;
	s21 =	simm.s32 $0x200  }
.LBB2_2:
0x12: {  	p0 =	sne.s32 s21, $0xDE00;
	[tilespmem:s20+$0x5070] =	vst v0  }
0x13: {  	[tilespmem:s20+$0x5000] =	vst v0  }
0x14: {  	[tilespmem:s20+$0x5010] =	vst v0  }
.Ltmp0:
0x15: {  	[tilespmem:s20+$0x5020] =	vst v0;
	(pc) =	sbr.rel @p0 .LBB2_2-.Ltmp0, $4  }
0x16: {  	[tilespmem:s20+$0x5030] =	vst v0  }
0x17: {  	[tilespmem:s20+$0x5040] =	vst v0  }
0x18: {  	[tilespmem:s20+$0x5050] =	vst v0  }
0x19: {  	[tilespmem:s20+$0x5060] =	vst v0;
	s20 =	sshra.s32 s21, $0x2;
	s21 =	sadd.s32 $0x200, s21  }
0x1a: {  	[tilespmem:s20+$0x5070] =	vst v0  }
0x1b: {  	[tilespmem:s20+$0x5000] =	vst v0  }
0x1c: {  	[tilespmem:s20+$0x5010] =	vst v0  }
0x1d: {  	[tilespmem:s20+$0x5020] =	vst v0  }
0x1e: {  	[tilespmem:s20+$0x5030] =	vst v0  }
0x1f: {  	[tilespmem:s20+$0x5040] =	vst v0  }
0x20: {  	[tilespmem:s20+$0x5050] =	vst v0  }
0x21: {  	[tilespmem:s20+$0x5060] =	vst v0  }
0x22: {  	[spmem:s4] =	stream.linear.scatter [tilespmem:s15], [sflag:$0x5], $0x3800, $0x38;
	[tilespmem:$0x1FC00] =	vst v63  }
0x23: {  	_ =	swait.ge [sflag:s16], $0x3800  }
0x24: {  	[sflag:s16] =	ssyncset.done $0x0  }
0x25: {  	[sflag:s16] =	ssyncadd.s32 $0xFFFFC800  }
0x26: {  	[spmem:s5] =	stream.linear.scatter [tilespmem:s15], [sflag:$0x5], $0x3800, $0x38;
	[tilespmem:$0x1FC00] =	vst v63  }
0x27: {  	_ =	swait.ge [sflag:s16], $0x3800  }
0x28: {  	[sflag:s16] =	ssyncset.done $0x0  }
0x29: {  	[sflag:s16] =	ssyncadd.s32 $0xFFFFC800  }
0x2a: {  	[spmem:s6] =	stream.linear.scatter [tilespmem:s15], [sflag:$0x5], $0x3800, $0x38;
	[tilespmem:$0x1FC00] =	vst v63  }
0x2b: {  	_ =	swait.ge [sflag:s16], $0x3800  }
0x2c: {  	[sflag:s16] =	ssyncset.done $0x0  }
0x2d: {  	[sflag:s16] =	ssyncadd.s32 $0xFFFFC800  }
0x2e: {  	[spmem:s7] =	stream.linear.scatter [tilespmem:s15], [sflag:$0x5], $0x3800, $0x38;
	[tilespmem:$0x1FC00] =	vst v63  }
0x2f: {  	_ =	swait.ge [sflag:s16], $0x3800  }
0x30: {  	[sflag:s16] =	ssyncset.done $0x0  }
0x31: {  	[sflag:s16] =	ssyncadd.s32 $0xFFFFC800  }
0x32: {  	[spmem:s8] =	stream.linear.scatter [tilespmem:s15], [sflag:$0x5], $0x3800, $0x38;
	[tilespmem:$0x1FC00] =	vst v63  }
0x33: {  	_ =	swait.ge [sflag:s16], $0x3800  }
0x34: {  	[sflag:s16] =	ssyncset.done $0x0  }
0x35: {  	[sflag:s16] =	ssyncadd.s32 $0xFFFFC800  }
0x36: {  	[spmem:s10] =	stream.linear.scatter [tilespmem:s15], [sflag:$0x5], $0x2400, $0x38;
	[tilespmem:$0x1FC00] =	vst v63  }
0x37: {  	_ =	swait.ge [sflag:s16], $0x2400  }
0x38: {  	[sflag:s16] =	ssyncset.done $0x0  }
0x39: {  	s22 =	simm.s32 $0x0;
	[sflag:s16] =	ssyncadd.s32 $0xFFFFDC00  }
0x3a: {  	[tilespmem:s22], [sflag:$0x5] =	stream.linear.gather [hbm4b:s11+s22], $0x2760, $0x38;
	[tilespmem:$0x1FC00] =	vst v63  }
0x3b: {  	p1 =	sle.u32 s9, $0x0;
	s20 =	sand.u32 $0x1, s22;
	_ =	swait.ge [sflag:s16], $0x2760  }
0x3c: {  	p2 =	sne.s32 @!p1 s20, $0x0;
	[sflag:s16] =	ssyncset.done $0x0  }
0x3d: {  	p0 =	por p2, p1;
	[sflag:s16] =	ssyncadd.s32 $0xFFFFD8A0  }
0x3e: {  	[tilespmem:s17], [sflag:$0x5] =	stream.linear.gather [hbm4b:s12+s22], $0x2760, $0x38;
	[tilespmem:$0x1FC00] =	vst v63  }
0x3f: {  	p3 =	por @!p0 $0x1, $0x1;
	_ =	swait.ge [sflag:s16], $0x2760  }
0x40: {  	p2 =	por @!p1 p3, p2;
	[sflag:s16] =	ssyncset.done $0x0  }
0x41: {  	p2 =	por p2, p1;
	[sflag:s16] =	ssyncadd.s32 $0xFFFFD8A0  }
0x42: {  	s21 =	simm.s32 @!p2 $0x3;
	[bflag:$0x0] =	sbarrier.arrive $0xFFFF  }
0x43: {  	_ =	swait.ge @!p2 [sflag:s21], $0x3800  }
0x44: {  	[sflag:s21] =	ssyncset.done @!p2 $0x0  }
0x45: {  	s25 =	simm.s32 $0x27B0;
	[sflag:s21] =	ssyncadd.s32 @!p2 $0xFFFFC800  }
0x46: {  	v1 =	vld @!p0 [tilespmem:s25+$0xFFFFFFD0];
	_ =	sdelay $0x4  }
0x47: {  	[tilespmem:$0x4F00] =	vst @!p0 v1  }
0x48: {  	v1 =	vld @!p0 [tilespmem:s25+$0xFFFFFFE0];
	_ =	sdelay $0x4  }
0x49: {  	[tilespmem:$0x4F10] =	vst @!p0 v1  }
0x4a: {  	v1 =	vld @!p0 [tilespmem:s25+$0xFFFFFFF0];
	_ =	sdelay $0x4  }
0x4b: {  	[tilespmem:$0x4F20] =	vst @!p0 v1  }
0x4c: {  	v1 =	vld @!p0 [tilespmem:s25+$0x0];
	_ =	sdelay $0x4  }
0x4d: {  	[tilespmem:$0x4F30] =	vst @!p0 v1  }
0x4e: {  	v1 =	vld @!p0 [tilespmem:s25+$0x10];
	_ =	sdelay $0x4  }
0x4f: {  	[tilespmem:$0x4F40] =	vst @!p0 v1  }
0x50: {  	v1 =	vld @!p0 [tilespmem:s25+$0x20];
	_ =	sdelay $0x4  }
0x51: {  	[tilespmem:$0x4F50] =	vst @!p0 v1  }
0x52: {  	p2 =	seq.s32 s20, $0x1;
	v1 =	vld @!p0 [tilespmem:s25+$0x30]  }
0x53: {  	p3 =	por !p2, p1  }
0x54: {  	p4 =	por @!p3 $0x1, $0x1  }
0x55: {  	p4 =	por @!p1 p4, !p2  }
0x56: {  	p1 =	por p4, p1  }
0x57: {  	s23 =	simm.s32 @!p0 $0x5000;
	s21 =	simm.s32 @!p0 $0x70;
	s24 =	simm.s32 @!p1 $0x4;
	[tilespmem:$0x4F60] =	vst @!p0 v1  }
0x58: {  	[tilespmem:s23], [sflag:$0x1] =	stream.indirect.gather @!p0 [hbm4b:s3+s21], $0x80, s22, s21, $0xb8;
	[tilespmem:$0x1FC00] =	vst v63  }
0x59: {  	_ =	swait.ge @!p1 [sflag:s24], $0x3800  }
0x5a: {  	[sflag:s24] =	ssyncset.done @!p1 $0x0  }
0x5b: {  	[sflag:s24] =	ssyncadd.s32 @!p1 $0xFFFFC800  }
0x5c: {  	v1 =	vld @!p3 [tilespmem:s25+$0xFFFFFFD0];
	_ =	sdelay $0x4  }
0x5d: {  	[tilespmem:$0x4F80] =	vst @!p3 v1  }
0x5e: {  	v1 =	vld @!p3 [tilespmem:s25+$0xFFFFFFE0];
	_ =	sdelay $0x4  }
0x5f: {  	[tilespmem:$0x4F90] =	vst @!p3 v1  }
0x60: {  	v1 =	vld @!p3 [tilespmem:s25+$0xFFFFFFF0];
	_ =	sdelay $0x4  }
0x61: {  	[tilespmem:$0x4FA0] =	vst @!p3 v1  }
0x62: {  	v1 =	vld @!p3 [tilespmem:s25+$0x0];
	_ =	sdelay $0x4  }
0x63: {  	[tilespmem:$0x4FB0] =	vst @!p3 v1  }
0x64: {  	v1 =	vld @!p3 [tilespmem:s25+$0x10];
	_ =	sdelay $0x4  }
0x65: {  	[tilespmem:$0x4FC0] =	vst @!p3 v1  }
0x66: {  	v1 =	vld @!p3 [tilespmem:s25+$0x20];
	_ =	sdelay $0x2  }
0x67: {  	p0 =	sle.u32 s9, $0xFFFFFFFF  }
0x68: {  	p1 =	sne.s32 @!p0 s20, $0x0  }
0x69: {  	s23 =	simm.s32 $0x1;
	p6 =	por p1, p1;
	p1 =	sle.u32 s9, $0x0;
	[tilespmem:$0x4FD0] =	vst @!p3 v1  }
0x6a: {  	p5 =	sle.u32 s9, $0x1;
	s0 =	simm.s32 @!p1 $0x0;
	v1 =	vld @!p3 [tilespmem:s25+$0x30];
	s25 =	sand.u32 $0x1, s23  }
0x6b: {  	s28 =	simm.s32 @!p3 $0x70;
	s0 =	simm.s32 @p1 $0x1;
	p1 =	sne.s32 @!p1 s25, $0x0  }
0x6c: {  	p2 =	por !p2, !p2;
	[smem:$0x7F8] =	sst s0;
	s0 =	simm.s32 @!p1 $0x0  }
0x6d: {  	p2 =	por p2, p2;
	p4 =	por p0, p0;
	s0 =	simm.s32 @p1 $0x1  }
0x6e: {  	p2 =	por p4, p2;
	[smem:$0x7F9] =	sst s0;
	s0 =	simm.s32 @!p5 $0x0  }
0x6f: {  	p6 =	por p6, p4;
	p4 =	seq.s32 s25, $0x1;
	s0 =	simm.s32 @p5 $0x1  }
0x70: {  	s29 =	simm.s32 @!p3 $0x8800;
	[smem:$0x7FA] =	sst s0;
	s0 =	simm.s32 @!p4 $0x0  }
0x71: {  	s21 =	simm.s32 $0x2820;
	p1 =	por !p4, !p4;
	s0 =	simm.s32 @p4 $0x1  }
0x72: {  	s24 =	simm.s32 $0x2;
	[smem:$0x7FB] =	sst s0;
	s0 =	simm.s32 @!p1 $0x0  }
0x73: {  	s26 =	simm.s32 @!p2 $0x1;
	p0 =	sne.s32 @!p5 s25, $0x0;
	s0 =	simm.s32 @p1 $0x1  }
0x74: {  	s20 =	simm.s32 $0x70;
	[tilespmem:$0x4FE0] =	vst @!p3 v1;
	p5 =	por p0, p5;
	[smem:$0x7FC] =	sst s0  }
.LBB2_4:
0x75: {  	[smem:$0x7F4] =	sst s1  }
0x76: {  	s1 =	sld [smem:$0x7F8];
	_ =	sdelay $0x2  }
0x77: {  	p1 =	seq.s32 s1, $0x1;
	s1 =	sld [smem:$0x7F4];
	_ =	sdelay $0x1  }
0x78: {  	p4 =	por p1, p1  }
0x79: {  	[smem:$0x7F4] =	sst s1;
	s1 =	simm.s32 @!p4 $0x0  }
0x7a: {  	s1 =	simm.s32 @p4 $0x1  }
0x7b: {  	[smem:$0x7F5] =	sst s1  }
0x7c: {  	s1 =	sld [smem:$0x7F4];
	_ =	sdelay $0x2  }
0x7d: {  	[smem:$0x7F4] =	sst s1  }
0x7e: {  	s1 =	sld [smem:$0x7F9];
	_ =	sdelay $0x2  }
0x7f: {  	p1 =	seq.s32 s1, $0x1;
	s1 =	sld [smem:$0x7F4];
	_ =	sdelay $0x1  }
0x80: {  	p4 =	por p1, p1  }
0x81: {  	[smem:$0x7F4] =	sst s1;
	s1 =	simm.s32 @!p4 $0x0  }
0x82: {  	s1 =	simm.s32 @p4 $0x1  }
0x83: {  	[smem:$0x7F6] =	sst s1  }
0x84: {  	s1 =	sld [smem:$0x7F4];
	_ =	sdelay $0x2  }
0x85: {  	[smem:$0x7F4] =	sst s1  }
0x86: {  	s1 =	sld [smem:$0x7FC];
	_ =	sdelay $0x1  }
0x87: {  	s30 =	simm.s32 @!p2 $0x4F00  }
0x88: {  	s31 =	simm.s32 @!p2 $0x5000;
	p1 =	seq.s32 s1, $0x1;
	s1 =	sld [smem:$0x7F4]  }
0x89: {  	[tilespmem:s29], [sflag:$0x2] =	stream.indirect.gather @!p3 [hbm4b:s3+s28], $0x80, s22, s28, $0xb8;
	[tilespmem:$0x1FC00] =	vst v63  }
0x8a: {  	s0 =	simm.s32 @!p6 $0x8800;
	s25 =	smov.u32 s24;
	_ =	swait.ge @!p2 [sflag:s26], $0x3800  }
0x8b: {  	s24 =	sadd.s32 $0x1, s24;
	p3 =	slt.u32 @!p5 s23, $0x2;
	[sflag:s26] =	ssyncset.done @!p2 $0x0  }
0x8c: {  	s22 =	simm.s32 @!p2 $0x70;
	s28 =	sld [smem:$0x7FA];
	[sflag:s26] =	ssyncadd.s32 @!p2 $0xFFFFC800  }
0x8d: {  	[spmem:s1] =	stream.indirect.scatter.add.f32 @!p2 [tilespmem:s31], [sflag:$0x3], $0x80, s30, s22, $0xb8;
	[tilespmem:$0x1FC00] =	vst v63  }
0x8e: {  	s29 =	simm.s32 @!p6 $0x70;
	p4 =	por p1, p1;
	p2 =	sne.s32 s24, $0x5B  }
0x8f: {  	p1 =	seq.s32 s28, $0x1;
	s28 =	simm.s32 @!p6 $0x2;
	s22 =	simm.s32 @!p2 $0x0  }
0x90: {  	p0 =	por @!p1 p3, p0;
	_ =	swait.ge @!p6 [sflag:s28], $0x3800;
	s22 =	simm.s32 @p2 $0x1  }
0x91: {  	p0 =	por p0, p1;
	[smem:$0x7F7] =	sst s22;
	[sflag:s28] =	ssyncset.done @!p6 $0x0  }
0x92: {  	s26 =	simm.s32 @!p0 $0x3;
	[sflag:s28] =	ssyncadd.s32 @!p6 $0xFFFFC800;
	s28 =	simm.s32 @!p6 $0x4F80  }
0x93: {  	[spmem:s1] =	stream.indirect.scatter.add.f32 @!p6 [tilespmem:s0], [sflag:$0x4], $0x80, s28, s29, $0xb8;
	[tilespmem:$0x1FC00] =	vst v63  }
0x94: {  	_ =	swait.ge @!p0 [sflag:s26], $0x3800  }
0x95: {  	[sflag:s26] =	ssyncset.done @!p0 $0x0  }
0x96: {  	[sflag:s26] =	ssyncadd.s32 @!p0 $0xFFFFC800  }
0x97: {  	v1 =	vld @!p5 [tilespmem:s21+$0xFFFFFFD0];
	_ =	sdelay $0x4  }
0x98: {  	[tilespmem:$0x4F00] =	vst @!p5 v1  }
0x99: {  	v1 =	vld @!p5 [tilespmem:s21+$0xFFFFFFE0];
	_ =	sdelay $0x4  }
0x9a: {  	[tilespmem:$0x4F10] =	vst @!p5 v1  }
0x9b: {  	v1 =	vld @!p5 [tilespmem:s21+$0xFFFFFFF0];
	_ =	sdelay $0x4  }
0x9c: {  	[tilespmem:$0x4F20] =	vst @!p5 v1  }
0x9d: {  	v1 =	vld @!p5 [tilespmem:s21+$0x0];
	_ =	sdelay $0x4  }
0x9e: {  	[tilespmem:$0x4F30] =	vst @!p5 v1  }
0x9f: {  	v1 =	vld @!p5 [tilespmem:s21+$0x10];
	_ =	sdelay $0x4  }
0xa0: {  	[tilespmem:$0x4F40] =	vst @!p5 v1  }
0xa1: {  	v1 =	vld @!p5 [tilespmem:s21+$0x20];
	_ =	sdelay $0x2  }
0xa2: {  	s30 =	sld [smem:$0x7FB];
	_ =	sdelay $0x1  }
0xa3: {  	[tilespmem:$0x4F50] =	vst @!p5 v1  }
0xa4: {  	p2 =	seq.s32 s30, $0x1;
	v1 =	vld @!p5 [tilespmem:s21+$0x30]  }
0xa5: {  	p3 =	por !p2, p1  }
0xa6: {  	p0 =	slt.u32 @!p3 s23, $0x2  }
0xa7: {  	p0 =	por @!p1 p0, !p2  }
0xa8: {  	s0 =	simm.s32 @!p5 $0x70;
	p0 =	por p0, p1  }
0xa9: {  	s23 =	smov.u32 s25;
	s25 =	simm.s32 @!p5 $0x5000;
	s26 =	simm.s32 @!p0 $0x4;
	[tilespmem:$0x4F60] =	vst @!p5 v1  }
0xaa: {  	[tilespmem:s25], [sflag:$0x1] =	stream.indirect.gather @!p5 [hbm4b:s3+s0], $0x80, s20, s0, $0xb8;
	[tilespmem:$0x1FC00] =	vst v63  }
0xab: {  	_ =	swait.ge @!p0 [sflag:s26], $0x3800  }
0xac: {  	[sflag:s26] =	ssyncset.done @!p0 $0x0  }
0xad: {  	[sflag:s26] =	ssyncadd.s32 @!p0 $0xFFFFC800  }
0xae: {  	v1 =	vld @!p3 [tilespmem:s21+$0xFFFFFFD0];
	_ =	sdelay $0x4  }
0xaf: {  	[tilespmem:$0x4F80] =	vst @!p3 v1  }
0xb0: {  	v1 =	vld @!p3 [tilespmem:s21+$0xFFFFFFE0];
	_ =	sdelay $0x4  }
0xb1: {  	[tilespmem:$0x4F90] =	vst @!p3 v1  }
0xb2: {  	v1 =	vld @!p3 [tilespmem:s21+$0xFFFFFFF0];
	_ =	sdelay $0x4  }
0xb3: {  	[tilespmem:$0x4FA0] =	vst @!p3 v1  }
0xb4: {  	v1 =	vld @!p3 [tilespmem:s21+$0x0];
	_ =	sdelay $0x4  }
0xb5: {  	[tilespmem:$0x4FB0] =	vst @!p3 v1  }
0xb6: {  	v1 =	vld @!p3 [tilespmem:s21+$0x10];
	_ =	sdelay $0x1  }
0xb7: {  	s31 =	sadd.s32 $0xFFFFFFFF, s23  }
0xb8: {  	p1 =	sge.u32 s31, s9  }
0xb9: {  	s0 =	simm.s32 @!p1 $0x0  }
0xba: {  	s25 =	sand.u32 $0x1, s23;
	s0 =	simm.s32 @p1 $0x1;
	[tilespmem:$0x4FC0] =	vst @!p3 v1  }
0xbb: {  	p1 =	sne.s32 @!p1 s25, $0x0;
	[smem:$0x7F8] =	sst s0;
	v1 =	vld @!p3 [tilespmem:s21+$0x20]  }
0xbc: {  	s0 =	simm.s32 @!p1 $0x0;
	s31 =	sld [smem:$0x7F7]  }
0xbd: {  	p5 =	sge.u32 s23, s9;
	s0 =	simm.s32 @p1 $0x1;
	s26 =	sld [smem:$0x7F5]  }
0xbe: {  	p2 =	seq.s32 s25, $0x1;
	[smem:$0x7F9] =	sst s0;
	s0 =	simm.s32 @!p5 $0x0  }
0xbf: {  	s22 =	smov.u32 s20;
	p1 =	por !p2, !p2;
	s0 =	simm.s32 @p5 $0x1  }
0xc0: {  	[smem:$0x7FA] =	sst s0;
	s0 =	simm.s32 @!p2 $0x0;
	p6 =	seq.s32 s26, $0x1;
	[tilespmem:$0x4FD0] =	vst @!p3 v1  }
0xc1: {  	s0 =	simm.s32 @p2 $0x1;
	p2 =	por p6, p4;
	p4 =	seq.s32 s31, $0x1;
	v1 =	vld @!p3 [tilespmem:s21+$0x30]  }
.Ltmp1:
0xc2: {  	s28 =	simm.s32 @!p3 $0x70;
	s30 =	sld [smem:$0x7F6];
	(pc) =	sbr.rel @p4 .LBB2_4-.Ltmp1, $4  }
0xc3: {  	s29 =	simm.s32 @!p3 $0x8800;
	s20 =	sadd.s32 $0x70, s20;
	p0 =	sne.s32 @!p5 s25, $0x0  }
0xc4: {  	p5 =	por p0, p5;
	[smem:$0x7FB] =	sst s0;
	s0 =	simm.s32 @!p1 $0x0  }
0xc5: {  	s26 =	simm.s32 @!p2 $0x1;
	s0 =	simm.s32 @p1 $0x1;
	p1 =	seq.s32 s30, $0x1  }
0xc6: {  	[smem:$0x7FC] =	sst s0;
	p6 =	por p1, p6;
	s21 =	sadd.s32 $0x70, s21;
	[tilespmem:$0x4FE0] =	vst @!p3 v1  }
0xc7: {  	[tilespmem:s29], [sflag:$0x2] =	stream.indirect.gather @!p3 [hbm4b:s3+s28], $0x80, s22, s28, $0xb8;
	[tilespmem:$0x1FC00] =	vst v63  }
0xc8: {  	_ =	swait.ge @!p2 [sflag:s26], $0x3800  }
0xc9: {  	s0 =	simm.s32 @!p2 $0x4F00;
	[sflag:s26] =	ssyncset.done @!p2 $0x0  }
0xca: {  	s22 =	simm.s32 @!p2 $0x5000;
	s24 =	simm.s32 @!p2 $0x70;
	[sflag:s26] =	ssyncadd.s32 @!p2 $0xFFFFC800  }
0xcb: {  	[spmem:s1] =	stream.indirect.scatter.add.f32 @!p2 [tilespmem:s22], [sflag:$0x3], $0x80, s0, s24, $0xb8;
	[tilespmem:$0x1FC00] =	vst v63  }
0xcc: {  	s0 =	simm.s32 @!p6 $0x2  }
0xcd: {  	_ =	swait.ge @!p6 [sflag:s0], $0x3800  }
0xce: {  	s22 =	simm.s32 @!p6 $0x8800;
	s25 =	sld [smem:$0x7FA];
	[sflag:s0] =	ssyncset.done @!p6 $0x0  }
0xcf: {  	s24 =	simm.s32 @!p6 $0x70;
	[sflag:s0] =	ssyncadd.s32 @!p6 $0xFFFFC800;
	s0 =	simm.s32 @!p6 $0x4F80  }
0xd0: {  	[spmem:s1] =	stream.indirect.scatter.add.f32 @!p6 [tilespmem:s22], [sflag:$0x4], $0x80, s0, s24, $0xb8;
	[tilespmem:$0x1FC00] =	vst v63  }
0xd1: {  	p2 =	slt.u32 @!p5 s23, $0x2;
	p1 =	seq.s32 s25, $0x1  }
0xd2: {  	p0 =	por @!p1 p2, p0  }
0xd3: {  	p0 =	por p0, p1  }
0xd4: {  	s0 =	simm.s32 @!p0 $0x3  }
0xd5: {  	_ =	swait.ge @!p0 [sflag:s0], $0x3800  }
0xd6: {  	[sflag:s0] =	ssyncset.done @!p0 $0x0  }
0xd7: {  	[sflag:s0] =	ssyncadd.s32 @!p0 $0xFFFFC800  }
0xd8: {  	v1 =	vld @!p5 [tilespmem:s21+$0xFFFFFFD0];
	_ =	sdelay $0x4  }
0xd9: {  	[tilespmem:$0x4F00] =	vst @!p5 v1  }
0xda: {  	v1 =	vld @!p5 [tilespmem:s21+$0xFFFFFFE0];
	_ =	sdelay $0x4  }
0xdb: {  	[tilespmem:$0x4F10] =	vst @!p5 v1  }
0xdc: {  	v1 =	vld @!p5 [tilespmem:s21+$0xFFFFFFF0];
	_ =	sdelay $0x4  }
0xdd: {  	[tilespmem:$0x4F20] =	vst @!p5 v1  }
0xde: {  	v1 =	vld @!p5 [tilespmem:s21+$0x0];
	_ =	sdelay $0x4  }
0xdf: {  	[tilespmem:$0x4F30] =	vst @!p5 v1  }
0xe0: {  	v1 =	vld @!p5 [tilespmem:s21+$0x10];
	_ =	sdelay $0x4  }
0xe1: {  	[tilespmem:$0x4F40] =	vst @!p5 v1  }
0xe2: {  	v1 =	vld @!p5 [tilespmem:s21+$0x20];
	_ =	sdelay $0x3  }
0xe3: {  	s26 =	sld [smem:$0x7FB]  }
0xe4: {  	[tilespmem:$0x4F50] =	vst @!p5 v1  }
0xe5: {  	v1 =	vld @!p5 [tilespmem:s21+$0x30]  }
0xe6: {  	p3 =	seq.s32 s26, $0x1  }
0xe7: {  	p0 =	por !p3, p1  }
0xe8: {  	p2 =	slt.u32 @!p0 s23, $0x2  }
0xe9: {  	p2 =	por @!p1 p2, !p3  }
0xea: {  	s22 =	simm.s32 @!p5 $0x5000;
	s0 =	simm.s32 @!p5 $0x70;
	p1 =	por p2, p1;
	[tilespmem:$0x4F60] =	vst @!p5 v1  }
0xeb: {  	[tilespmem:s22], [sflag:$0x1] =	stream.indirect.gather @!p5 [hbm4b:s3+s0], $0x80, s20, s0, $0xb8;
	[tilespmem:$0x1FC00] =	vst v63  }
0xec: {  	s0 =	simm.s32 @!p1 $0x4  }
0xed: {  	_ =	swait.ge @!p1 [sflag:s0], $0x3800  }
0xee: {  	[sflag:s0] =	ssyncset.done @!p1 $0x0  }
0xef: {  	[sflag:s0] =	ssyncadd.s32 @!p1 $0xFFFFC800  }
0xf0: {  	v1 =	vld @!p0 [tilespmem:s21+$0xFFFFFFD0];
	_ =	sdelay $0x4  }
0xf1: {  	[tilespmem:$0x4F80] =	vst @!p0 v1  }
0xf2: {  	v1 =	vld @!p0 [tilespmem:s21+$0xFFFFFFE0];
	_ =	sdelay $0x4  }
0xf3: {  	[tilespmem:$0x4F90] =	vst @!p0 v1  }
0xf4: {  	v1 =	vld @!p0 [tilespmem:s21+$0xFFFFFFF0];
	_ =	sdelay $0x4  }
0xf5: {  	[tilespmem:$0x4FA0] =	vst @!p0 v1  }
0xf6: {  	v1 =	vld @!p0 [tilespmem:s21+$0x0];
	_ =	sdelay $0x4  }
0xf7: {  	[tilespmem:$0x4FB0] =	vst @!p0 v1  }
0xf8: {  	v1 =	vld @!p0 [tilespmem:s21+$0x10];
	_ =	sdelay $0x4  }
0xf9: {  	[tilespmem:$0x4FC0] =	vst @!p0 v1  }
0xfa: {  	v1 =	vld @!p0 [tilespmem:s21+$0x20];
	_ =	sdelay $0x4  }
0xfb: {  	[tilespmem:$0x4FD0] =	vst @!p0 v1  }
0xfc: {  	v1 =	vld @!p0 [tilespmem:s21+$0x30]  }
0xfd: {  	s28 =	sld [smem:$0x7F8]  }
0xfe: {  	s29 =	sld [smem:$0x7FC];
	_ =	sdelay $0x1  }
0xff: {  	s30 =	sld [smem:$0x7F9];
	s0 =	simm.s32 @!p0 $0x70  }
0x100: {  	p4 =	seq.s32 s28, $0x1;
	p5 =	seq.s32 s29, $0x1;
	s21 =	simm.s32 @!p0 $0x8800;
	[tilespmem:$0x4FE0] =	vst @!p0 v1  }
0x101: {  	[tilespmem:s21], [sflag:$0x2] =	stream.indirect.gather @!p0 [hbm4b:s3+s0], $0x80, s20, s0, $0xb8;
	[tilespmem:$0x1FC00] =	vst v63  }
0x102: {  	p1 =	por p5, p5;
	p0 =	por p4, p4  }
0x103: {  	p6 =	seq.s32 s30, $0x1;
	p1 =	por p0, p1  }
0x104: {  	p2 =	por p6, p6;
	s0 =	simm.s32 @!p1 $0x1  }
0x105: {  	p0 =	por p2, p0;
	_ =	swait.ge @!p1 [sflag:s0], $0x3800  }
0x106: {  	s20 =	simm.s32 @!p1 $0x4F00;
	s21 =	simm.s32 @!p1 $0x5000;
	[sflag:s0] =	ssyncset.done @!p1 $0x0  }
0x107: {  	s22 =	simm.s32 @!p1 $0x70;
	[sflag:s0] =	ssyncadd.s32 @!p1 $0xFFFFC800;
	s0 =	simm.s32 @!p0 $0x2  }
0x108: {  	[spmem:s1] =	stream.indirect.scatter.add.f32 @!p1 [tilespmem:s21], [sflag:$0x3], $0x80, s20, s22, $0xb8;
	[tilespmem:$0x1FC00] =	vst v63  }
0x109: {  	_ =	swait.ge @!p0 [sflag:s0], $0x3800  }
0x10a: {  	s20 =	simm.s32 @!p0 $0x8800;
	[sflag:s0] =	ssyncset.done @!p0 $0x0  }
0x10b: {  	s21 =	simm.s32 @!p0 $0x70;
	[sflag:s0] =	ssyncadd.s32 @!p0 $0xFFFFC800;
	s0 =	simm.s32 @!p0 $0x4F80  }
0x10c: {  	[spmem:s1] =	stream.indirect.scatter.add.f32 @!p0 [tilespmem:s20], [sflag:$0x4], $0x80, s0, s21, $0xb8;
	[tilespmem:$0x1FC00] =	vst v63  }
0x10d: {  	_ =	swait.ge [sflag:s18], $0x3800  }
0x10e: {  	[sflag:s18] =	ssyncset.done $0x0  }
0x10f: {  	[sflag:s18] =	ssyncadd.s32 $0xFFFFC800  }
0x110: {  	_ =	swait.ge [sflag:s19], $0x3800  }
0x111: {  	[sflag:s19] =	ssyncset.done $0x0  }
0x112: {  	[sflag:s19] =	ssyncadd.s32 $0xFFFFC800  }
0x113: {  	[bflag:$0x0] =	sbarrier.arrive $0xFFFF  }
0x114: {  	s31 =	sld [smem:$0x7FD];
	_ =	sdelay $0x2  }
0x115: {  	s2 =	sadd.s32 $0x1, s2;
	p1 =	seq.s32 s31, $0x1  }
0x116: {  	p0 =	sne.s32 s2, s14;
	s0 =	sshrl.u32 @!p1 s1, $0x3;
	s20 =	simm.s32 @!p1 $0x1C05  }
0x117: {  	[hbm:s13], [sflag:s20] =	dma.local @!p1 [spmem:s0], $0x27800  }
.Ltmp2:
0x118: {  	_ = 	snop;
	(pc) =	sbr.rel @p0 .LBB2_1-.Ltmp2, $4  }
0x119: {  	s0 =	simm.s32 @!p1 $0x5  }
0x11a: {  	_ =	swait.ge @!p1 [sflag:s0], $0x27800  }
0x11b: {  	[sflag:s0] =	ssyncset.done @!p1 $0x0  }
0x11c: {  	[sflag:s0] =	ssyncadd.s32 @!p1 $0xFFFD8800  }
0x11d: {  	_ =	sfence.sel $0x180000  }
0x11e: {  	[bflag:$0x0] =	sbarrier.arrive $0xFFFF  }
0x11f: {  	_ =	strace $0x9000004A  }
0x120: {  	[bflag:$0x2] =	sbarrier.arrive $0xFFFF  }
0x121: {  	s1 =	sld [smem:$0x7FD];
	_ =	sdelay $0x2  }
0x122: {  	s0 =	rddreg [dreg:$0x2];
	p0 =	seq.s32 s1, $0x1  }
0x123: {  	s0 =	sadd.s32 @!p0 $0x100000, s0  }
0x124: {  	[sflag:s0] =	ssyncadd.tile.s32 @!p0 $0x1;
	_ =	shalt  }
.Lfunc_end2:
_tile_overlayer_lowered:
.L_overlay_start_2:
0x125: {  	(tag) =	ssettag $0x2  }
0x126: {  	s0 =	rddreg [dreg:$0x0];
	s2 =	stileid.u32  }
0x127: {  	s1 =	rddreg [dreg:$0x1];
	p0 =	sne.s32 s2, $0x0  }
0x128: {  	s3 =	rddreg [dreg:$0x2];
	[bflag:$0x3] =	sbarrier.arrive $0xFFFF;
	s2 =	simm.s32 @!p0 $0x1C05  }
0x129: {  	[timem:s3], [sflag:s2] =	dma.local @!p0 [hbm:s0], s1  }
0x12a: {  	s0 =	simm.s32 @!p0 $0x5  }
0x12b: {  	_ =	swait.ge @!p0 [sflag:s0], s1  }
0x12c: {  	s1 =	ssub.s32 @!p0 $0x0, s1;
	[sflag:s0] =	ssyncset.done @!p0 $0x0  }
0x12d: {  	[sflag:s0] =	ssyncadd.s32 @!p0 s1  }
0x12e: {  	[bflag:$0x3] =	sbarrier.arrive $0xFFFF  }
0x12f: {  	_ =	shalt  }

// kernel: kernel.14.cloned.1.call-start
scs
__scs_entry_jumppad:
0x0: {  	(pc) =	sbr.rel $0x88, $3  }
0x1: {  	(tag) =	ssettag $0x0;
	lr =	simm.s32 $0x1  }
0x2: {  	[smem:$0x3F9B] =	sst lr;
	_ =	strace $0xD0000000  }
0x3: {  	_ = 	snop  }
0x4: {  	_ = 	snop  }
0x5: {  	_ = 	snop  }
0x6: {  	_ = 	snop  }
0x7: {  	_ = 	snop  }
__scs_overlays_trampoline_lowered:
0x8: {  	[smem:$0x3FAA] =	sst s0  }
0x9: {  	[smem:$0x3FAB] =	sst s1  }
0xa: {  	[smem:$0x3FAC] =	sst s2  }
0xb: {  	[smem:$0x3FAD] =	sst s3  }
0xc: {  	[smem:$0x3FAE] =	sst s4  }
0xd: {  	[smem:$0x3FAF] =	sst s5  }
0xe: {  	[smem:$0x3FB0] =	sst s6  }
0xf: {  	[smem:$0x3FB1] =	sst s7  }
0x10: {  	[smem:$0x3FB2] =	sst s8  }
0x11: {  	[smem:$0x3FB3] =	sst s9;
	s0 =	simm.s32 @!p0 $0x0  }
0x12: {  	s1 =	sld [smem:$0x3F99];
	s0 =	simm.s32 @p0 $0x1  }
0x13: {  	[smem:$0x3FB4] =	sst s0;
	s0 =	simm.s32 @!p1 $0x0  }
0x14: {  	s2 =	sld [smem:$0x3F98];
	s0 =	simm.s32 @p1 $0x1  }
0x15: {  	[smem:$0x3FB5] =	sst s0;
	s0 =	simm.s32 @!p2 $0x0  }
0x16: {  	s3 =	sld [smem:$0x3FDB];
	s0 =	simm.s32 @p2 $0x1  }
0x17: {  	s4 =	simm.s32 $0x1BF5;
	[smem:$0x3FB7] =	sst s0  }
0x18: {  	s0 =	sld [smem:$0x3F9A];
	_ =	swait.ge [sflag:s4], $0x0  }
0x19: {  	s7 =	sld [smem:$0x3F9B]  }
0x1a: {  	s8 =	sadd.s32 $0xFFFFE003, lr  }
0x1b: {  	s9 =	sadd.s32 $0xFFFFFEF7, lr;
	s5 =	simm.s32 $0xFFFFFFFF;
	p2 =	slt.u32 s8, $0xFFFFF086  }
0x1c: {  	p1 =	slt.u32 s9, $0xF7A;
	s5 =	simm.s32 @!p2 $0x0  }
0x1d: {  	s5 =	simm.s32 @p1 $0x1;
	p0 =	seq.s32 s7, s2  }
0x1e: {  	s7 =	smul.u32 @!p0 $0xF7A, s2;
	p2 =	seq.s32 @!p0 s5, $0x0  }
0x1f: {  	s9 =	smul.u32 $0xF7A, s1;
	s8 =	simm.s32 @!p0 $0x1BF5;
	p2 =	por !p2, p0  }
0x20: {  	[sflag:s8] =	ssyncset.s32 @!p0 $0xFFFFF086;
	s6 =	sadd.s32 @!p0 s3, s7;
	s7 =	simm.s32 @!p0 $0x108  }
0x21: {  	s3 =	sadd.s32 s3, s9;
	s6 =	sadd.s32 @!p0 $0x88, s6;
	s7 =	simm.s32 @p2 $0x1082  }
0x22: {  	[simem:s7], [sflag:s8] =	dma.local @!p0 [hbm:s6], $0xF7A  }
0x23: {  	s9 =	sor.u32 $0xD0000000, s2;
	s6 =	simm.s32 $0x108;
	_ =	swait.ge @!p0 [sflag:s8], $0x0  }
0x24: {  	s3 =	sadd.s32 $0x88, s3;
	s6 =	simm.s32 @!p1 $0x1082;
	[sflag:s4] =	ssyncset.s32 $0xFFFFF086  }
0x25: {  	[simem:s6], [sflag:s4] =	dma.local [hbm:s3], $0xF7A  }
0x26: {  	[smem:$0x3F9B] =	sst s1;
	(tag) =	ssettag s2;
	_ =	strace s9  }
0x27: {  	s1 =	sld [smem:$0x3FAB]  }
0x28: {  	s2 =	sld [smem:$0x3FAC]  }
0x29: {  	s4 =	sld [smem:$0x3FAE]  }
0x2a: {  	p0 =	seq.s32 s5, $0x0;
	s5 =	sld [smem:$0x3FAF]  }
0x2b: {  	s6 =	sld [smem:$0x3FB0]  }
0x2c: {  	s7 =	sld [smem:$0x3FB1]  }
0x2d: {  	s3 =	simm.s32 $0x108;
	s8 =	sld [smem:$0x3FB2]  }
0x2e: {  	s3 =	simm.s32 @!p0 $0x1082;
	s9 =	sld [smem:$0x3FB3]  }
0x2f: {  	lr =	sadd.s32 s0, s3;
	s0 =	sld [smem:$0x3FAA]  }
0x30: {  	s3 =	sld [smem:$0x3FAD]  }
0x31: {  	[smem:$0x3FB6] =	sst s10  }
0x32: {  	s10 =	sld [smem:$0x3FB4];
	_ =	sdelay $0x3  }
0x33: {  	p0 =	seq.s32 s10, $0x1;
	s10 =	sld [smem:$0x3FB6];
	_ =	sdelay $0x3  }
0x34: {  	[smem:$0x3FB6] =	sst s10  }
0x35: {  	s10 =	sld [smem:$0x3FB5];
	_ =	sdelay $0x3  }
0x36: {  	p1 =	seq.s32 s10, $0x1;
	s10 =	sld [smem:$0x3FB6];
	_ =	sdelay $0x3  }
0x37: {  	[smem:$0x3FB6] =	sst s10  }
0x38: {  	s10 =	sld [smem:$0x3FB7]  }
0x39: {  	_ = 	snop;
	(pc) =	sbr.ind lr, $3  }
0x3a: {  	_ = 	snop  }
0x3b: {  	_ = 	snop  }
0x3c: {  	p2 =	seq.s32 s10, $0x1;
	s10 =	sld [smem:$0x3FB6]  }
0x3d: {  	_ =	shalt  }
0x3e: {  	_ =	shalt  }
0x3f: {  	_ =	shalt  }
0x40: {  	_ =	shalt  }
0x41: {  	_ =	shalt  }
0x42: {  	_ =	shalt  }
0x43: {  	_ =	shalt  }
0x44: {  	_ =	shalt  }
0x45: {  	_ =	shalt  }
0x46: {  	_ =	shalt  }
0x47: {  	_ =	shalt  }
0x48: {  	_ =	shalt  }
0x49: {  	_ =	shalt  }
0x4a: {  	_ =	shalt  }
0x4b: {  	_ =	shalt  }
0x4c: {  	_ =	shalt  }
0x4d: {  	_ =	shalt  }
0x4e: {  	_ =	shalt  }
0x4f: {  	_ =	shalt  }
0x50: {  	_ =	shalt  }
0x51: {  	_ =	shalt  }
0x52: {  	_ =	shalt  }
0x53: {  	_ =	shalt  }
0x54: {  	_ =	shalt  }
0x55: {  	_ =	shalt  }
0x56: {  	_ =	shalt  }
0x57: {  	_ =	shalt  }
0x58: {  	_ =	shalt  }
0x59: {  	_ =	shalt  }
0x5a: {  	_ =	shalt  }
0x5b: {  	_ =	shalt  }
0x5c: {  	_ =	shalt  }
0x5d: {  	_ =	shalt  }
0x5e: {  	_ =	shalt  }
0x5f: {  	_ =	shalt  }
0x60: {  	_ =	shalt  }
0x61: {  	_ =	shalt  }
0x62: {  	_ =	shalt  }
0x63: {  	_ =	shalt  }
0x64: {  	_ =	shalt  }
0x65: {  	_ =	shalt  }
0x66: {  	_ =	shalt  }
0x67: {  	_ =	shalt  }
0x68: {  	_ =	shalt  }
0x69: {  	_ =	shalt  }
0x6a: {  	_ =	shalt  }
0x6b: {  	_ =	shalt  }
0x6c: {  	_ =	shalt  }
0x6d: {  	_ =	shalt  }
0x6e: {  	_ =	shalt  }
0x6f: {  	_ =	shalt  }
0x70: {  	_ =	shalt  }
0x71: {  	_ =	shalt  }
0x72: {  	_ =	shalt  }
0x73: {  	_ =	shalt  }
0x74: {  	_ =	shalt  }
0x75: {  	_ =	shalt  }
0x76: {  	_ =	shalt  }
0x77: {  	_ =	shalt  }
0x78: {  	_ =	shalt  }
0x79: {  	_ =	shalt  }
0x7a: {  	_ =	shalt  }
0x7b: {  	_ =	shalt  }
0x7c: {  	_ =	shalt  }
0x7d: {  	_ =	shalt  }
0x7e: {  	_ =	shalt  }
0x7f: {  	_ =	shalt  }
0x80: {  	_ =	shalt  }
0x81: {  	_ =	shalt  }
0x82: {  	_ =	shalt  }
0x83: {  	_ =	shalt  }
0x84: {  	_ =	shalt  }
0x85: {  	_ =	shalt  }
0x86: {  	_ =	shalt  }
0x87: {  	_ =	shalt  }
.Lfunc_end0:
.L_simem_size_0:
called_computation.2_lowered:
.L_overlay_start_0:
0x88: {  	s2 =	sld [smem:$0x3FD9]  }
0x89: {  	s3 =	sld [smem:$0x3FFE];
	_ =	sdelay $0x1  }
0x8a: {  	s1 =	srdreg.scid  }
0x8b: {  	s0 =	sand.u32 $0x1, s1  }
0x8c: {  	s16 =	sshll.u32 s0, $0xA;
	s2 =	sadd.s32 s3, s2  }
0x8d: {  	s2 =	sadd.s32 s2, s16  }
0x8e: {  	[smem:$0x3FC2] =	sst s2  }
0x8f: {  	_ = 	snop  }
0x90: {  	(tm) =	ssettm $0x1  }
0x91: {  	s17 =	sld [smem:$0x3FFB];
	_ =	sdelay $0x3  }
0x92: {  	_ =	strace s17  }
0x93: {  	s2 =	sld [smem:$0x3FFC];
	_ =	sdelay $0x3  }
0x94: {  	_ =	strace s2  }
0x95: {  	s2 =	sld [smem:$0x3FFD];
	_ =	sdelay $0x3  }
0x96: {  	_ =	strace s2  }
0x97: {  	_ =	strace $0x8FFFFFFF  }
0x98: {  	s18 =	sld [smem:$0x3FDB];
	_ =	sdelay $0x1  }
0x99: {  	s19 =	simm.s32 $_scs_section_size  }
0x9a: {  	s4 =	simm.s32 $_size__tile_overlayer_lowered;
	s5 =	simm.s32 $_tile_overlayer_lowered  }
0x9b: {  	s22 =	simm.s32 $0x1BFF;
	s21 =	sshll.u32 s5, $0x1;
	s2 =	sadd.s32 s19, s18  }
0x9c: {  	s6 =	simm.s32 $0x0;
	s20 =	sshll.u32 s4, $0x1;
	s4 =	sadd.s32 s21, s2  }
0x9d: {  	[timem:s6], [sflag:s22] =	dma.local [hbm:s4], s20  }
0x9e: {  	_ =	swait.ge [sflag:s22], s20  }
0x9f: {  	s3 =	ssub.s32 $0x0, s20;
	[sflag:s22] =	ssyncset.done $0x0  }
0xa0: {  	[sflag:s22] =	ssyncadd.s32 s3;
	_ =	sdelay $0x1  }
0xa1: {  	s23 =	simm.s32 $0x1B8B  }
0xa2: {  	_ =	swait.ge [sflag:s23], $0x1  }
0xa3: {  	[sflag:s23] =	ssyncset.done $0x0  }
0xa4: {  	s25 =	simm.s32 $0x1B8E;
	s24 =	sld [smem:$0x3FFE];
	[sflag:s23] =	ssyncadd.s32 $0xFFFFFFFF  }
0xa5: {  	s26 =	simm.s32 $execute0_lowered;
	[smem:$0x3FD2] =	sst s25  }
0xa6: {  	s4 =	sshll.u32 s26, $0x1;
	_ =	strace $0x8000004C;
	[dreg:$0x1] =	wrdreg $0xFFFFFFFF  }
0xa7: {  	s28 =	simm.s32 $_size_execute0_lowered;
	s2 =	sadd.s32 s2, s4;
	[dreg:$0x0] =	wrdreg $0x0  }
0xa8: {  	s4 =	sshll.u32 s28, $0x1;
	[dreg:$0x2] =	wrdreg s2  }
0xa9: {  	[dreg:$0x3] =	wrdreg s4  }
0xaa: {  	[dreg:$0x4] =	wrdreg $0xC0  }
0xab: {  	_ =	task [dreg:s6], $0x5FFFF  }
0xac: {  	[dreg:$0x1] =	wrdreg $0xFFFFFFFF  }
0xad: {  	[dreg:$0x0] =	wrdreg $0x60  }
0xae: {  	[dreg:$0x2] =	wrdreg s24  }
0xaf: {  	[dreg:$0x3] =	wrdreg $0xC0000  }
0xb0: {  	[dreg:$0x4] =	wrdreg $0x9  }
0xb1: {  	_ =	task.clear_ibuf [dreg:s6], $0x5FFFF;
	_ =	strace $0x9000004C  }
0xb2: {  	s29 =	simm.s32 $0x9;
	_ =	strace $0x8000004E  }
0xb3: {  	_ =	swait.ge [sflag:s29], $0x1  }
0xb4: {  	[sflag:s29] =	ssyncadd.s32 $0xFFFFFFFF  }
0xb5: {  	_ =	strace $0x9000004E  }
0xb6: {  	_ =	sfence  }
0xb7: {  	s30 =	sld [smem:$0x0];
	_ =	sdelay $0x2  }
0xb8: {  	s31 =	sshll.u32 s1, $0xD;
	s1 =	sshrl.u32 s1, $0x2  }
0xb9: {  	s3 =	sand.u32 $0x4000, s31;
	s1 =	sadd.s32 s1, s30  }
0xba: {  	s0 =	sor.u32 s3, s0;
	s1 =	sshll.u32 s1, $0x11  }
0xbb: {  	s0 =	sor.u32 s1, s0  }
0xbc: {  	s0 =	sadd.s32 $0x8F2B, s0  }
0xbd: {  	[sflag:s0] =	ssyncadd.remote.s32 $0x1  }
0xbe: {  	_ =	sfence.sel $0xFFFF  }
0xbf: {  	[dreg:$0x0] =	wrdreg $0xFFFFFFFF;
	(pc) =	sbr.abs _section_cstart, $3  }
0xc0: {  	[dreg:$0x1] =	wrdreg $0xFFFFFFFF  }
0xc1: {  	_ =	task.clear_ibuf [dreg:s6], $0x2FFFF;
	_ =	strace $0x9FFFFFFF  }
0xc2: {  	(tm) =	ssettm $0x7FFFFFFF  }
0xc3: {  	_ =	shalt  }
tec
execute0_lowered:
.L_overlay_start_1:
0x0: {  	(tag) =	ssettag $0x1  }
0x1: {  	s0 =	srdreg.scid  }
0x2: {  	s18 =	stileid.u32;
	s5 =	rddreg [dreg:$0x0]  }
0x3: {  	s1 =	rddreg [dreg:$0x1];
	s2 =	simm.s32 $0x0;
	s9 =	simm.s32 $0x5A  }
0x4: {  	s15 =	simm.s32 $0x5000;
	s16 =	simm.s32 $0x5;
	s17 =	simm.s32 $0x2780  }
0x5: {  	s19 =	simm.s32 $0x4;
	s4 =	sand.u32 $0x1, s0;
	s30 =	sshll.u32 s18, $0x1  }
0x6: {  	[smem:$0x7FF] =	sst s2;
	s7 =	smul.u32 $0x4F000, s18;
	p0 =	slt.u32 s18, $0x5  }
0x7: {  	s0 =	sor.u32 s4, s30;
	_ =	strace $0x8000004D;
	s8 =	smul.u32 $0x27800, s4  }
0x8: {  	s4 =	ssub.s32 $0x2, s4;
	s9 =	simm.s32 @!p0 $0x59;
	p0 =	sne.s32 s18, $0x0  }
0x9: {  	s18 =	simm.s32 $0x3;
	s3 =	smul.u32 $0x59, s0;
	s6 =	smin.u32 s0, $0xA  }
0xa: {  	s31 =	sshrl.u32 s4, $0x1;
	s7 =	sshrl.u32 s7, $0x2;
	s0 =	simm.s32 @!p0 $0x0  }
0xb: {  	s13 =	sadd.s32 s8, s5;
	s14 =	ssub.s32 s4, s31;
	s4 =	sadd.s32 s7, s1  }
0xc: {  	s0 =	simm.s32 @p0 $0x1;
	s3 =	sadd.s32 s6, s3;
	s7 =	sadd.s32 $0xA800, s4  }
0xd: {  	s8 =	sadd.s32 $0xE000, s4;
	s10 =	sadd.s32 $0x11800, s4;
	s6 =	smul.u32 $0xE, s3  }
0xe: {  	s13 =	sadd.s32 $0x3E800, s13;
	s14 =	smax.u32 s14, $0x1;
	[smem:$0x7FD] =	sst s0  }
0xf: {  	s3 =	sadd.s32 $0x17600, s5;
	s12 =	sadd.s32 s6, s5;
	s5 =	sadd.s32 $0x3800, s4  }
0x10: {  	v0 =	vimm.f32 $0.0e+00;
	s6 =	sadd.s32 $0x7000, s4;
	s11 =	sadd.s32 $0xD800, s12;
	s12 =	sadd.s32 $0x2E00, s12  }
.LBB2_1:
0x11: {  	s20 =	simm.s32 $0x0;
	s21 =	simm.s32 $0x200  }
.LBB2_2:
0x12: {  	p0 =	sne.s32 s21, $0xDE00;
	[tilespmem:s20+$0x5070] =	vst v0  }
0x13: {  	[tilespmem:s20+$0x5000] =	vst v0  }
0x14: {  	[tilespmem:s20+$0x5010] =	vst v0  }
.Ltmp0:
0x15: {  	[tilespmem:s20+$0x5020] =	vst v0;
	(pc) =	sbr.rel @p0 .LBB2_2-.Ltmp0, $4  }
0x16: {  	[tilespmem:s20+$0x5030] =	vst v0  }
0x17: {  	[tilespmem:s20+$0x5040] =	vst v0  }
0x18: {  	[tilespmem:s20+$0x5050] =	vst v0  }
0x19: {  	[tilespmem:s20+$0x5060] =	vst v0;
	s20 =	sshra.s32 s21, $0x2;
	s21 =	sadd.s32 $0x200, s21  }
0x1a: {  	[tilespmem:s20+$0x5070] =	vst v0  }
0x1b: {  	[tilespmem:s20+$0x5000] =	vst v0  }
0x1c: {  	[tilespmem:s20+$0x5010] =	vst v0  }
0x1d: {  	[tilespmem:s20+$0x5020] =	vst v0  }
0x1e: {  	[tilespmem:s20+$0x5030] =	vst v0  }
0x1f: {  	[tilespmem:s20+$0x5040] =	vst v0  }
0x20: {  	[tilespmem:s20+$0x5050] =	vst v0  }
0x21: {  	[tilespmem:s20+$0x5060] =	vst v0  }
0x22: {  	[spmem:s4] =	stream.linear.scatter [tilespmem:s15], [sflag:$0x5], $0x3800, $0x38;
	[tilespmem:$0x1FC00] =	vst v63  }
0x23: {  	_ =	swait.ge [sflag:s16], $0x3800  }
0x24: {  	[sflag:s16] =	ssyncset.done $0x0  }
0x25: {  	[sflag:s16] =	ssyncadd.s32 $0xFFFFC800  }
0x26: {  	[spmem:s5] =	stream.linear.scatter [tilespmem:s15], [sflag:$0x5], $0x3800, $0x38;
	[tilespmem:$0x1FC00] =	vst v63  }
0x27: {  	_ =	swait.ge [sflag:s16], $0x3800  }
0x28: {  	[sflag:s16] =	ssyncset.done $0x0  }
0x29: {  	[sflag:s16] =	ssyncadd.s32 $0xFFFFC800  }
0x2a: {  	[spmem:s6] =	stream.linear.scatter [tilespmem:s15], [sflag:$0x5], $0x3800, $0x38;
	[tilespmem:$0x1FC00] =	vst v63  }
0x2b: {  	_ =	swait.ge [sflag:s16], $0x3800  }
0x2c: {  	[sflag:s16] =	ssyncset.done $0x0  }
0x2d: {  	[sflag:s16] =	ssyncadd.s32 $0xFFFFC800  }
0x2e: {  	[spmem:s7] =	stream.linear.scatter [tilespmem:s15], [sflag:$0x5], $0x3800, $0x38;
	[tilespmem:$0x1FC00] =	vst v63  }
0x2f: {  	_ =	swait.ge [sflag:s16], $0x3800  }
0x30: {  	[sflag:s16] =	ssyncset.done $0x0  }
0x31: {  	[sflag:s16] =	ssyncadd.s32 $0xFFFFC800  }
0x32: {  	[spmem:s8] =	stream.linear.scatter [tilespmem:s15], [sflag:$0x5], $0x3800, $0x38;
	[tilespmem:$0x1FC00] =	vst v63  }
0x33: {  	_ =	swait.ge [sflag:s16], $0x3800  }
0x34: {  	[sflag:s16] =	ssyncset.done $0x0  }
0x35: {  	[sflag:s16] =	ssyncadd.s32 $0xFFFFC800  }
0x36: {  	[spmem:s10] =	stream.linear.scatter [tilespmem:s15], [sflag:$0x5], $0x2400, $0x38;
	[tilespmem:$0x1FC00] =	vst v63  }
0x37: {  	_ =	swait.ge [sflag:s16], $0x2400  }
0x38: {  	[sflag:s16] =	ssyncset.done $0x0  }
0x39: {  	s22 =	simm.s32 $0x0;
	[sflag:s16] =	ssyncadd.s32 $0xFFFFDC00  }
0x3a: {  	[tilespmem:s22], [sflag:$0x5] =	stream.linear.gather [hbm4b:s11+s22], $0x2760, $0x38;
	[tilespmem:$0x1FC00] =	vst v63  }
0x3b: {  	p1 =	sle.u32 s9, $0x0;
	s20 =	sand.u32 $0x1, s22;
	_ =	swait.ge [sflag:s16], $0x2760  }
0x3c: {  	p2 =	sne.s32 @!p1 s20, $0x0;
	[sflag:s16] =	ssyncset.done $0x0  }
0x3d: {  	p0 =	por p2, p1;
	[sflag:s16] =	ssyncadd.s32 $0xFFFFD8A0  }
0x3e: {  	[tilespmem:s17], [sflag:$0x5] =	stream.linear.gather [hbm4b:s12+s22], $0x2760, $0x38;
	[tilespmem:$0x1FC00] =	vst v63  }
0x3f: {  	p3 =	por @!p0 $0x1, $0x1;
	_ =	swait.ge [sflag:s16], $0x2760  }
0x40: {  	p2 =	por @!p1 p3, p2;
	[sflag:s16] =	ssyncset.done $0x0  }
0x41: {  	p2 =	por p2, p1;
	[sflag:s16] =	ssyncadd.s32 $0xFFFFD8A0  }
0x42: {  	s21 =	simm.s32 @!p2 $0x3;
	[bflag:$0x0] =	sbarrier.arrive $0xFFFF  }
0x43: {  	_ =	swait.ge @!p2 [sflag:s21], $0x3800  }
0x44: {  	[sflag:s21] =	ssyncset.done @!p2 $0x0  }
0x45: {  	s25 =	simm.s32 $0x27B0;
	[sflag:s21] =	ssyncadd.s32 @!p2 $0xFFFFC800  }
0x46: {  	v1 =	vld @!p0 [tilespmem:s25+$0xFFFFFFD0];
	_ =	sdelay $0x4  }
0x47: {  	[tilespmem:$0x4F00] =	vst @!p0 v1  }
0x48: {  	v1 =	vld @!p0 [tilespmem:s25+$0xFFFFFFE0];
	_ =	sdelay $0x4  }
0x49: {  	[tilespmem:$0x4F10] =	vst @!p0 v1  }
0x4a: {  	v1 =	vld @!p0 [tilespmem:s25+$0xFFFFFFF0];
	_ =	sdelay $0x4  }
0x4b: {  	[tilespmem:$0x4F20] =	vst @!p0 v1  }
0x4c: {  	v1 =	vld @!p0 [tilespmem:s25+$0x0];
	_ =	sdelay $0x4  }
0x4d: {  	[tilespmem:$0x4F30] =	vst @!p0 v1  }
0x4e: {  	v1 =	vld @!p0 [tilespmem:s25+$0x10];
	_ =	sdelay $0x4  }
0x4f: {  	[tilespmem:$0x4F40] =	vst @!p0 v1  }
0x50: {  	v1 =	vld @!p0 [tilespmem:s25+$0x20];
	_ =	sdelay $0x4  }
0x51: {  	[tilespmem:$0x4F50] =	vst @!p0 v1  }
0x52: {  	p2 =	seq.s32 s20, $0x1;
	v1 =	vld @!p0 [tilespmem:s25+$0x30]  }
0x53: {  	p3 =	por !p2, p1  }
0x54: {  	p4 =	por @!p3 $0x1, $0x1  }
0x55: {  	p4 =	por @!p1 p4, !p2  }
0x56: {  	p1 =	por p4, p1  }
0x57: {  	s23 =	simm.s32 @!p0 $0x5000;
	s21 =	simm.s32 @!p0 $0x70;
	s24 =	simm.s32 @!p1 $0x4;
	[tilespmem:$0x4F60] =	vst @!p0 v1  }
0x58: {  	[tilespmem:s23], [sflag:$0x1] =	stream.indirect.gather @!p0 [hbm4b:s3+s21], $0x80, s22, s21, $0xb8;
	[tilespmem:$0x1FC00] =	vst v63  }
0x59: {  	_ =	swait.ge @!p1 [sflag:s24], $0x3800  }
0x5a: {  	[sflag:s24] =	ssyncset.done @!p1 $0x0  }
0x5b: {  	[sflag:s24] =	ssyncadd.s32 @!p1 $0xFFFFC800  }
0x5c: {  	v1 =	vld @!p3 [tilespmem:s25+$0xFFFFFFD0];
	_ =	sdelay $0x4  }
0x5d: {  	[tilespmem:$0x4F80] =	vst @!p3 v1  }
0x5e: {  	v1 =	vld @!p3 [tilespmem:s25+$0xFFFFFFE0];
	_ =	sdelay $0x4  }
0x5f: {  	[tilespmem:$0x4F90] =	vst @!p3 v1  }
0x60: {  	v1 =	vld @!p3 [tilespmem:s25+$0xFFFFFFF0];
	_ =	sdelay $0x4  }
0x61: {  	[tilespmem:$0x4FA0] =	vst @!p3 v1  }
0x62: {  	v1 =	vld @!p3 [tilespmem:s25+$0x0];
	_ =	sdelay $0x4  }
0x63: {  	[tilespmem:$0x4FB0] =	vst @!p3 v1  }
0x64: {  	v1 =	vld @!p3 [tilespmem:s25+$0x10];
	_ =	sdelay $0x4  }
0x65: {  	[tilespmem:$0x4FC0] =	vst @!p3 v1  }
0x66: {  	v1 =	vld @!p3 [tilespmem:s25+$0x20];
	_ =	sdelay $0x2  }
0x67: {  	p0 =	sle.u32 s9, $0xFFFFFFFF  }
0x68: {  	p1 =	sne.s32 @!p0 s20, $0x0  }
0x69: {  	s23 =	simm.s32 $0x1;
	p6 =	por p1, p1;
	p1 =	sle.u32 s9, $0x0;
	[tilespmem:$0x4FD0] =	vst @!p3 v1  }
0x6a: {  	p5 =	sle.u32 s9, $0x1;
	s0 =	simm.s32 @!p1 $0x0;
	v1 =	vld @!p3 [tilespmem:s25+$0x30];
	s25 =	sand.u32 $0x1, s23  }
0x6b: {  	s28 =	simm.s32 @!p3 $0x70;
	s0 =	simm.s32 @p1 $0x1;
	p1 =	sne.s32 @!p1 s25, $0x0  }
0x6c: {  	p2 =	por !p2, !p2;
	[smem:$0x7F8] =	sst s0;
	s0 =	simm.s32 @!p1 $0x0  }
0x6d: {  	p2 =	por p2, p2;
	p4 =	por p0, p0;
	s0 =	simm.s32 @p1 $0x1  }
0x6e: {  	p2 =	por p4, p2;
	[smem:$0x7F9] =	sst s0;
	s0 =	simm.s32 @!p5 $0x0  }
0x6f: {  	p6 =	por p6, p4;
	p4 =	seq.s32 s25, $0x1;
	s0 =	simm.s32 @p5 $0x1  }
0x70: {  	s29 =	simm.s32 @!p3 $0x8800;
	[smem:$0x7FA] =	sst s0;
	s0 =	simm.s32 @!p4 $0x0  }
0x71: {  	s21 =	simm.s32 $0x2820;
	p1 =	por !p4, !p4;
	s0 =	simm.s32 @p4 $0x1  }
0x72: {  	s24 =	simm.s32 $0x2;
	[smem:$0x7FB] =	sst s0;
	s0 =	simm.s32 @!p1 $0x0  }
0x73: {  	s26 =	simm.s32 @!p2 $0x1;
	p0 =	sne.s32 @!p5 s25, $0x0;
	s0 =	simm.s32 @p1 $0x1  }
0x74: {  	s20 =	simm.s32 $0x70;
	[tilespmem:$0x4FE0] =	vst @!p3 v1;
	p5 =	por p0, p5;
	[smem:$0x7FC] =	sst s0  }
.LBB2_4:
0x75: {  	[smem:$0x7F4] =	sst s1  }
0x76: {  	s1 =	sld [smem:$0x7F8];
	_ =	sdelay $0x2  }
0x77: {  	p1 =	seq.s32 s1, $0x1;
	s1 =	sld [smem:$0x7F4];
	_ =	sdelay $0x1  }
0x78: {  	p4 =	por p1, p1  }
0x79: {  	[smem:$0x7F4] =	sst s1;
	s1 =	simm.s32 @!p4 $0x0  }
0x7a: {  	s1 =	simm.s32 @p4 $0x1  }
0x7b: {  	[smem:$0x7F5] =	sst s1  }
0x7c: {  	s1 =	sld [smem:$0x7F4];
	_ =	sdelay $0x2  }
0x7d: {  	[smem:$0x7F4] =	sst s1  }
0x7e: {  	s1 =	sld [smem:$0x7F9];
	_ =	sdelay $0x2  }
0x7f: {  	p1 =	seq.s32 s1, $0x1;
	s1 =	sld [smem:$0x7F4];
	_ =	sdelay $0x1  }
0x80: {  	p4 =	por p1, p1  }
0x81: {  	[smem:$0x7F4] =	sst s1;
	s1 =	simm.s32 @!p4 $0x0  }
0x82: {  	s1 =	simm.s32 @p4 $0x1  }
0x83: {  	[smem:$0x7F6] =	sst s1  }
0x84: {  	s1 =	sld [smem:$0x7F4];
	_ =	sdelay $0x2  }
0x85: {  	[smem:$0x7F4] =	sst s1  }
0x86: {  	s1 =	sld [smem:$0x7FC];
	_ =	sdelay $0x1  }
0x87: {  	s30 =	simm.s32 @!p2 $0x4F00  }
0x88: {  	s31 =	simm.s32 @!p2 $0x5000;
	p1 =	seq.s32 s1, $0x1;
	s1 =	sld [smem:$0x7F4]  }
0x89: {  	[tilespmem:s29], [sflag:$0x2] =	stream.indirect.gather @!p3 [hbm4b:s3+s28], $0x80, s22, s28, $0xb8;
	[tilespmem:$0x1FC00] =	vst v63  }
0x8a: {  	s0 =	simm.s32 @!p6 $0x8800;
	s25 =	smov.u32 s24;
	_ =	swait.ge @!p2 [sflag:s26], $0x3800  }
0x8b: {  	s24 =	sadd.s32 $0x1, s24;
	p3 =	slt.u32 @!p5 s23, $0x2;
	[sflag:s26] =	ssyncset.done @!p2 $0x0  }
0x8c: {  	s22 =	simm.s32 @!p2 $0x70;
	s28 =	sld [smem:$0x7FA];
	[sflag:s26] =	ssyncadd.s32 @!p2 $0xFFFFC800  }
0x8d: {  	[spmem:s1] =	stream.indirect.scatter.add.f32 @!p2 [tilespmem:s31], [sflag:$0x3], $0x80, s30, s22, $0xb8;
	[tilespmem:$0x1FC00] =	vst v63  }
0x8e: {  	s29 =	simm.s32 @!p6 $0x70;
	p4 =	por p1, p1;
	p2 =	sne.s32 s24, $0x5B  }
0x8f: {  	p1 =	seq.s32 s28, $0x1;
	s28 =	simm.s32 @!p6 $0x2;
	s22 =	simm.s32 @!p2 $0x0  }
0x90: {  	p0 =	por @!p1 p3, p0;
	_ =	swait.ge @!p6 [sflag:s28], $0x3800;
	s22 =	simm.s32 @p2 $0x1  }
0x91: {  	p0 =	por p0, p1;
	[smem:$0x7F7] =	sst s22;
	[sflag:s28] =	ssyncset.done @!p6 $0x0  }
0x92: {  	s26 =	simm.s32 @!p0 $0x3;
	[sflag:s28] =	ssyncadd.s32 @!p6 $0xFFFFC800;
	s28 =	simm.s32 @!p6 $0x4F80  }
0x93: {  	[spmem:s1] =	stream.indirect.scatter.add.f32 @!p6 [tilespmem:s0], [sflag:$0x4], $0x80, s28, s29, $0xb8;
	[tilespmem:$0x1FC00] =	vst v63  }
0x94: {  	_ =	swait.ge @!p0 [sflag:s26], $0x3800  }
0x95: {  	[sflag:s26] =	ssyncset.done @!p0 $0x0  }
0x96: {  	[sflag:s26] =	ssyncadd.s32 @!p0 $0xFFFFC800  }
0x97: {  	v1 =	vld @!p5 [tilespmem:s21+$0xFFFFFFD0];
	_ =	sdelay $0x4  }
0x98: {  	[tilespmem:$0x4F00] =	vst @!p5 v1  }
0x99: {  	v1 =	vld @!p5 [tilespmem:s21+$0xFFFFFFE0];
	_ =	sdelay $0x4  }
0x9a: {  	[tilespmem:$0x4F10] =	vst @!p5 v1  }
0x9b: {  	v1 =	vld @!p5 [tilespmem:s21+$0xFFFFFFF0];
	_ =	sdelay $0x4  }
0x9c: {  	[tilespmem:$0x4F20] =	vst @!p5 v1  }
0x9d: {  	v1 =	vld @!p5 [tilespmem:s21+$0x0];
	_ =	sdelay $0x4  }
0x9e: {  	[tilespmem:$0x4F30] =	vst @!p5 v1  }
0x9f: {  	v1 =	vld @!p5 [tilespmem:s21+$0x10];
	_ =	sdelay $0x4  }
0xa0: {  	[tilespmem:$0x4F40] =	vst @!p5 v1  }
0xa1: {  	v1 =	vld @!p5 [tilespmem:s21+$0x20];
	_ =	sdelay $0x2  }
0xa2: {  	s30 =	sld [smem:$0x7FB];
	_ =	sdelay $0x1  }
0xa3: {  	[tilespmem:$0x4F50] =	vst @!p5 v1  }
0xa4: {  	p2 =	seq.s32 s30, $0x1;
	v1 =	vld @!p5 [tilespmem:s21+$0x30]  }
0xa5: {  	p3 =	por !p2, p1  }
0xa6: {  	p0 =	slt.u32 @!p3 s23, $0x2  }
0xa7: {  	p0 =	por @!p1 p0, !p2  }
0xa8: {  	s0 =	simm.s32 @!p5 $0x70;
	p0 =	por p0, p1  }
0xa9: {  	s23 =	smov.u32 s25;
	s25 =	simm.s32 @!p5 $0x5000;
	s26 =	simm.s32 @!p0 $0x4;
	[tilespmem:$0x4F60] =	vst @!p5 v1  }
0xaa: {  	[tilespmem:s25], [sflag:$0x1] =	stream.indirect.gather @!p5 [hbm4b:s3+s0], $0x80, s20, s0, $0xb8;
	[tilespmem:$0x1FC00] =	vst v63  }
0xab: {  	_ =	swait.ge @!p0 [sflag:s26], $0x3800  }
0xac: {  	[sflag:s26] =	ssyncset.done @!p0 $0x0  }
0xad: {  	[sflag:s26] =	ssyncadd.s32 @!p0 $0xFFFFC800  }
0xae: {  	v1 =	vld @!p3 [tilespmem:s21+$0xFFFFFFD0];
	_ =	sdelay $0x4  }
0xaf: {  	[tilespmem:$0x4F80] =	vst @!p3 v1  }
0xb0: {  	v1 =	vld @!p3 [tilespmem:s21+$0xFFFFFFE0];
	_ =	sdelay $0x4  }
0xb1: {  	[tilespmem:$0x4F90] =	vst @!p3 v1  }
0xb2: {  	v1 =	vld @!p3 [tilespmem:s21+$0xFFFFFFF0];
	_ =	sdelay $0x4  }
0xb3: {  	[tilespmem:$0x4FA0] =	vst @!p3 v1  }
0xb4: {  	v1 =	vld @!p3 [tilespmem:s21+$0x0];
	_ =	sdelay $0x4  }
0xb5: {  	[tilespmem:$0x4FB0] =	vst @!p3 v1  }
0xb6: {  	v1 =	vld @!p3 [tilespmem:s21+$0x10];
	_ =	sdelay $0x1  }
0xb7: {  	s31 =	sadd.s32 $0xFFFFFFFF, s23  }
0xb8: {  	p1 =	sge.u32 s31, s9  }
0xb9: {  	s0 =	simm.s32 @!p1 $0x0  }
0xba: {  	s25 =	sand.u32 $0x1, s23;
	s0 =	simm.s32 @p1 $0x1;
	[tilespmem:$0x4FC0] =	vst @!p3 v1  }
0xbb: {  	p1 =	sne.s32 @!p1 s25, $0x0;
	[smem:$0x7F8] =	sst s0;
	v1 =	vld @!p3 [tilespmem:s21+$0x20]  }
0xbc: {  	s0 =	simm.s32 @!p1 $0x0;
	s31 =	sld [smem:$0x7F7]  }
0xbd: {  	p5 =	sge.u32 s23, s9;
	s0 =	simm.s32 @p1 $0x1;
	s26 =	sld [smem:$0x7F5]  }
0xbe: {  	p2 =	seq.s32 s25, $0x1;
	[smem:$0x7F9] =	sst s0;
	s0 =	simm.s32 @!p5 $0x0  }
0xbf: {  	s22 =	smov.u32 s20;
	p1 =	por !p2, !p2;
	s0 =	simm.s32 @p5 $0x1  }
0xc0: {  	[smem:$0x7FA] =	sst s0;
	s0 =	simm.s32 @!p2 $0x0;
	p6 =	seq.s32 s26, $0x1;
	[tilespmem:$0x4FD0] =	vst @!p3 v1  }
0xc1: {  	s0 =	simm.s32 @p2 $0x1;
	p2 =	por p6, p4;
	p4 =	seq.s32 s31, $0x1;
	v1 =	vld @!p3 [tilespmem:s21+$0x30]  }
.Ltmp1:
0xc2: {  	s28 =	simm.s32 @!p3 $0x70;
	s30 =	sld [smem:$0x7F6];
	(pc) =	sbr.rel @p4 .LBB2_4-.Ltmp1, $4  }
0xc3: {  	s29 =	simm.s32 @!p3 $0x8800;
	s20 =	sadd.s32 $0x70, s20;
	p0 =	sne.s32 @!p5 s25, $0x0  }
0xc4: {  	p5 =	por p0, p5;
	[smem:$0x7FB] =	sst s0;
	s0 =	simm.s32 @!p1 $0x0  }
0xc5: {  	s26 =	simm.s32 @!p2 $0x1;
	s0 =	simm.s32 @p1 $0x1;
	p1 =	seq.s32 s30, $0x1  }
0xc6: {  	[smem:$0x7FC] =	sst s0;
	p6 =	por p1, p6;
	s21 =	sadd.s32 $0x70, s21;
	[tilespmem:$0x4FE0] =	vst @!p3 v1  }
0xc7: {  	[tilespmem:s29], [sflag:$0x2] =	stream.indirect.gather @!p3 [hbm4b:s3+s28], $0x80, s22, s28, $0xb8;
	[tilespmem:$0x1FC00] =	vst v63  }
0xc8: {  	_ =	swait.ge @!p2 [sflag:s26], $0x3800  }
0xc9: {  	s0 =	simm.s32 @!p2 $0x4F00;
	[sflag:s26] =	ssyncset.done @!p2 $0x0  }
0xca: {  	s22 =	simm.s32 @!p2 $0x5000;
	s24 =	simm.s32 @!p2 $0x70;
	[sflag:s26] =	ssyncadd.s32 @!p2 $0xFFFFC800  }
0xcb: {  	[spmem:s1] =	stream.indirect.scatter.add.f32 @!p2 [tilespmem:s22], [sflag:$0x3], $0x80, s0, s24, $0xb8;
	[tilespmem:$0x1FC00] =	vst v63  }
0xcc: {  	s0 =	simm.s32 @!p6 $0x2  }
0xcd: {  	_ =	swait.ge @!p6 [sflag:s0], $0x3800  }
0xce: {  	s22 =	simm.s32 @!p6 $0x8800;
	s25 =	sld [smem:$0x7FA];
	[sflag:s0] =	ssyncset.done @!p6 $0x0  }
0xcf: {  	s24 =	simm.s32 @!p6 $0x70;
	[sflag:s0] =	ssyncadd.s32 @!p6 $0xFFFFC800;
	s0 =	simm.s32 @!p6 $0x4F80  }
0xd0: {  	[spmem:s1] =	stream.indirect.scatter.add.f32 @!p6 [tilespmem:s22], [sflag:$0x4], $0x80, s0, s24, $0xb8;
	[tilespmem:$0x1FC00] =	vst v63  }
0xd1: {  	p2 =	slt.u32 @!p5 s23, $0x2;
	p1 =	seq.s32 s25, $0x1  }
0xd2: {  	p0 =	por @!p1 p2, p0  }
0xd3: {  	p0 =	por p0, p1  }
0xd4: {  	s0 =	simm.s32 @!p0 $0x3  }
0xd5: {  	_ =	swait.ge @!p0 [sflag:s0], $0x3800  }
0xd6: {  	[sflag:s0] =	ssyncset.done @!p0 $0x0  }
0xd7: {  	[sflag:s0] =	ssyncadd.s32 @!p0 $0xFFFFC800  }
0xd8: {  	v1 =	vld @!p5 [tilespmem:s21+$0xFFFFFFD0];
	_ =	sdelay $0x4  }
0xd9: {  	[tilespmem:$0x4F00] =	vst @!p5 v1  }
0xda: {  	v1 =	vld @!p5 [tilespmem:s21+$0xFFFFFFE0];
	_ =	sdelay $0x4  }
0xdb: {  	[tilespmem:$0x4F10] =	vst @!p5 v1  }
0xdc: {  	v1 =	vld @!p5 [tilespmem:s21+$0xFFFFFFF0];
	_ =	sdelay $0x4  }
0xdd: {  	[tilespmem:$0x4F20] =	vst @!p5 v1  }
0xde: {  	v1 =	vld @!p5 [tilespmem:s21+$0x0];
	_ =	sdelay $0x4  }
0xdf: {  	[tilespmem:$0x4F30] =	vst @!p5 v1  }
0xe0: {  	v1 =	vld @!p5 [tilespmem:s21+$0x10];
	_ =	sdelay $0x4  }
0xe1: {  	[tilespmem:$0x4F40] =	vst @!p5 v1  }
0xe2: {  	v1 =	vld @!p5 [tilespmem:s21+$0x20];
	_ =	sdelay $0x3  }
0xe3: {  	s26 =	sld [smem:$0x7FB]  }
0xe4: {  	[tilespmem:$0x4F50] =	vst @!p5 v1  }
0xe5: {  	v1 =	vld @!p5 [tilespmem:s21+$0x30]  }
0xe6: {  	p3 =	seq.s32 s26, $0x1  }
0xe7: {  	p0 =	por !p3, p1  }
0xe8: {  	p2 =	slt.u32 @!p0 s23, $0x2  }
0xe9: {  	p2 =	por @!p1 p2, !p3  }
0xea: {  	s22 =	simm.s32 @!p5 $0x5000;
	s0 =	simm.s32 @!p5 $0x70;
	p1 =	por p2, p1;
	[tilespmem:$0x4F60] =	vst @!p5 v1  }
0xeb: {  	[tilespmem:s22], [sflag:$0x1] =	stream.indirect.gather @!p5 [hbm4b:s3+s0], $0x80, s20, s0, $0xb8;
	[tilespmem:$0x1FC00] =	vst v63  }
0xec: {  	s0 =	simm.s32 @!p1 $0x4  }
0xed: {  	_ =	swait.ge @!p1 [sflag:s0], $0x3800  }
0xee: {  	[sflag:s0] =	ssyncset.done @!p1 $0x0  }
0xef: {  	[sflag:s0] =	ssyncadd.s32 @!p1 $0xFFFFC800  }
0xf0: {  	v1 =	vld @!p0 [tilespmem:s21+$0xFFFFFFD0];
	_ =	sdelay $0x4  }
0xf1: {  	[tilespmem:$0x4F80] =	vst @!p0 v1  }
0xf2: {  	v1 =	vld @!p0 [tilespmem:s21+$0xFFFFFFE0];
	_ =	sdelay $0x4  }
0xf3: {  	[tilespmem:$0x4F90] =	vst @!p0 v1  }
0xf4: {  	v1 =	vld @!p0 [tilespmem:s21+$0xFFFFFFF0];
	_ =	sdelay $0x4  }
0xf5: {  	[tilespmem:$0x4FA0] =	vst @!p0 v1  }
0xf6: {  	v1 =	vld @!p0 [tilespmem:s21+$0x0];
	_ =	sdelay $0x4  }
0xf7: {  	[tilespmem:$0x4FB0] =	vst @!p0 v1  }
0xf8: {  	v1 =	vld @!p0 [tilespmem:s21+$0x10];
	_ =	sdelay $0x4  }
0xf9: {  	[tilespmem:$0x4FC0] =	vst @!p0 v1  }
0xfa: {  	v1 =	vld @!p0 [tilespmem:s21+$0x20];
	_ =	sdelay $0x4  }
0xfb: {  	[tilespmem:$0x4FD0] =	vst @!p0 v1  }
0xfc: {  	v1 =	vld @!p0 [tilespmem:s21+$0x30]  }
0xfd: {  	s28 =	sld [smem:$0x7F8]  }
0xfe: {  	s29 =	sld [smem:$0x7FC];
	_ =	sdelay $0x1  }
0xff: {  	s30 =	sld [smem:$0x7F9];
	s0 =	simm.s32 @!p0 $0x70  }
0x100: {  	p4 =	seq.s32 s28, $0x1;
	p5 =	seq.s32 s29, $0x1;
	s21 =	simm.s32 @!p0 $0x8800;
	[tilespmem:$0x4FE0] =	vst @!p0 v1  }
0x101: {  	[tilespmem:s21], [sflag:$0x2] =	stream.indirect.gather @!p0 [hbm4b:s3+s0], $0x80, s20, s0, $0xb8;
	[tilespmem:$0x1FC00] =	vst v63  }
0x102: {  	p1 =	por p5, p5;
	p0 =	por p4, p4  }
0x103: {  	p6 =	seq.s32 s30, $0x1;
	p1 =	por p0, p1  }
0x104: {  	p2 =	por p6, p6;
	s0 =	simm.s32 @!p1 $0x1  }
0x105: {  	p0 =	por p2, p0;
	_ =	swait.ge @!p1 [sflag:s0], $0x3800  }
0x106: {  	s20 =	simm.s32 @!p1 $0x4F00;
	s21 =	simm.s32 @!p1 $0x5000;
	[sflag:s0] =	ssyncset.done @!p1 $0x0  }
0x107: {  	s22 =	simm.s32 @!p1 $0x70;
	[sflag:s0] =	ssyncadd.s32 @!p1 $0xFFFFC800;
	s0 =	simm.s32 @!p0 $0x2  }
0x108: {  	[spmem:s1] =	stream.indirect.scatter.add.f32 @!p1 [tilespmem:s21], [sflag:$0x3], $0x80, s20, s22, $0xb8;
	[tilespmem:$0x1FC00] =	vst v63  }
0x109: {  	_ =	swait.ge @!p0 [sflag:s0], $0x3800  }
0x10a: {  	s20 =	simm.s32 @!p0 $0x8800;
	[sflag:s0] =	ssyncset.done @!p0 $0x0  }
0x10b: {  	s21 =	simm.s32 @!p0 $0x70;
	[sflag:s0] =	ssyncadd.s32 @!p0 $0xFFFFC800;
	s0 =	simm.s32 @!p0 $0x4F80  }
0x10c: {  	[spmem:s1] =	stream.indirect.scatter.add.f32 @!p0 [tilespmem:s20], [sflag:$0x4], $0x80, s0, s21, $0xb8;
	[tilespmem:$0x1FC00] =	vst v63  }
0x10d: {  	_ =	swait.ge [sflag:s18], $0x3800  }
0x10e: {  	[sflag:s18] =	ssyncset.done $0x0  }
0x10f: {  	[sflag:s18] =	ssyncadd.s32 $0xFFFFC800  }
0x110: {  	_ =	swait.ge [sflag:s19], $0x3800  }
0x111: {  	[sflag:s19] =	ssyncset.done $0x0  }
0x112: {  	[sflag:s19] =	ssyncadd.s32 $0xFFFFC800  }
0x113: {  	[bflag:$0x0] =	sbarrier.arrive $0xFFFF  }
0x114: {  	s31 =	sld [smem:$0x7FD];
	_ =	sdelay $0x2  }
0x115: {  	s2 =	sadd.s32 $0x1, s2;
	p1 =	seq.s32 s31, $0x1  }
0x116: {  	p0 =	sne.s32 s2, s14;
	s0 =	sshrl.u32 @!p1 s1, $0x3;
	s20 =	simm.s32 @!p1 $0x1C05  }
0x117: {  	[hbm:s13], [sflag:s20] =	dma.local @!p1 [spmem:s0], $0x27800  }
.Ltmp2:
0x118: {  	_ = 	snop;
	(pc) =	sbr.rel @p0 .LBB2_1-.Ltmp2, $4  }
0x119: {  	s0 =	simm.s32 @!p1 $0x5  }
0x11a: {  	_ =	swait.ge @!p1 [sflag:s0], $0x27800  }
0x11b: {  	[sflag:s0] =	ssyncset.done @!p1 $0x0  }
0x11c: {  	[sflag:s0] =	ssyncadd.s32 @!p1 $0xFFFD8800  }
0x11d: {  	_ =	sfence.sel $0x180000  }
0x11e: {  	[bflag:$0x0] =	sbarrier.arrive $0xFFFF  }
0x11f: {  	_ =	strace $0x9000004D  }
0x120: {  	[bflag:$0x2] =	sbarrier.arrive $0xFFFF  }
0x121: {  	s1 =	sld [smem:$0x7FD];
	_ =	sdelay $0x2  }
0x122: {  	s0 =	rddreg [dreg:$0x2];
	p0 =	seq.s32 s1, $0x1  }
0x123: {  	s0 =	sadd.s32 @!p0 $0x100000, s0  }
0x124: {  	[sflag:s0] =	ssyncadd.tile.s32 @!p0 $0x1;
	_ =	shalt  }
.Lfunc_end2:
_tile_overlayer_lowered:
.L_overlay_start_2:
0x125: {  	(tag) =	ssettag $0x2  }
0x126: {  	s0 =	rddreg [dreg:$0x0];
	s2 =	stileid.u32  }
0x127: {  	s1 =	rddreg [dreg:$0x1];
	p0 =	sne.s32 s2, $0x0  }
0x128: {  	s3 =	rddreg [dreg:$0x2];
	[bflag:$0x3] =	sbarrier.arrive $0xFFFF;
	s2 =	simm.s32 @!p0 $0x1C05  }
0x129: {  	[timem:s3], [sflag:s2] =	dma.local @!p0 [hbm:s0], s1  }
0x12a: {  	s0 =	simm.s32 @!p0 $0x5  }
0x12b: {  	_ =	swait.ge @!p0 [sflag:s0], s1  }
0x12c: {  	s1 =	ssub.s32 @!p0 $0x0, s1;
	[sflag:s0] =	ssyncset.done @!p0 $0x0  }
0x12d: {  	[sflag:s0] =	ssyncadd.s32 @!p0 s1  }
0x12e: {  	[bflag:$0x3] =	sbarrier.arrive $0xFFFF  }
0x12f: {  	_ =	shalt  }

// kernel: kernel.8.cloned.1.call-start
scs
__scs_entry_jumppad:
0x0: {  	(pc) =	sbr.rel $0x88, $3  }
0x1: {  	(tag) =	ssettag $0x0;
	lr =	simm.s32 $0x1  }
0x2: {  	[smem:$0x3F9B] =	sst lr;
	_ =	strace $0xD0000000  }
0x3: {  	_ = 	snop  }
0x4: {  	_ = 	snop  }
0x5: {  	_ = 	snop  }
0x6: {  	_ = 	snop  }
0x7: {  	_ = 	snop  }
__scs_overlays_trampoline_lowered:
0x8: {  	[smem:$0x3FAA] =	sst s0  }
0x9: {  	[smem:$0x3FAB] =	sst s1  }
0xa: {  	[smem:$0x3FAC] =	sst s2  }
0xb: {  	[smem:$0x3FAD] =	sst s3  }
0xc: {  	[smem:$0x3FAE] =	sst s4  }
0xd: {  	[smem:$0x3FAF] =	sst s5  }
0xe: {  	[smem:$0x3FB0] =	sst s6  }
0xf: {  	[smem:$0x3FB1] =	sst s7  }
0x10: {  	[smem:$0x3FB2] =	sst s8  }
0x11: {  	[smem:$0x3FB3] =	sst s9;
	s0 =	simm.s32 @!p0 $0x0  }
0x12: {  	s1 =	sld [smem:$0x3F99];
	s0 =	simm.s32 @p0 $0x1  }
0x13: {  	[smem:$0x3FB4] =	sst s0;
	s0 =	simm.s32 @!p1 $0x0  }
0x14: {  	s2 =	sld [smem:$0x3F98];
	s0 =	simm.s32 @p1 $0x1  }
0x15: {  	[smem:$0x3FB5] =	sst s0;
	s0 =	simm.s32 @!p2 $0x0  }
0x16: {  	s3 =	sld [smem:$0x3FDB];
	s0 =	simm.s32 @p2 $0x1  }
0x17: {  	s4 =	simm.s32 $0x1BF5;
	[smem:$0x3FB7] =	sst s0  }
0x18: {  	s0 =	sld [smem:$0x3F9A];
	_ =	swait.ge [sflag:s4], $0x0  }
0x19: {  	s7 =	sld [smem:$0x3F9B]  }
0x1a: {  	s8 =	sadd.s32 $0xFFFFE003, lr  }
0x1b: {  	s9 =	sadd.s32 $0xFFFFFEF7, lr;
	s5 =	simm.s32 $0xFFFFFFFF;
	p2 =	slt.u32 s8, $0xFFFFF086  }
0x1c: {  	p1 =	slt.u32 s9, $0xF7A;
	s5 =	simm.s32 @!p2 $0x0  }
0x1d: {  	s5 =	simm.s32 @p1 $0x1;
	p0 =	seq.s32 s7, s2  }
0x1e: {  	s7 =	smul.u32 @!p0 $0xF7A, s2;
	p2 =	seq.s32 @!p0 s5, $0x0  }
0x1f: {  	s9 =	smul.u32 $0xF7A, s1;
	s8 =	simm.s32 @!p0 $0x1BF5;
	p2 =	por !p2, p0  }
0x20: {  	[sflag:s8] =	ssyncset.s32 @!p0 $0xFFFFF086;
	s6 =	sadd.s32 @!p0 s3, s7;
	s7 =	simm.s32 @!p0 $0x108  }
0x21: {  	s3 =	sadd.s32 s3, s9;
	s6 =	sadd.s32 @!p0 $0x88, s6;
	s7 =	simm.s32 @p2 $0x1082  }
0x22: {  	[simem:s7], [sflag:s8] =	dma.local @!p0 [hbm:s6], $0xF7A  }
0x23: {  	s9 =	sor.u32 $0xD0000000, s2;
	s6 =	simm.s32 $0x108;
	_ =	swait.ge @!p0 [sflag:s8], $0x0  }
0x24: {  	s3 =	sadd.s32 $0x88, s3;
	s6 =	simm.s32 @!p1 $0x1082;
	[sflag:s4] =	ssyncset.s32 $0xFFFFF086  }
0x25: {  	[simem:s6], [sflag:s4] =	dma.local [hbm:s3], $0xF7A  }
0x26: {  	[smem:$0x3F9B] =	sst s1;
	(tag) =	ssettag s2;
	_ =	strace s9  }
0x27: {  	s1 =	sld [smem:$0x3FAB]  }
0x28: {  	s2 =	sld [smem:$0x3FAC]  }
0x29: {  	s4 =	sld [smem:$0x3FAE]  }
0x2a: {  	p0 =	seq.s32 s5, $0x0;
	s5 =	sld [smem:$0x3FAF]  }
0x2b: {  	s6 =	sld [smem:$0x3FB0]  }
0x2c: {  	s7 =	sld [smem:$0x3FB1]  }
0x2d: {  	s3 =	simm.s32 $0x108;
	s8 =	sld [smem:$0x3FB2]  }
0x2e: {  	s3 =	simm.s32 @!p0 $0x1082;
	s9 =	sld [smem:$0x3FB3]  }
0x2f: {  	lr =	sadd.s32 s0, s3;
	s0 =	sld [smem:$0x3FAA]  }
0x30: {  	s3 =	sld [smem:$0x3FAD]  }
0x31: {  	[smem:$0x3FB6] =	sst s10  }
0x32: {  	s10 =	sld [smem:$0x3FB4];
	_ =	sdelay $0x3  }
0x33: {  	p0 =	seq.s32 s10, $0x1;
	s10 =	sld [smem:$0x3FB6];
	_ =	sdelay $0x3  }
0x34: {  	[smem:$0x3FB6] =	sst s10  }
0x35: {  	s10 =	sld [smem:$0x3FB5];
	_ =	sdelay $0x3  }
0x36: {  	p1 =	seq.s32 s10, $0x1;
	s10 =	sld [smem:$0x3FB6];
	_ =	sdelay $0x3  }
0x37: {  	[smem:$0x3FB6] =	sst s10  }
0x38: {  	s10 =	sld [smem:$0x3FB7]  }
0x39: {  	_ = 	snop;
	(pc) =	sbr.ind lr, $3  }
0x3a: {  	_ = 	snop  }
0x3b: {  	_ = 	snop  }
0x3c: {  	p2 =	seq.s32 s10, $0x1;
	s10 =	sld [smem:$0x3FB6]  }
0x3d: {  	_ =	shalt  }
0x3e: {  	_ =	shalt  }
0x3f: {  	_ =	shalt  }
0x40: {  	_ =	shalt  }
0x41: {  	_ =	shalt  }
0x42: {  	_ =	shalt  }
0x43: {  	_ =	shalt  }
0x44: {  	_ =	shalt  }
0x45: {  	_ =	shalt  }
0x46: {  	_ =	shalt  }
0x47: {  	_ =	shalt  }
0x48: {  	_ =	shalt  }
0x49: {  	_ =	shalt  }
0x4a: {  	_ =	shalt  }
0x4b: {  	_ =	shalt  }
0x4c: {  	_ =	shalt  }
0x4d: {  	_ =	shalt  }
0x4e: {  	_ =	shalt  }
0x4f: {  	_ =	shalt  }
0x50: {  	_ =	shalt  }
0x51: {  	_ =	shalt  }
0x52: {  	_ =	shalt  }
0x53: {  	_ =	shalt  }
0x54: {  	_ =	shalt  }
0x55: {  	_ =	shalt  }
0x56: {  	_ =	shalt  }
0x57: {  	_ =	shalt  }
0x58: {  	_ =	shalt  }
0x59: {  	_ =	shalt  }
0x5a: {  	_ =	shalt  }
0x5b: {  	_ =	shalt  }
0x5c: {  	_ =	shalt  }
0x5d: {  	_ =	shalt  }
0x5e: {  	_ =	shalt  }
0x5f: {  	_ =	shalt  }
0x60: {  	_ =	shalt  }
0x61: {  	_ =	shalt  }
0x62: {  	_ =	shalt  }
0x63: {  	_ =	shalt  }
0x64: {  	_ =	shalt  }
0x65: {  	_ =	shalt  }
0x66: {  	_ =	shalt  }
0x67: {  	_ =	shalt  }
0x68: {  	_ =	shalt  }
0x69: {  	_ =	shalt  }
0x6a: {  	_ =	shalt  }
0x6b: {  	_ =	shalt  }
0x6c: {  	_ =	shalt  }
0x6d: {  	_ =	shalt  }
0x6e: {  	_ =	shalt  }
0x6f: {  	_ =	shalt  }
0x70: {  	_ =	shalt  }
0x71: {  	_ =	shalt  }
0x72: {  	_ =	shalt  }
0x73: {  	_ =	shalt  }
0x74: {  	_ =	shalt  }
0x75: {  	_ =	shalt  }
0x76: {  	_ =	shalt  }
0x77: {  	_ =	shalt  }
0x78: {  	_ =	shalt  }
0x79: {  	_ =	shalt  }
0x7a: {  	_ =	shalt  }
0x7b: {  	_ =	shalt  }
0x7c: {  	_ =	shalt  }
0x7d: {  	_ =	shalt  }
0x7e: {  	_ =	shalt  }
0x7f: {  	_ =	shalt  }
0x80: {  	_ =	shalt  }
0x81: {  	_ =	shalt  }
0x82: {  	_ =	shalt  }
0x83: {  	_ =	shalt  }
0x84: {  	_ =	shalt  }
0x85: {  	_ =	shalt  }
0x86: {  	_ =	shalt  }
0x87: {  	_ =	shalt  }
.Lfunc_end0:
.L_simem_size_0:
called_computation_lowered:
.L_overlay_start_0:
0x88: {  	s2 =	sld [smem:$0x3FD9]  }
0x89: {  	s3 =	sld [smem:$0x3FFE];
	_ =	sdelay $0x1  }
0x8a: {  	s1 =	srdreg.scid  }
0x8b: {  	s0 =	sand.u32 $0x1, s1  }
0x8c: {  	s17 =	sshll.u32 s0, $0xA;
	s2 =	sadd.s32 s3, s2  }
0x8d: {  	s2 =	sadd.s32 s2, s17  }
0x8e: {  	[smem:$0x3FC2] =	sst s2  }
0x8f: {  	_ = 	snop  }
0x90: {  	s2 =	sld [smem:$0x3FD0];
	(tm) =	ssettm $0x1  }
0x91: {  	s18 =	sld [smem:$0x3FFB];
	_ =	sdelay $0x3  }
0x92: {  	_ =	strace s18  }
0x93: {  	s3 =	sld [smem:$0x3FFC];
	_ =	sdelay $0x3  }
0x94: {  	_ =	strace s3  }
0x95: {  	s3 =	sld [smem:$0x3FFD];
	_ =	sdelay $0x3  }
0x96: {  	_ =	strace s3  }
0x97: {  	_ =	strace $0x8FFFFFFF  }
0x98: {  	s19 =	sld [smem:$0x3FDB];
	_ =	sdelay $0x1  }
0x99: {  	s4 =	simm.s32 $_scs_section_size  }
0x9a: {  	s5 =	simm.s32 $_size__tile_overlayer_lowered;
	s6 =	simm.s32 $_tile_overlayer_lowered  }
0x9b: {  	s22 =	simm.s32 $0x1BFF;
	s21 =	sshll.u32 s6, $0x1;
	s3 =	sadd.s32 s4, s19  }
0x9c: {  	s7 =	simm.s32 $0x0;
	s20 =	sshll.u32 s5, $0x1;
	s5 =	sadd.s32 s21, s3  }
0x9d: {  	[timem:s7], [sflag:s22] =	dma.local [hbm:s5], s20  }
0x9e: {  	_ =	swait.ge [sflag:s22], s20  }
0x9f: {  	s4 =	ssub.s32 $0x0, s20;
	[sflag:s22] =	ssyncset.done $0x0  }
0xa0: {  	[sflag:s22] =	ssyncadd.s32 s4;
	_ =	sdelay $0x1  }
0xa1: {  	s23 =	simm.s32 $0x1B8B  }
0xa2: {  	_ =	swait.ge [sflag:s23], $0x1  }
0xa3: {  	[sflag:s23] =	ssyncset.done $0x0  }
0xa4: {  	s25 =	simm.s32 $0x1B8E;
	s24 =	sld [smem:$0x3FFE];
	[sflag:s23] =	ssyncadd.s32 $0xFFFFFFFF  }
0xa5: {  	s26 =	simm.s32 $execute0_lowered;
	[smem:$0x3FD2] =	sst s25  }
0xa6: {  	s5 =	sshll.u32 s26, $0x1;
	_ =	strace $0x80000046;
	[dreg:$0x1] =	wrdreg $0xFFFFFFFF  }
0xa7: {  	s28 =	simm.s32 $_size_execute0_lowered;
	s3 =	sadd.s32 s3, s5;
	[dreg:$0x0] =	wrdreg $0x0  }
0xa8: {  	s5 =	sshll.u32 s28, $0x1;
	[dreg:$0x2] =	wrdreg s3  }
0xa9: {  	[dreg:$0x3] =	wrdreg s5  }
0xaa: {  	[dreg:$0x4] =	wrdreg $0xC0  }
0xab: {  	_ =	task [dreg:s7], $0x5FFFF  }
0xac: {  	[dreg:$0x1] =	wrdreg $0xFFFFFFFF  }
0xad: {  	[dreg:$0x0] =	wrdreg $0x60  }
0xae: {  	[dreg:$0x2] =	wrdreg s24  }
0xaf: {  	[dreg:$0x3] =	wrdreg s2  }
0xb0: {  	[dreg:$0x4] =	wrdreg $0x29800  }
0xb1: {  	[dreg:$0x5] =	wrdreg $0x9  }
0xb2: {  	_ =	task.clear_ibuf [dreg:s7], $0x6FFFF;
	_ =	strace $0x90000046  }
0xb3: {  	s29 =	simm.s32 $0x9;
	_ =	strace $0x80000048  }
0xb4: {  	_ =	swait.ge [sflag:s29], $0x1  }
0xb5: {  	[sflag:s29] =	ssyncadd.s32 $0xFFFFFFFF  }
0xb6: {  	_ =	strace $0x90000048  }
0xb7: {  	_ =	sfence  }
0xb8: {  	s30 =	sld [smem:$0x0];
	_ =	sdelay $0x2  }
0xb9: {  	s31 =	sshll.u32 s1, $0xD;
	s1 =	sshrl.u32 s1, $0x2  }
0xba: {  	s3 =	sand.u32 $0x4000, s31;
	s1 =	sadd.s32 s1, s30  }
0xbb: {  	s0 =	sor.u32 s3, s0;
	s1 =	sshll.u32 s1, $0x11  }
0xbc: {  	s0 =	sor.u32 s1, s0  }
0xbd: {  	s0 =	sadd.s32 $0x8F2B, s0  }
0xbe: {  	[sflag:s0] =	ssyncadd.remote.s32 $0x1  }
0xbf: {  	_ =	sfence.sel $0xFFFF  }
0xc0: {  	[dreg:$0x0] =	wrdreg $0xFFFFFFFF;
	(pc) =	sbr.abs _section_cstart, $3  }
0xc1: {  	[dreg:$0x1] =	wrdreg $0xFFFFFFFF  }
0xc2: {  	_ =	task.clear_ibuf [dreg:s7], $0x2FFFF;
	_ =	strace $0x9FFFFFFF  }
0xc3: {  	(tm) =	ssettm $0x7FFFFFFF  }
tec
execute0_lowered:
.L_overlay_start_1:
0x0: {  	(tag) =	ssettag $0x1  }
0x1: {  	s1 =	srdreg.scid;
	s0 =	stileid.u32  }
0x2: {  	s6 =	rddreg [dreg:$0x0];
	s11 =	simm.s32 $0x5A;
	s16 =	simm.s32 $0x2880  }
0x3: {  	s17 =	simm.s32 $0x3;
	s18 =	simm.s32 $0x2900;
	s19 =	simm.s32 $0x1  }
0x4: {  	s20 =	simm.s32 $0x2;
	s24 =	simm.s32 $0x0;
	s1 =	sand.u32 $0x1, s1  }
0x5: {  	s2 =	sshll.u32 s0, $0x1;
	s7 =	smul.u32 $0x9E0, s0;
	p0 =	slt.u32 s0, $0x5  }
0x6: {  	p6 =	seq.s32 s0, $0x0;
	s3 =	sor.u32 s1, s2;
	s2 =	rddreg [dreg:$0x1]  }
0x7: {  	s8 =	ssub.s32 $0x2, s1;
	s11 =	simm.s32 @!p0 $0x59;
	p1 =	seq.s32 s1, $0x1  }
0x8: {  	s1 =	sor.u32 s1, s0;
	s4 =	smul.u32 $0x59, s3;
	s5 =	smin.u32 s3, $0xA  }
0x9: {  	s3 =	rddreg [dreg:$0x2];
	s7 =	sshrl.u32 s7, $0x2;
	s9 =	sshrl.u32 s8, $0x1  }
0xa: {  	p0 =	por !p6, !p1;
	p1 =	sne.s32 s1, $0x0;
	s7 =	sadd.s32 s7, s3  }
0xb: {  	s15 =	ssub.s32 s8, s9;
	p0 =	por !p0, !p0;
	s1 =	sshll.u32 @!p1 s0, $0x6  }
0xc: {  	s0 =	simm.s32 @!p1 $0x0;
	s22 =	sshrl.u32 @!p1 s3, $0x3;
	s5 =	sadd.s32 s5, s4  }
0xd: {  	s4 =	simm.s32 $0x0;
	s8 =	sadd.s32 $0x70, s7;
	s9 =	sadd.s32 $0xE0, s7  }
0xe: {  	s10 =	sadd.s32 $0x150, s7;
	s12 =	sadd.s32 $0x1C0, s7;
	s13 =	sadd.s32 $0x230, s7  }
0xf: {  	s15 =	smax.u32 s15, $0x1;
	s21 =	sor.u32 @!p1 $0x1C03, s1;
	s0 =	simm.s32 @p1 $0x1  }
0x10: {  	s23 =	sshrl.u32 @p0 s3, $0x3;
	s5 =	smul.u32 $0xE, s5;
	[smem:$0x7FF] =	sst s4  }
0x11: {  	_ =	strace $0x80000047;
	[smem:$0x7FC] =	sst s0;
	s0 =	simm.s32 @!p0 $0x0  }
0x12: {  	s14 =	sadd.s32 s5, s6;
	s5 =	sadd.s32 $0xCC00, s6;
	s0 =	simm.s32 @p0 $0x1  }
0x13: {  	v0 =	vimm.f32 $0.0e+00;
	s6 =	sadd.s32 $0xD200, s6;
	s14 =	sadd.s32 $0x2E00, s14;
	[smem:$0x7FD] =	sst s0  }
.LBB2_1:
0x14: {  	[tilespmem:s16], [sflag:$0x3] =	stream.linear.gather [hbm4b:s2+s4], $0x80, $0x38;
	[tilespmem:$0x2BF8] =	vst v63  }
0x15: {  	_ =	swait.ge [sflag:s17], $0x80  }
0x16: {  	[sflag:s17] =	ssyncset.done $0x0  }
0x17: {  	[sflag:s17] =	ssyncadd.s32 $0xFFFFFF80  }
0x18: {  	[tilespmem:$0x2900] =	vst v0  }
0x19: {  	[tilespmem:$0x2910] =	vst v0  }
0x1a: {  	[tilespmem:$0x2920] =	vst v0  }
0x1b: {  	[tilespmem:$0x2930] =	vst v0  }
0x1c: {  	[tilespmem:$0x2940] =	vst v0  }
0x1d: {  	[tilespmem:$0x2950] =	vst v0  }
0x1e: {  	[tilespmem:$0x2960] =	vst v0  }
0x1f: {  	[spmem:s7] =	stream.linear.scatter [tilespmem:s18], [sflag:$0x3], $0x70, $0x38;
	[tilespmem:$0x2BF8] =	vst v63  }
0x20: {  	_ =	swait.ge [sflag:s17], $0x70  }
0x21: {  	[sflag:s17] =	ssyncset.done $0x0  }
0x22: {  	[sflag:s17] =	ssyncadd.s32 $0xFFFFFF90  }
0x23: {  	[spmem:s8] =	stream.linear.scatter [tilespmem:s18], [sflag:$0x3], $0x70, $0x38;
	[tilespmem:$0x2BF8] =	vst v63  }
0x24: {  	_ =	swait.ge [sflag:s17], $0x70  }
0x25: {  	[sflag:s17] =	ssyncset.done $0x0  }
0x26: {  	[sflag:s17] =	ssyncadd.s32 $0xFFFFFF90  }
0x27: {  	[spmem:s9] =	stream.linear.scatter [tilespmem:s18], [sflag:$0x3], $0x70, $0x38;
	[tilespmem:$0x2BF8] =	vst v63  }
0x28: {  	_ =	swait.ge [sflag:s17], $0x70  }
0x29: {  	[sflag:s17] =	ssyncset.done $0x0  }
0x2a: {  	[sflag:s17] =	ssyncadd.s32 $0xFFFFFF90  }
0x2b: {  	[spmem:s10] =	stream.linear.scatter [tilespmem:s18], [sflag:$0x3], $0x70, $0x38;
	[tilespmem:$0x2BF8] =	vst v63  }
0x2c: {  	_ =	swait.ge [sflag:s17], $0x70  }
0x2d: {  	[sflag:s17] =	ssyncset.done $0x0  }
0x2e: {  	[sflag:s17] =	ssyncadd.s32 $0xFFFFFF90  }
0x2f: {  	[spmem:s12] =	stream.linear.scatter [tilespmem:s18], [sflag:$0x3], $0x70, $0x38;
	[tilespmem:$0x2BF8] =	vst v63  }
0x30: {  	_ =	swait.ge [sflag:s17], $0x70  }
0x31: {  	[sflag:s17] =	ssyncset.done $0x0  }
0x32: {  	[sflag:s17] =	ssyncadd.s32 $0xFFFFFF90  }
0x33: {  	[spmem:s13] =	stream.linear.scatter [tilespmem:s18], [sflag:$0x3], $0x48, $0x38;
	[tilespmem:$0x2BF8] =	vst v63  }
0x34: {  	p4 =	sle.u32 s11, $0x0;
	s1 =	sand.u32 $0x1, s4;
	_ =	swait.ge [sflag:s17], $0x48  }
0x35: {  	p1 =	sne.s32 @!p4 s1, $0x0;
	[sflag:s17] =	ssyncset.done $0x0  }
0x36: {  	p2 =	por p1, p4;
	[sflag:s17] =	ssyncadd.s32 $0xFFFFFFB8  }
0x37: {  	p3 =	por @!p2 $0x1, $0x1;
	[bflag:$0x0] =	sbarrier.arrive $0xFFFF  }
0x38: {  	[tilespmem:s4], [sflag:$0x3] =	stream.linear.gather [hbm4b:s14+s4], $0x2760, $0x38;
	[tilespmem:$0x2BF8] =	vst v63  }
0x39: {  	p1 =	por @!p4 p3, p1;
	_ =	swait.ge [sflag:s17], $0x2760  }
0x3a: {  	p1 =	por p1, p4;
	[sflag:s17] =	ssyncset.done $0x0  }
0x3b: {  	s26 =	simm.s32 @!p1 $0x1;
	[sflag:s17] =	ssyncadd.s32 $0xFFFFD8A0  }
0x3c: {  	_ =	swait.ge @!p1 [sflag:s26], $0x70  }
0x3d: {  	[sflag:s26] =	ssyncset.done @!p1 $0x0  }
0x3e: {  	s25 =	simm.s32 $0x30;
	[sflag:s26] =	ssyncadd.s32 @!p1 $0xFFFFFF90  }
0x3f: {  	v1 =	vld @!p2 [tilespmem:s25+$0xFFFFFFD0];
	_ =	sdelay $0x4  }
0x40: {  	[tilespmem:$0x2780] =	vst @!p2 v1  }
0x41: {  	v1 =	vld @!p2 [tilespmem:s25+$0xFFFFFFE0];
	_ =	sdelay $0x4  }
0x42: {  	[tilespmem:$0x2790] =	vst @!p2 v1  }
0x43: {  	v1 =	vld @!p2 [tilespmem:s25+$0xFFFFFFF0];
	_ =	sdelay $0x4  }
0x44: {  	[tilespmem:$0x27A0] =	vst @!p2 v1  }
0x45: {  	v1 =	vld @!p2 [tilespmem:s25+$0x0];
	_ =	sdelay $0x4  }
0x46: {  	[tilespmem:$0x27B0] =	vst @!p2 v1  }
0x47: {  	v1 =	vld @!p2 [tilespmem:s25+$0x10];
	_ =	sdelay $0x4  }
0x48: {  	[tilespmem:$0x27C0] =	vst @!p2 v1  }
0x49: {  	v1 =	vld @!p2 [tilespmem:s25+$0x20];
	_ =	sdelay $0x4  }
0x4a: {  	[tilespmem:$0x27D0] =	vst @!p2 v1  }
0x4b: {  	p1 =	seq.s32 s1, $0x1;
	v1 =	vld @!p2 [tilespmem:s25+$0x30]  }
0x4c: {  	p3 =	por !p1, p4  }
0x4d: {  	p5 =	por @!p3 $0x1, $0x1  }
0x4e: {  	p1 =	por @!p4 p5, !p1  }
0x4f: {  	s28 =	simm.s32 @!p2 $0x2780;
	p1 =	por p1, p4  }
0x50: {  	s1 =	simm.s32 @!p2 $0x2880;
	s26 =	simm.s32 @!p2 $0x70;
	s29 =	simm.s32 @!p1 $0x2;
	[tilespmem:$0x27E0] =	vst @!p2 v1  }
0x51: {  	[spmem:s3] =	stream.indirect.scatter.add.f32 @!p2 [tilespmem:s1], [sflag:$0x1], $0x1, s28, s26, $0xb8;
	[tilespmem:$0x2BF8] =	vst v63  }
0x52: {  	_ =	swait.ge @!p1 [sflag:s29], $0x70  }
0x53: {  	[sflag:s29] =	ssyncset.done @!p1 $0x0  }
0x54: {  	[sflag:s29] =	ssyncadd.s32 @!p1 $0xFFFFFF90  }
0x55: {  	v1 =	vld @!p3 [tilespmem:s25+$0xFFFFFFD0];
	_ =	sdelay $0x4  }
0x56: {  	[tilespmem:$0x2800] =	vst @!p3 v1  }
0x57: {  	v1 =	vld @!p3 [tilespmem:s25+$0xFFFFFFE0];
	_ =	sdelay $0x4  }
0x58: {  	[tilespmem:$0x2810] =	vst @!p3 v1  }
0x59: {  	v1 =	vld @!p3 [tilespmem:s25+$0xFFFFFFF0];
	_ =	sdelay $0x4  }
0x5a: {  	[tilespmem:$0x2820] =	vst @!p3 v1  }
0x5b: {  	v1 =	vld @!p3 [tilespmem:s25+$0x0];
	_ =	sdelay $0x4  }
0x5c: {  	[tilespmem:$0x2830] =	vst @!p3 v1  }
0x5d: {  	v1 =	vld @!p3 [tilespmem:s25+$0x10];
	_ =	sdelay $0x4  }
0x5e: {  	[tilespmem:$0x2840] =	vst @!p3 v1  }
0x5f: {  	v1 =	vld @!p3 [tilespmem:s25+$0x20];
	_ =	sdelay $0x2  }
0x60: {  	s26 =	simm.s32 $0x1  }
0x61: {  	p4 =	sle.u32 s11, $0x1;
	s1 =	sand.u32 $0x1, s26  }
0x62: {  	p1 =	sne.s32 @!p4 s1, $0x0;
	[tilespmem:$0x2850] =	vst @!p3 v1  }
0x63: {  	p5 =	por p1, p4;
	v1 =	vld @!p3 [tilespmem:s25+$0x30]  }
0x64: {  	s30 =	simm.s32 @!p3 $0x2880;
	p2 =	por @!p5 $0x1, $0x1  }
0x65: {  	s31 =	simm.s32 @!p3 $0x70;
	s28 =	simm.s32 $0x2;
	p1 =	por @!p4 p2, p1  }
0x66: {  	p6 =	seq.s32 s1, $0x1;
	s1 =	simm.s32 @!p3 $0x2800;
	p1 =	por p1, p4  }
.LBB2_2:
0x67: {  	s0 =	simm.s32 @!p1 $0x1  }
0x68: {  	[tilespmem:$0x2860] =	vst @!p3 v1;
	s25 =	sadd.s32 $0x70, s25;
	s29 =	smov.u32 s28;
	s28 =	sadd.s32 $0x1, s28  }
0x69: {  	[spmem:s3] =	stream.indirect.scatter.add.f32 @!p3 [tilespmem:s30], [sflag:$0x2], $0x1, s1, s31, $0xb8;
	[tilespmem:$0x2BF8] =	vst v63  }
0x6a: {  	p2 =	sne.s32 s28, $0x5A;
	_ =	swait.ge @!p1 [sflag:s0], $0x70  }
0x6b: {  	[sflag:s0] =	ssyncset.done @!p1 $0x0  }
0x6c: {  	[sflag:s0] =	ssyncadd.s32 @!p1 $0xFFFFFF90  }
0x6d: {  	v1 =	vld @!p5 [tilespmem:s25+$0xFFFFFFD0];
	_ =	sdelay $0x4  }
0x6e: {  	[tilespmem:$0x2780] =	vst @!p5 v1  }
0x6f: {  	v1 =	vld @!p5 [tilespmem:s25+$0xFFFFFFE0];
	_ =	sdelay $0x4  }
0x70: {  	[tilespmem:$0x2790] =	vst @!p5 v1  }
0x71: {  	v1 =	vld @!p5 [tilespmem:s25+$0xFFFFFFF0];
	_ =	sdelay $0x4  }
0x72: {  	[tilespmem:$0x27A0] =	vst @!p5 v1  }
0x73: {  	v1 =	vld @!p5 [tilespmem:s25+$0x0];
	_ =	sdelay $0x4  }
0x74: {  	[tilespmem:$0x27B0] =	vst @!p5 v1  }
0x75: {  	v1 =	vld @!p5 [tilespmem:s25+$0x10];
	_ =	sdelay $0x4  }
0x76: {  	[tilespmem:$0x27C0] =	vst @!p5 v1  }
0x77: {  	v1 =	vld @!p5 [tilespmem:s25+$0x20];
	_ =	sdelay $0x4  }
0x78: {  	[tilespmem:$0x27D0] =	vst @!p5 v1  }
0x79: {  	v1 =	vld @!p5 [tilespmem:s25+$0x30]  }
0x7a: {  	p3 =	por !p6, p4  }
0x7b: {  	p1 =	slt.u32 @!p3 s26, $0x2;
	s26 =	smov.u32 s29  }
0x7c: {  	s0 =	simm.s32 @!p5 $0x2880;
	p1 =	por @!p4 p1, !p6  }
0x7d: {  	s1 =	simm.s32 @!p5 $0x70;
	s29 =	simm.s32 @!p5 $0x2780;
	p1 =	por p1, p4  }
0x7e: {  	s30 =	simm.s32 @!p1 $0x2;
	[tilespmem:$0x27E0] =	vst @!p5 v1  }
0x7f: {  	[spmem:s3] =	stream.indirect.scatter.add.f32 @!p5 [tilespmem:s0], [sflag:$0x1], $0x1, s29, s1, $0xb8;
	[tilespmem:$0x2BF8] =	vst v63  }
0x80: {  	_ =	swait.ge @!p1 [sflag:s30], $0x70  }
0x81: {  	[sflag:s30] =	ssyncset.done @!p1 $0x0  }
0x82: {  	[sflag:s30] =	ssyncadd.s32 @!p1 $0xFFFFFF90  }
0x83: {  	v1 =	vld @!p3 [tilespmem:s25+$0xFFFFFFD0];
	_ =	sdelay $0x4  }
0x84: {  	[tilespmem:$0x2800] =	vst @!p3 v1  }
0x85: {  	v1 =	vld @!p3 [tilespmem:s25+$0xFFFFFFE0];
	_ =	sdelay $0x4  }
0x86: {  	[tilespmem:$0x2810] =	vst @!p3 v1  }
0x87: {  	v1 =	vld @!p3 [tilespmem:s25+$0xFFFFFFF0];
	_ =	sdelay $0x4  }
0x88: {  	[tilespmem:$0x2820] =	vst @!p3 v1  }
0x89: {  	v1 =	vld @!p3 [tilespmem:s25+$0x0];
	_ =	sdelay $0x4  }
0x8a: {  	[tilespmem:$0x2830] =	vst @!p3 v1  }
0x8b: {  	v1 =	vld @!p3 [tilespmem:s25+$0x10];
	_ =	sdelay $0x4  }
0x8c: {  	[tilespmem:$0x2840] =	vst @!p3 v1  }
0x8d: {  	v1 =	vld @!p3 [tilespmem:s25+$0x20];
	_ =	sdelay $0x4  }
0x8e: {  	p4 =	sge.u32 s26, s11;
	s0 =	sand.u32 $0x1, s26;
	[tilespmem:$0x2850] =	vst @!p3 v1  }
.Ltmp0:
0x8f: {  	p6 =	seq.s32 s0, $0x1;
	p1 =	sne.s32 @!p4 s0, $0x0;
	v1 =	vld @!p3 [tilespmem:s25+$0x30];
	(pc) =	sbr.rel @p2 .LBB2_2-.Ltmp0, $4  }
0x90: {  	p5 =	por p1, p4  }
0x91: {  	p0 =	slt.u32 @!p5 s26, $0x2  }
0x92: {  	s30 =	simm.s32 @!p3 $0x2880;
	p0 =	por @!p4 p0, p1  }
0x93: {  	s31 =	simm.s32 @!p3 $0x70;
	s1 =	simm.s32 @!p3 $0x2800;
	p1 =	por p0, p4  }
0x94: {  	s0 =	simm.s32 @!p1 $0x1;
	[tilespmem:$0x2860] =	vst @!p3 v1  }
0x95: {  	[spmem:s3] =	stream.indirect.scatter.add.f32 @!p3 [tilespmem:s30], [sflag:$0x2], $0x1, s1, s31, $0xb8;
	[tilespmem:$0x2BF8] =	vst v63  }
0x96: {  	_ =	swait.ge @!p1 [sflag:s0], $0x70  }
0x97: {  	[sflag:s0] =	ssyncset.done @!p1 $0x0  }
0x98: {  	s1 =	sadd.s32 $0x70, s25;
	[sflag:s0] =	ssyncadd.s32 @!p1 $0xFFFFFF90  }
0x99: {  	v1 =	vld @!p5 [tilespmem:s1+$0xFFFFFFD0];
	_ =	sdelay $0x4  }
0x9a: {  	[tilespmem:$0x2780] =	vst @!p5 v1  }
0x9b: {  	v1 =	vld @!p5 [tilespmem:s1+$0xFFFFFFE0];
	_ =	sdelay $0x4  }
0x9c: {  	[tilespmem:$0x2790] =	vst @!p5 v1  }
0x9d: {  	v1 =	vld @!p5 [tilespmem:s1+$0xFFFFFFF0];
	_ =	sdelay $0x4  }
0x9e: {  	[tilespmem:$0x27A0] =	vst @!p5 v1  }
0x9f: {  	v1 =	vld @!p5 [tilespmem:s1+$0x0];
	_ =	sdelay $0x4  }
0xa0: {  	[tilespmem:$0x27B0] =	vst @!p5 v1  }
0xa1: {  	v1 =	vld @!p5 [tilespmem:s1+$0x10];
	_ =	sdelay $0x4  }
0xa2: {  	[tilespmem:$0x27C0] =	vst @!p5 v1  }
0xa3: {  	v1 =	vld @!p5 [tilespmem:s1+$0x20];
	_ =	sdelay $0x4  }
0xa4: {  	[tilespmem:$0x27D0] =	vst @!p5 v1  }
0xa5: {  	v1 =	vld @!p5 [tilespmem:s1+$0x30]  }
0xa6: {  	p2 =	por !p6, p4  }
0xa7: {  	p0 =	slt.u32 @!p2 s26, $0x2  }
0xa8: {  	p0 =	por @!p4 p0, !p6  }
0xa9: {  	s25 =	simm.s32 @!p5 $0x70;
	p0 =	por p0, p4  }
0xaa: {  	s26 =	simm.s32 @!p5 $0x2780;
	s0 =	simm.s32 @!p5 $0x2880;
	s28 =	simm.s32 @!p0 $0x2;
	[tilespmem:$0x27E0] =	vst @!p5 v1  }
0xab: {  	[spmem:s3] =	stream.indirect.scatter.add.f32 @!p5 [tilespmem:s0], [sflag:$0x1], $0x1, s26, s25, $0xb8;
	[tilespmem:$0x2BF8] =	vst v63  }
0xac: {  	_ =	swait.ge @!p0 [sflag:s28], $0x70  }
0xad: {  	[sflag:s28] =	ssyncset.done @!p0 $0x0  }
0xae: {  	[sflag:s28] =	ssyncadd.s32 @!p0 $0xFFFFFF90  }
0xaf: {  	v1 =	vld @!p2 [tilespmem:s1+$0xFFFFFFD0];
	_ =	sdelay $0x4  }
0xb0: {  	[tilespmem:$0x2800] =	vst @!p2 v1  }
0xb1: {  	v1 =	vld @!p2 [tilespmem:s1+$0xFFFFFFE0];
	_ =	sdelay $0x4  }
0xb2: {  	[tilespmem:$0x2810] =	vst @!p2 v1  }
0xb3: {  	v1 =	vld @!p2 [tilespmem:s1+$0xFFFFFFF0];
	_ =	sdelay $0x4  }
0xb4: {  	[tilespmem:$0x2820] =	vst @!p2 v1  }
0xb5: {  	v1 =	vld @!p2 [tilespmem:s1+$0x0];
	_ =	sdelay $0x4  }
0xb6: {  	[tilespmem:$0x2830] =	vst @!p2 v1  }
0xb7: {  	v1 =	vld @!p2 [tilespmem:s1+$0x10];
	_ =	sdelay $0x4  }
0xb8: {  	[tilespmem:$0x2840] =	vst @!p2 v1  }
0xb9: {  	v1 =	vld @!p2 [tilespmem:s1+$0x20];
	_ =	sdelay $0x4  }
0xba: {  	[tilespmem:$0x2850] =	vst @!p2 v1  }
0xbb: {  	v1 =	vld @!p2 [tilespmem:s1+$0x30];
	_ =	sdelay $0x4  }
0xbc: {  	s0 =	simm.s32 @!p2 $0x2880;
	s25 =	simm.s32 @!p2 $0x2800;
	s1 =	simm.s32 @!p2 $0x70;
	[tilespmem:$0x2860] =	vst @!p2 v1  }
0xbd: {  	[spmem:s3] =	stream.indirect.scatter.add.f32 @!p2 [tilespmem:s0], [sflag:$0x2], $0x1, s25, s1, $0xb8;
	[tilespmem:$0x2BF8] =	vst v63  }
0xbe: {  	_ =	swait.ge [sflag:s19], $0x70  }
0xbf: {  	[sflag:s19] =	ssyncset.done $0x0  }
0xc0: {  	[sflag:s19] =	ssyncadd.s32 $0xFFFFFF90  }
0xc1: {  	_ =	swait.ge [sflag:s20], $0x70  }
0xc2: {  	[sflag:s20] =	ssyncset.done $0x0  }
0xc3: {  	[sflag:s20] =	ssyncadd.s32 $0xFFFFFF90  }
0xc4: {  	[bflag:$0x0] =	sbarrier.arrive $0xFFFF  }
0xc5: {  	s30 =	sld [smem:$0x7FC];
	_ =	sdelay $0x2  }
0xc6: {  	p0 =	seq.s32 s30, $0x1  }
0xc7: {  	[hbm:s5], [sflag:s21] =	dma.local @!p0 [spmem:s22], $0x4F0  }
0xc8: {  	s0 =	simm.s32 @!p0 $0x3  }
0xc9: {  	_ =	swait.ge @!p0 [sflag:s0], $0x4F0  }
0xca: {  	s31 =	sld [smem:$0x7FD];
	_ =	sdelay $0x2  }
0xcb: {  	s24 =	sadd.s32 $0x1, s24;
	[sflag:s0] =	ssyncset.done @!p0 $0x0;
	p1 =	seq.s32 s31, $0x1  }
0xcc: {  	[sflag:s0] =	ssyncadd.s32 @!p0 $0xFFFFFB10;
	p0 =	sne.s32 s24, s15;
	s0 =	simm.s32 @p1 $0x1C03  }
0xcd: {  	[hbm:s6], [sflag:s0] =	dma.local @p1 [spmem:s23], $0x4F0  }
.Ltmp1:
0xce: {  	_ = 	snop;
	(pc) =	sbr.rel @p0 .LBB2_1-.Ltmp1, $4  }
0xcf: {  	s0 =	simm.s32 @p1 $0x3  }
0xd0: {  	_ =	swait.ge @p1 [sflag:s0], $0x4F0  }
0xd1: {  	[sflag:s0] =	ssyncset.done @p1 $0x0  }
0xd2: {  	[sflag:s0] =	ssyncadd.s32 @p1 $0xFFFFFB10  }
0xd3: {  	_ =	sfence.sel $0x180000  }
0xd4: {  	[bflag:$0x0] =	sbarrier.arrive $0xFFFF  }
0xd5: {  	_ =	strace $0x90000047  }
0xd6: {  	s0 =	stileid.u32;
	[bflag:$0x2] =	sbarrier.arrive $0xFFFF  }
0xd7: {  	p0 =	sne.s32 s0, $0x0;
	s0 =	rddreg [dreg:$0x3]  }
0xd8: {  	s0 =	sadd.s32 @!p0 $0x100000, s0  }
0xd9: {  	[sflag:s0] =	ssyncadd.tile.s32 @!p0 $0x1;
	_ =	shalt  }
.Lfunc_end2:
_tile_overlayer_lowered:
.L_overlay_start_2:
0xda: {  	(tag) =	ssettag $0x2  }
0xdb: {  	s0 =	rddreg [dreg:$0x0];
	s2 =	stileid.u32  }
0xdc: {  	s1 =	rddreg [dreg:$0x1];
	p0 =	sne.s32 s2, $0x0  }
0xdd: {  	s3 =	rddreg [dreg:$0x2];
	[bflag:$0x3] =	sbarrier.arrive $0xFFFF;
	s2 =	simm.s32 @!p0 $0x1C03  }
0xde: {  	[timem:s3], [sflag:s2] =	dma.local @!p0 [hbm:s0], s1  }
0xdf: {  	s0 =	simm.s32 @!p0 $0x3  }
0xe0: {  	_ =	swait.ge @!p0 [sflag:s0], s1  }
0xe1: {  	s1 =	ssub.s32 @!p0 $0x0, s1;
	[sflag:s0] =	ssyncset.done @!p0 $0x0  }
0xe2: {  	[sflag:s0] =	ssyncadd.s32 @!p0 s1  }
0xe3: {  	[bflag:$0x3] =	sbarrier.arrive $0xFFFF  }
0xe4: {  	_ =	shalt  }

</sc_bundles>
